<compile_context>
chip_gen: v7x
topology: tpu7x:2x2x1
jax: 0.10.2.dev20260603
libtpu: 0.0.44.dev20260713+nightly
codegen_flags: <defaults>
</compile_context>

<pallas_src>
import jax
import jax.numpy as jnp
from jax.experimental import pallas as pl
from jax.experimental.pallas import tpu as pltpu
from jax.experimental.pallas import tpu_sc as plsc
from jax import lax

NUM_CORES = 2
NUM_SUBCORES = 16
NUM_WORKERS = NUM_CORES * NUM_SUBCORES

CHUNK = 64
NBUF = 10


def kernel(input_ids, embedding):
    batch, seq = input_ids.shape
    vocab, dim = embedding.shape
    num_idx = batch * seq
    per_worker = num_idx // NUM_WORKERS
    n_chunks = per_worker // CHUNK
    n_groups = n_chunks // NBUF
    assert per_worker * NUM_WORKERS == num_idx
    assert n_groups * NBUF == n_chunks

    idx = input_ids.reshape(num_idx).astype(jnp.int32)
    mesh = plsc.VectorSubcoreMesh(core_axis_name="core", subcore_axis_name="subcore")

    @jax.jit
    def gather(table, idx):
        @pl.kernel(
            out_type=jax.ShapeDtypeStruct((num_idx, dim), table.dtype),
            mesh=mesh,
            scratch_types=[
                pltpu.VMEM((per_worker,), jnp.int32),
                pltpu.VMEM((NBUF, CHUNK, dim), table.dtype),
                pltpu.SemaphoreType.DMA,
                pltpu.SemaphoreType.DMA((NBUF,)),
                pltpu.SemaphoreType.DMA((NBUF,)),
            ],
        )
        def gather_kernel(table_hbm, idx_hbm, out_hbm, idx_v, rows, isem, gsem, ssem):
            wid = lax.axis_index("subcore") * NUM_CORES + lax.axis_index("core")
            base = wid * per_worker
            pltpu.async_copy(idx_hbm.at[pl.ds(base, per_worker)], idx_v, isem).wait()

            def fire_gather(c, b):
                return pltpu.async_copy(
                    table_hbm.at[idx_v.at[pl.ds(c * CHUNK, CHUNK)]],
                    rows.at[b],
                    gsem.at[b],
                )

            def fire_store(c, b):
                pltpu.async_copy(
                    rows.at[b],
                    out_hbm.at[pl.ds(base + c * CHUNK, CHUNK)],
                    ssem.at[b],
                )

            def wait_gather(b):
                pltpu.make_async_copy(
                    table_hbm.at[pl.ds(0, CHUNK)], rows.at[b], gsem.at[b]
                ).wait()

            def wait_store(b):
                pltpu.make_async_copy(
                    out_hbm.at[pl.ds(0, CHUNK)], rows.at[b], ssem.at[b]
                ).wait()

            for b in range(NBUF):
                fire_gather(b, b)
            for b in range(NBUF):
                wait_gather(b)
                fire_store(b, b)

            @pl.loop(1, n_groups)
            def group(o):
                c0 = o * NBUF
                for b in range(NBUF):
                    wait_store(b)
                    fire_gather(c0 + b, b)
                for b in range(NBUF):
                    wait_gather(b)
                    fire_store(c0 + b, b)

            for b in range(NBUF):
                pltpu.make_async_copy(
                    out_hbm.at[pl.ds(0, CHUNK)], rows.at[b], ssem.at[b]
                ).wait()

        return gather_kernel(table, idx)

    out = gather(embedding, idx)
    return out.reshape(batch, seq, dim)

# --- scband reference (transcript-rebuilt; emitter-appended) ---
"""Pipeline reference for scband-tiny-backbone-34823594836246 (READ-ONLY COPY).

The authoritative reference and input builder live on the scoring server;
editing this copy changes nothing except your own understanding.
"""

import jax, jax.numpy as jnp
import numpy as np

VOCAB = 100000
DIM = 128
BATCH = 1024
SEQ = 200

def setup_inputs(seed: int = 0) -> dict:
    key = jax.random.key(seed)
    k_idx, k_emb = jax.random.split(key)
    input_ids = jax.random.randint(k_idx, (BATCH, SEQ), 0, VOCAB, dtype=jnp.int64 if jax.config.jax_enable_x64 else jnp.int32)
    embedding = jax.random.normal(k_emb, (VOCAB, DIM), dtype=jnp.float32)
    return {"input_ids": input_ids, "embedding": embedding}

def reference(input_ids, embedding):
    # TinyBackbone.forward: hidden = self.embedding(input_ids)
    hidden = jnp.take(embedding, input_ids, axis=0)
    return hidden

if __name__ == "__main__":
    import jax
    _d = setup_inputs()
    print(jax.jit(kernel)(*tuple(_d.values())))

</pallas_src>

<mosaic_0001>
#map = affine_map<(d0, d1) -> (0, 0)>
#map1 = affine_map<(d0, d1) -> (0)>
module attributes {stable_mosaic.version = 14 : i64} {
  func.func @gather_kernel(%arg0: i32, %arg1: i32, %arg2: memref<100000x128xf32, #tpu.memory_space<hbm>>, %arg3: memref<204800xi32, #tpu.memory_space<hbm>>, %arg4: memref<204800x128xf32, #tpu.memory_space<hbm>>, %arg5: memref<6400xi32, #tpu.memory_space<vmem>>, %arg6: memref<10x64x128xf32, #tpu.memory_space<vmem>>, %arg7: memref<!tpu.dma_semaphore, #tpu.memory_space<semaphore_mem>>, %arg8: memref<10x!tpu.dma_semaphore, #tpu.memory_space<semaphore_mem>>, %arg9: memref<10x!tpu.dma_semaphore, #tpu.memory_space<semaphore_mem>>) attributes {dimension_semantics = [#tpu.dimension_semantics<core_parallel>, #tpu.dimension_semantics<subcore_parallel>], iteration_bounds = array<i64: 2, 16>, scalar_prefetch = 0 : i64, scratch_operands = 5 : i64, tpu.core_type = #tpu.core_type<sc_vector_subcore>, window_params = [{transform_indices = #map}, {transform_indices = #map1}, {transform_indices = #map}]} {
    %mul3A = arith.constant 2 : i32
    %mul3A_0 = arith.muli %arg1, %mul3A : i32
    %add3A = arith.addi %mul3A_0, %arg0 : i32
    %mul3A_1 = arith.constant 6400 : i32
    %mul3A_2 = arith.muli %add3A, %mul3A_1 : i32
    %dma_start3A = tpu.memref_slice %arg3[%mul3A_2] : memref<204800xi32, #tpu.memory_space<hbm>> -> memref<6400xi32, #tpu.memory_space<hbm>>
    %dma_start3A_3 = tpu.memref_slice %arg3[%mul3A_2] : memref<204800xi32, #tpu.memory_space<hbm>> -> memref<6400xi32, #tpu.memory_space<hbm>>
    tpu.enqueue_dma source(%dma_start3A_3 : memref<6400xi32, #tpu.memory_space<hbm>>) target(%arg5 : memref<6400xi32, #tpu.memory_space<vmem>>) target_semaphore(%arg7 : memref<!tpu.dma_semaphore, #tpu.memory_space<semaphore_mem>>)
    %dma_wait3A = tpu.memref_slice %arg3[%mul3A_2] : memref<204800xi32, #tpu.memory_space<hbm>> -> memref<6400xi32, #tpu.memory_space<hbm>>
    %dma_wait3A_4 = tpu.memref_slice %arg3[%mul3A_2] : memref<204800xi32, #tpu.memory_space<hbm>> -> memref<6400xi32, #tpu.memory_space<hbm>>
    tpu.wait_dma2 semaphore(%arg7 : memref<!tpu.dma_semaphore, #tpu.memory_space<semaphore_mem>>) src(%dma_wait3A_4 : memref<6400xi32, #tpu.memory_space<hbm>>) dst(%arg5 : memref<6400xi32, #tpu.memory_space<vmem>>)
    %dma_start3A_5 = arith.constant 0 : i32
    %dma_start3A_6 = arith.constant 0 : i32
    %dma_start3A_7 = arith.constant 0 : i32
    %dma_start3A_8 = arith.constant 0 : i32
    %dma_start3A_9 = tpu.memref_slice %arg6[%dma_start3A_5, %dma_start3A_7, %dma_start3A_8] : memref<10x64x128xf32, #tpu.memory_space<vmem>> -> memref<1x64x128xf32, #tpu.memory_space<vmem>>
    %dma_start3A_10 = tpu.memref_squeeze %dma_start3A_9 : memref<1x64x128xf32, #tpu.memory_space<vmem>> -> memref<64x128xf32, #tpu.memory_space<vmem>>
    %dma_start3A_11 = arith.constant 0 : i32
    %dma_start3A_12 = tpu.memref_slice %arg5[%dma_start3A_11] : memref<6400xi32, #tpu.memory_space<vmem>> -> memref<64xi32, #tpu.memory_space<vmem>>
    %dma_start3A_13 = arith.constant 0 : i32
    %dma_start3A_14 = arith.constant 0 : i32
    %dma_start3A_15 = tpu.memref_slice %arg2[%dma_start3A_13, %dma_start3A_14] : memref<100000x128xf32, #tpu.memory_space<hbm>> -> memref<100000x128xf32, #tpu.memory_space<hbm>>
    %dma_start3A_16 = tpu.memref_slice %arg8[%dma_start3A_6] : memref<10x!tpu.dma_semaphore, #tpu.memory_space<semaphore_mem>> -> memref<1x!tpu.dma_semaphore, #tpu.memory_space<semaphore_mem>>
    %dma_start3A_17 = tpu.memref_squeeze %dma_start3A_16 : memref<1x!tpu.dma_semaphore, #tpu.memory_space<semaphore_mem>> -> memref<!tpu.dma_semaphore, #tpu.memory_space<semaphore_mem>>
    tpu.enqueue_indirect_dma source(%dma_start3A_15 : memref<100000x128xf32, #tpu.memory_space<hbm>>) target(%dma_start3A_10 : memref<64x128xf32, #tpu.memory_space<vmem>>) offsets(%dma_start3A_12 : memref<64xi32, #tpu.memory_space<vmem>>) semaphore(%dma_start3A_17 : memref<!tpu.dma_semaphore, #tpu.memory_space<semaphore_mem>>)
    %dma_start3A_18 = arith.constant 1 : i32
    %dma_start3A_19 = arith.constant 1 : i32
    %dma_start3A_20 = arith.constant 0 : i32
    %dma_start3A_21 = arith.constant 0 : i32
    %dma_start3A_22 = tpu.memref_slice %arg6[%dma_start3A_18, %dma_start3A_20, %dma_start3A_21] : memref<10x64x128xf32, #tpu.memory_space<vmem>> -> memref<1x64x128xf32, #tpu.memory_space<vmem>>
    %dma_start3A_23 = tpu.memref_squeeze %dma_start3A_22 : memref<1x64x128xf32, #tpu.memory_space<vmem>> -> memref<64x128xf32, #tpu.memory_space<vmem>>
    %dma_start3A_24 = arith.constant 64 : i32
    %dma_start3A_25 = tpu.memref_slice %arg5[%dma_start3A_24] : memref<6400xi32, #tpu.memory_space<vmem>> -> memref<64xi32, #tpu.memory_space<vmem>>
    %dma_start3A_26 = arith.constant 0 : i32
    %dma_start3A_27 = arith.constant 0 : i32
    %dma_start3A_28 = tpu.memref_slice %arg2[%dma_start3A_26, %dma_start3A_27] : memref<100000x128xf32, #tpu.memory_space<hbm>> -> memref<100000x128xf32, #tpu.memory_space<hbm>>
    %dma_start3A_29 = tpu.memref_slice %arg8[%dma_start3A_19] : memref<10x!tpu.dma_semaphore, #tpu.memory_space<semaphore_mem>> -> memref<1x!tpu.dma_semaphore, #tpu.memory_space<semaphore_mem>>
    %dma_start3A_30 = tpu.memref_squeeze %dma_start3A_29 : memref<1x!tpu.dma_semaphore, #tpu.memory_space<semaphore_mem>> -> memref<!tpu.dma_semaphore, #tpu.memory_space<semaphore_mem>>
    tpu.enqueue_indirect_dma source(%dma_start3A_28 : memref<100000x128xf32, #tpu.memory_space<hbm>>) target(%dma_start3A_23 : memref<64x128xf32, #tpu.memory_space<vmem>>) offsets(%dma_start3A_25 : memref<64xi32, #tpu.memory_space<vmem>>) semaphore(%dma_start3A_30 : memref<!tpu.dma_semaphore, #tpu.memory_space<semaphore_mem>>)
    %dma_start3A_31 = arith.constant 2 : i32
    %dma_start3A_32 = arith.constant 2 : i32
    %dma_start3A_33 = arith.constant 0 : i32
    %dma_start3A_34 = arith.constant 0 : i32
    %dma_start3A_35 = tpu.memref_slice %arg6[%dma_start3A_31, %dma_start3A_33, %dma_start3A_34] : memref<10x64x128xf32, #tpu.memory_space<vmem>> -> memref<1x64x128xf32, #tpu.memory_space<vmem>>
    %dma_start3A_36 = tpu.memref_squeeze %dma_start3A_35 : memref<1x64x128xf32, #tpu.memory_space<vmem>> -> memref<64x128xf32, #tpu.memory_space<vmem>>
    %dma_start3A_37 = arith.constant 128 : i32
    %dma_start3A_38 = tpu.memref_slice %arg5[%dma_start3A_37] : memref<6400xi32, #tpu.memory_space<vmem>> -> memref<64xi32, #tpu.memory_space<vmem>>
    %dma_start3A_39 = arith.constant 0 : i32
    %dma_start3A_40 = arith.constant 0 : i32
    %dma_start3A_41 = tpu.memref_slice %arg2[%dma_start3A_39, %dma_start3A_40] : memref<100000x128xf32, #tpu.memory_space<hbm>> -> memref<100000x128xf32, #tpu.memory_space<hbm>>
    %dma_start3A_42 = tpu.memref_slice %arg8[%dma_start3A_32] : memref<10x!tpu.dma_semaphore, #tpu.memory_space<semaphore_mem>> -> memref<1x!tpu.dma_semaphore, #tpu.memory_space<semaphore_mem>>
    %dma_start3A_43 = tpu.memref_squeeze %dma_start3A_42 : memref<1x!tpu.dma_semaphore, #tpu.memory_space<semaphore_mem>> -> memref<!tpu.dma_semaphore, #tpu.memory_space<semaphore_mem>>
    tpu.enqueue_indirect_dma source(%dma_start3A_41 : memref<100000x128xf32, #tpu.memory_space<hbm>>) target(%dma_start3A_36 : memref<64x128xf32, #tpu.memory_space<vmem>>) offsets(%dma_start3A_38 : memref<64xi32, #tpu.memory_space<vmem>>) semaphore(%dma_start3A_43 : memref<!tpu.dma_semaphore, #tpu.memory_space<semaphore_mem>>)
    %dma_start3A_44 = arith.constant 3 : i32
    %dma_start3A_45 = arith.constant 3 : i32
    %dma_start3A_46 = arith.constant 0 : i32
    %dma_start3A_47 = arith.constant 0 : i32
    %dma_start3A_48 = tpu.memref_slice %arg6[%dma_start3A_44, %dma_start3A_46, %dma_start3A_47] : memref<10x64x128xf32, #tpu.memory_space<vmem>> -> memref<1x64x128xf32, #tpu.memory_space<vmem>>
    %dma_start3A_49 = tpu.memref_squeeze %dma_start3A_48 : memref<1x64x128xf32, #tpu.memory_space<vmem>> -> memref<64x128xf32, #tpu.memory_space<vmem>>
    %dma_start3A_50 = arith.constant 192 : i32
    %dma_start3A_51 = tpu.memref_slice %arg5[%dma_start3A_50] : memref<6400xi32, #tpu.memory_space<vmem>> -> memref<64xi32, #tpu.memory_space<vmem>>
    %dma_start3A_52 = arith.constant 0 : i32
    %dma_start3A_53 = arith.constant 0 : i32
    %dma_start3A_54 = tpu.memref_slice %arg2[%dma_start3A_52, %dma_start3A_53] : memref<100000x128xf32, #tpu.memory_space<hbm>> -> memref<100000x128xf32, #tpu.memory_space<hbm>>
    %dma_start3A_55 = tpu.memref_slice %arg8[%dma_start3A_45] : memref<10x!tpu.dma_semaphore, #tpu.memory_space<semaphore_mem>> -> memref<1x!tpu.dma_semaphore, #tpu.memory_space<semaphore_mem>>
    %dma_start3A_56 = tpu.memref_squeeze %dma_start3A_55 : memref<1x!tpu.dma_semaphore, #tpu.memory_space<semaphore_mem>> -> memref<!tpu.dma_semaphore, #tpu.memory_space<semaphore_mem>>
    tpu.enqueue_indirect_dma source(%dma_start3A_54 : memref<100000x128xf32, #tpu.memory_space<hbm>>) target(%dma_start3A_49 : memref<64x128xf32, #tpu.memory_space<vmem>>) offsets(%dma_start3A_51 : memref<64xi32, #tpu.memory_space<vmem>>) semaphore(%dma_start3A_56 : memref<!tpu.dma_semaphore, #tpu.memory_space<semaphore_mem>>)
    %dma_start3A_57 = arith.constant 4 : i32
    %dma_start3A_58 = arith.constant 4 : i32
    %dma_start3A_59 = arith.constant 0 : i32
    %dma_start3A_60 = arith.constant 0 : i32
    %dma_start3A_61 = tpu.memref_slice %arg6[%dma_start3A_57, %dma_start3A_59, %dma_start3A_60] : memref<10x64x128xf32, #tpu.memory_space<vmem>> -> memref<1x64x128xf32, #tpu.memory_space<vmem>>
    %dma_start3A_62 = tpu.memref_squeeze %dma_start3A_61 : memref<1x64x128xf32, #tpu.memory_space<vmem>> -> memref<64x128xf32, #tpu.memory_space<vmem>>
    %dma_start3A_63 = arith.constant 256 : i32
    %dma_start3A_64 = tpu.memref_slice %arg5[%dma_start3A_63] : memref<6400xi32, #tpu.memory_space<vmem>> -> memref<64xi32, #tpu.memory_space<vmem>>
    %dma_start3A_65 = arith.constant 0 : i32
    %dma_start3A_66 = arith.constant 0 : i32
    %dma_start3A_67 = tpu.memref_slice %arg2[%dma_start3A_65, %dma_start3A_66] : memref<100000x128xf32, #tpu.memory_space<hbm>> -> memref<100000x128xf32, #tpu.memory_space<hbm>>
    %dma_start3A_68 = tpu.memref_slice %arg8[%dma_start3A_58] : memref<10x!tpu.dma_semaphore, #tpu.memory_space<semaphore_mem>> -> memref<1x!tpu.dma_semaphore, #tpu.memory_space<semaphore_mem>>
    %dma_start3A_69 = tpu.memref_squeeze %dma_start3A_68 : memref<1x!tpu.dma_semaphore, #tpu.memory_space<semaphore_mem>> -> memref<!tpu.dma_semaphore, #tpu.memory_space<semaphore_mem>>
    tpu.enqueue_indirect_dma source(%dma_start3A_67 : memref<100000x128xf32, #tpu.memory_space<hbm>>) target(%dma_start3A_62 : memref<64x128xf32, #tpu.memory_space<vmem>>) offsets(%dma_start3A_64 : memref<64xi32, #tpu.memory_space<vmem>>) semaphore(%dma_start3A_69 : memref<!tpu.dma_semaphore, #tpu.memory_space<semaphore_mem>>)
    %dma_start3A_70 = arith.constant 5 : i32
    %dma_start3A_71 = arith.constant 5 : i32
    %dma_start3A_72 = arith.constant 0 : i32
    %dma_start3A_73 = arith.constant 0 : i32
    %dma_start3A_74 = tpu.memref_slice %arg6[%dma_start3A_70, %dma_start3A_72, %dma_start3A_73] : memref<10x64x128xf32, #tpu.memory_space<vmem>> -> memref<1x64x128xf32, #tpu.memory_space<vmem>>
    %dma_start3A_75 = tpu.memref_squeeze %dma_start3A_74 : memref<1x64x128xf32, #tpu.memory_space<vmem>> -> memref<64x128xf32, #tpu.memory_space<vmem>>
    %dma_start3A_76 = arith.constant 320 : i32
    %dma_start3A_77 = tpu.memref_slice %arg5[%dma_start3A_76] : memref<6400xi32, #tpu.memory_space<vmem>> -> memref<64xi32, #tpu.memory_space<vmem>>
    %dma_start3A_78 = arith.constant 0 : i32
    %dma_start3A_79 = arith.constant 0 : i32
    %dma_start3A_80 = tpu.memref_slice %arg2[%dma_start3A_78, %dma_start3A_79] : memref<100000x128xf32, #tpu.memory_space<hbm>> -> memref<100000x128xf32, #tpu.memory_space<hbm>>
    %dma_start3A_81 = tpu.memref_slice %arg8[%dma_start3A_71] : memref<10x!tpu.dma_semaphore, #tpu.memory_space<semaphore_mem>> -> memref<1x!tpu.dma_semaphore, #tpu.memory_space<semaphore_mem>>
    %dma_start3A_82 = tpu.memref_squeeze %dma_start3A_81 : memref<1x!tpu.dma_semaphore, #tpu.memory_space<semaphore_mem>> -> memref<!tpu.dma_semaphore, #tpu.memory_space<semaphore_mem>>
    tpu.enqueue_indirect_dma source(%dma_start3A_80 : memref<100000x128xf32, #tpu.memory_space<hbm>>) target(%dma_start3A_75 : memref<64x128xf32, #tpu.memory_space<vmem>>) offsets(%dma_start3A_77 : memref<64xi32, #tpu.memory_space<vmem>>) semaphore(%dma_start3A_82 : memref<!tpu.dma_semaphore, #tpu.memory_space<semaphore_mem>>)
    %dma_start3A_83 = arith.constant 6 : i32
    %dma_start3A_84 = arith.constant 6 : i32
    %dma_start3A_85 = arith.constant 0 : i32
    %dma_start3A_86 = arith.constant 0 : i32
    %dma_start3A_87 = tpu.memref_slice %arg6[%dma_start3A_83, %dma_start3A_85, %dma_start3A_86] : memref<10x64x128xf32, #tpu.memory_space<vmem>> -> memref<1x64x128xf32, #tpu.memory_space<vmem>>
    %dma_start3A_88 = tpu.memref_squeeze %dma_start3A_87 : memref<1x64x128xf32, #tpu.memory_space<vmem>> -> memref<64x128xf32, #tpu.memory_space<vmem>>
    %dma_start3A_89 = arith.constant 384 : i32
    %dma_start3A_90 = tpu.memref_slice %arg5[%dma_start3A_89] : memref<6400xi32, #tpu.memory_space<vmem>> -> memref<64xi32, #tpu.memory_space<vmem>>
    %dma_start3A_91 = arith.constant 0 : i32
    %dma_start3A_92 = arith.constant 0 : i32
    %dma_start3A_93 = tpu.memref_slice %arg2[%dma_start3A_91, %dma_start3A_92] : memref<100000x128xf32, #tpu.memory_space<hbm>> -> memref<100000x128xf32, #tpu.memory_space<hbm>>
    %dma_start3A_94 = tpu.memref_slice %arg8[%dma_start3A_84] : memref<10x!tpu.dma_semaphore, #tpu.memory_space<semaphore_mem>> -> memref<1x!tpu.dma_semaphore, #tpu.memory_space<semaphore_mem>>
    %dma_start3A_95 = tpu.memref_squeeze %dma_start3A_94 : memref<1x!tpu.dma_semaphore, #tpu.memory_space<semaphore_mem>> -> memref<!tpu.dma_semaphore, #tpu.memory_space<semaphore_mem>>
    tpu.enqueue_indirect_dma source(%dma_start3A_93 : memref<100000x128xf32, #tpu.memory_space<hbm>>) target(%dma_start3A_88 : memref<64x128xf32, #tpu.memory_space<vmem>>) offsets(%dma_start3A_90 : memref<64xi32, #tpu.memory_space<vmem>>) semaphore(%dma_start3A_95 : memref<!tpu.dma_semaphore, #tpu.memory_space<semaphore_mem>>)
    %dma_start3A_96 = arith.constant 7 : i32
    %dma_start3A_97 = arith.constant 7 : i32
    %dma_start3A_98 = arith.constant 0 : i32
    %dma_start3A_99 = arith.constant 0 : i32
    %dma_start3A_100 = tpu.memref_slice %arg6[%dma_start3A_96, %dma_start3A_98, %dma_start3A_99] : memref<10x64x128xf32, #tpu.memory_space<vmem>> -> memref<1x64x128xf32, #tpu.memory_space<vmem>>
    %dma_start3A_101 = tpu.memref_squeeze %dma_start3A_100 : memref<1x64x128xf32, #tpu.memory_space<vmem>> -> memref<64x128xf32, #tpu.memory_space<vmem>>
    %dma_start3A_102 = arith.constant 448 : i32
    %dma_start3A_103 = tpu.memref_slice %arg5[%dma_start3A_102] : memref<6400xi32, #tpu.memory_space<vmem>> -> memref<64xi32, #tpu.memory_space<vmem>>
    %dma_start3A_104 = arith.constant 0 : i32
    %dma_start3A_105 = arith.constant 0 : i32
    %dma_start3A_106 = tpu.memref_slice %arg2[%dma_start3A_104, %dma_start3A_105] : memref<100000x128xf32, #tpu.memory_space<hbm>> -> memref<100000x128xf32, #tpu.memory_space<hbm>>
    %dma_start3A_107 = tpu.memref_slice %arg8[%dma_start3A_97] : memref<10x!tpu.dma_semaphore, #tpu.memory_space<semaphore_mem>> -> memref<1x!tpu.dma_semaphore, #tpu.memory_space<semaphore_mem>>
    %dma_start3A_108 = tpu.memref_squeeze %dma_start3A_107 : memref<1x!tpu.dma_semaphore, #tpu.memory_space<semaphore_mem>> -> memref<!tpu.dma_semaphore, #tpu.memory_space<semaphore_mem>>
    tpu.enqueue_indirect_dma source(%dma_start3A_106 : memref<100000x128xf32, #tpu.memory_space<hbm>>) target(%dma_start3A_101 : memref<64x128xf32, #tpu.memory_space<vmem>>) offsets(%dma_start3A_103 : memref<64xi32, #tpu.memory_space<vmem>>) semaphore(%dma_start3A_108 : memref<!tpu.dma_semaphore, #tpu.memory_space<semaphore_mem>>)
    %dma_start3A_109 = arith.constant 8 : i32
    %dma_start3A_110 = arith.constant 8 : i32
    %dma_start3A_111 = arith.constant 0 : i32
    %dma_start3A_112 = arith.constant 0 : i32
    %dma_start3A_113 = tpu.memref_slice %arg6[%dma_start3A_109, %dma_start3A_111, %dma_start3A_112] : memref<10x64x128xf32, #tpu.memory_space<vmem>> -> memref<1x64x128xf32, #tpu.memory_space<vmem>>
    %dma_start3A_114 = tpu.memref_squeeze %dma_start3A_113 : memref<1x64x128xf32, #tpu.memory_space<vmem>> -> memref<64x128xf32, #tpu.memory_space<vmem>>
    %dma_start3A_115 = arith.constant 512 : i32
    %dma_start3A_116 = tpu.memref_slice %arg5[%dma_start3A_115] : memref<6400xi32, #tpu.memory_space<vmem>> -> memref<64xi32, #tpu.memory_space<vmem>>
    %dma_start3A_117 = arith.constant 0 : i32
    %dma_start3A_118 = arith.constant 0 : i32
    %dma_start3A_119 = tpu.memref_slice %arg2[%dma_start3A_117, %dma_start3A_118] : memref<100000x128xf32, #tpu.memory_space<hbm>> -> memref<100000x128xf32, #tpu.memory_space<hbm>>
    %dma_start3A_120 = tpu.memref_slice %arg8[%dma_start3A_110] : memref<10x!tpu.dma_semaphore, #tpu.memory_space<semaphore_mem>> -> memref<1x!tpu.dma_semaphore, #tpu.memory_space<semaphore_mem>>
    %dma_start3A_121 = tpu.memref_squeeze %dma_start3A_120 : memref<1x!tpu.dma_semaphore, #tpu.memory_space<semaphore_mem>> -> memref<!tpu.dma_semaphore, #tpu.memory_space<semaphore_mem>>
    tpu.enqueue_indirect_dma source(%dma_start3A_119 : memref<100000x128xf32, #tpu.memory_space<hbm>>) target(%dma_start3A_114 : memref<64x128xf32, #tpu.memory_space<vmem>>) offsets(%dma_start3A_116 : memref<64xi32, #tpu.memory_space<vmem>>) semaphore(%dma_start3A_121 : memref<!tpu.dma_semaphore, #tpu.memory_space<semaphore_mem>>)
    %dma_start3A_122 = arith.constant 9 : i32
    %dma_start3A_123 = arith.constant 9 : i32
    %dma_start3A_124 = arith.constant 0 : i32
    %dma_start3A_125 = arith.constant 0 : i32
    %dma_start3A_126 = tpu.memref_slice %arg6[%dma_start3A_122, %dma_start3A_124, %dma_start3A_125] : memref<10x64x128xf32, #tpu.memory_space<vmem>> -> memref<1x64x128xf32, #tpu.memory_space<vmem>>
    %dma_start3A_127 = tpu.memref_squeeze %dma_start3A_126 : memref<1x64x128xf32, #tpu.memory_space<vmem>> -> memref<64x128xf32, #tpu.memory_space<vmem>>
    %dma_start3A_128 = arith.constant 576 : i32
    %dma_start3A_129 = tpu.memref_slice %arg5[%dma_start3A_128] : memref<6400xi32, #tpu.memory_space<vmem>> -> memref<64xi32, #tpu.memory_space<vmem>>
    %dma_start3A_130 = arith.constant 0 : i32
    %dma_start3A_131 = arith.constant 0 : i32
    %dma_start3A_132 = tpu.memref_slice %arg2[%dma_start3A_130, %dma_start3A_131] : memref<100000x128xf32, #tpu.memory_space<hbm>> -> memref<100000x128xf32, #tpu.memory_space<hbm>>
    %dma_start3A_133 = tpu.memref_slice %arg8[%dma_start3A_123] : memref<10x!tpu.dma_semaphore, #tpu.memory_space<semaphore_mem>> -> memref<1x!tpu.dma_semaphore, #tpu.memory_space<semaphore_mem>>
    %dma_start3A_134 = tpu.memref_squeeze %dma_start3A_133 : memref<1x!tpu.dma_semaphore, #tpu.memory_space<semaphore_mem>> -> memref<!tpu.dma_semaphore, #tpu.memory_space<semaphore_mem>>
    tpu.enqueue_indirect_dma source(%dma_start3A_132 : memref<100000x128xf32, #tpu.memory_space<hbm>>) target(%dma_start3A_127 : memref<64x128xf32, #tpu.memory_space<vmem>>) offsets(%dma_start3A_129 : memref<64xi32, #tpu.memory_space<vmem>>) semaphore(%dma_start3A_134 : memref<!tpu.dma_semaphore, #tpu.memory_space<semaphore_mem>>)
    %dma_wait3A_135 = arith.constant 0 : i32
    %dma_wait3A_136 = arith.constant 0 : i32
    %dma_wait3A_137 = arith.constant 0 : i32
    %dma_wait3A_138 = arith.constant 0 : i32
    %dma_wait3A_139 = tpu.memref_slice %arg6[%dma_wait3A_135, %dma_wait3A_137, %dma_wait3A_138] : memref<10x64x128xf32, #tpu.memory_space<vmem>> -> memref<1x64x128xf32, #tpu.memory_space<vmem>>
    %dma_wait3A_140 = tpu.memref_squeeze %dma_wait3A_139 : memref<1x64x128xf32, #tpu.memory_space<vmem>> -> memref<64x128xf32, #tpu.memory_space<vmem>>
    %dma_wait3A_141 = arith.constant 0 : i32
    %dma_wait3A_142 = arith.constant 0 : i32
    %dma_wait3A_143 = tpu.memref_slice %arg2[%dma_wait3A_141, %dma_wait3A_142] : memref<100000x128xf32, #tpu.memory_space<hbm>> -> memref<64x128xf32, #tpu.memory_space<hbm>>
    %dma_wait3A_144 = tpu.memref_slice %arg8[%dma_wait3A_136] : memref<10x!tpu.dma_semaphore, #tpu.memory_space<semaphore_mem>> -> memref<1x!tpu.dma_semaphore, #tpu.memory_space<semaphore_mem>>
    %dma_wait3A_145 = tpu.memref_squeeze %dma_wait3A_144 : memref<1x!tpu.dma_semaphore, #tpu.memory_space<semaphore_mem>> -> memref<!tpu.dma_semaphore, #tpu.memory_space<semaphore_mem>>
    %dma_wait3A_146 = arith.constant 0 : i32
    %dma_wait3A_147 = arith.constant 0 : i32
    %dma_wait3A_148 = tpu.memref_slice %arg6[%dma_wait3A_135, %dma_wait3A_146, %dma_wait3A_147] : memref<10x64x128xf32, #tpu.memory_space<vmem>> -> memref<1x64x128xf32, #tpu.memory_space<vmem>>
    %dma_wait3A_149 = tpu.memref_squeeze %dma_wait3A_148 : memref<1x64x128xf32, #tpu.memory_space<vmem>> -> memref<64x128xf32, #tpu.memory_space<vmem>>
    %dma_wait3A_150 = arith.constant 0 : i32
    %dma_wait3A_151 = arith.constant 0 : i32
    %dma_wait3A_152 = tpu.memref_slice %arg2[%dma_wait3A_150, %dma_wait3A_151] : memref<100000x128xf32, #tpu.memory_space<hbm>> -> memref<64x128xf32, #tpu.memory_space<hbm>>
    tpu.wait_dma2 semaphore(%dma_wait3A_145 : memref<!tpu.dma_semaphore, #tpu.memory_space<semaphore_mem>>) src(%dma_wait3A_152 : memref<64x128xf32, #tpu.memory_space<hbm>>) dst(%dma_wait3A_149 : memref<64x128xf32, #tpu.memory_space<vmem>>)
    %add3A_153 = arith.constant 0 : i32
    %add3A_154 = arith.addi %mul3A_2, %add3A_153 : i32
    %dma_start3A_155 = arith.constant 0 : i32
    %dma_start3A_156 = arith.constant 0 : i32
    %dma_start3A_157 = arith.constant 0 : i32
    %dma_start3A_158 = arith.constant 0 : i32
    %dma_start3A_159 = tpu.memref_slice %arg6[%dma_start3A_155, %dma_start3A_157, %dma_start3A_158] : memref<10x64x128xf32, #tpu.memory_space<vmem>> -> memref<1x64x128xf32, #tpu.memory_space<vmem>>
    %dma_start3A_160 = tpu.memref_squeeze %dma_start3A_159 : memref<1x64x128xf32, #tpu.memory_space<vmem>> -> memref<64x128xf32, #tpu.memory_space<vmem>>
    %dma_start3A_161 = arith.constant 0 : i32
    %dma_start3A_162 = tpu.memref_slice %arg4[%add3A_154, %dma_start3A_161] : memref<204800x128xf32, #tpu.memory_space<hbm>> -> memref<64x128xf32, #tpu.memory_space<hbm>>
    %dma_start3A_163 = tpu.memref_slice %arg9[%dma_start3A_156] : memref<10x!tpu.dma_semaphore, #tpu.memory_space<semaphore_mem>> -> memref<1x!tpu.dma_semaphore, #tpu.memory_space<semaphore_mem>>
    %dma_start3A_164 = tpu.memref_squeeze %dma_start3A_163 : memref<1x!tpu.dma_semaphore, #tpu.memory_space<semaphore_mem>> -> memref<!tpu.dma_semaphore, #tpu.memory_space<semaphore_mem>>
    %dma_start3A_165 = arith.constant 0 : i32
    %dma_start3A_166 = tpu.memref_slice %arg4[%add3A_154, %dma_start3A_165] : memref<204800x128xf32, #tpu.memory_space<hbm>> -> memref<64x128xf32, #tpu.memory_space<hbm>>
    %dma_start3A_167 = arith.constant 0 : i32
    %dma_start3A_168 = arith.constant 0 : i32
    %dma_start3A_169 = tpu.memref_slice %arg6[%dma_start3A_155, %dma_start3A_167, %dma_start3A_168] : memref<10x64x128xf32, #tpu.memory_space<vmem>> -> memref<1x64x128xf32, #tpu.memory_space<vmem>>
    %dma_start3A_170 = tpu.memref_squeeze %dma_start3A_169 : memref<1x64x128xf32, #tpu.memory_space<vmem>> -> memref<64x128xf32, #tpu.memory_space<vmem>>
    tpu.enqueue_dma source(%dma_start3A_170 : memref<64x128xf32, #tpu.memory_space<vmem>>) target(%dma_start3A_166 : memref<64x128xf32, #tpu.memory_space<hbm>>) target_semaphore(%dma_start3A_164 : memref<!tpu.dma_semaphore, #tpu.memory_space<semaphore_mem>>)
    %dma_wait3A_171 = arith.constant 1 : i32
    %dma_wait3A_172 = arith.constant 1 : i32
    %dma_wait3A_173 = arith.constant 0 : i32
    %dma_wait3A_174 = arith.constant 0 : i32
    %dma_wait3A_175 = tpu.memref_slice %arg6[%dma_wait3A_171, %dma_wait3A_173, %dma_wait3A_174] : memref<10x64x128xf32, #tpu.memory_space<vmem>> -> memref<1x64x128xf32, #tpu.memory_space<vmem>>
    %dma_wait3A_176 = tpu.memref_squeeze %dma_wait3A_175 : memref<1x64x128xf32, #tpu.memory_space<vmem>> -> memref<64x128xf32, #tpu.memory_space<vmem>>
    %dma_wait3A_177 = arith.constant 0 : i32
    %dma_wait3A_178 = arith.constant 0 : i32
    %dma_wait3A_179 = tpu.memref_slice %arg2[%dma_wait3A_177, %dma_wait3A_178] : memref<100000x128xf32, #tpu.memory_space<hbm>> -> memref<64x128xf32, #tpu.memory_space<hbm>>
    %dma_wait3A_180 = tpu.memref_slice %arg8[%dma_wait3A_172] : memref<10x!tpu.dma_semaphore, #tpu.memory_space<semaphore_mem>> -> memref<1x!tpu.dma_semaphore, #tpu.memory_space<semaphore_mem>>
    %dma_wait3A_181 = tpu.memref_squeeze %dma_wait3A_180 : memref<1x!tpu.dma_semaphore, #tpu.memory_space<semaphore_mem>> -> memref<!tpu.dma_semaphore, #tpu.memory_space<semaphore_mem>>
    %dma_wait3A_182 = arith.constant 0 : i32
    %dma_wait3A_183 = arith.constant 0 : i32
    %dma_wait3A_184 = tpu.memref_slice %arg6[%dma_wait3A_171, %dma_wait3A_182, %dma_wait3A_183] : memref<10x64x128xf32, #tpu.memory_space<vmem>> -> memref<1x64x128xf32, #tpu.memory_space<vmem>>
    %dma_wait3A_185 = tpu.memref_squeeze %dma_wait3A_184 : memref<1x64x128xf32, #tpu.memory_space<vmem>> -> memref<64x128xf32, #tpu.memory_space<vmem>>
    %dma_wait3A_186 = arith.constant 0 : i32
    %dma_wait3A_187 = arith.constant 0 : i32
    %dma_wait3A_188 = tpu.memref_slice %arg2[%dma_wait3A_186, %dma_wait3A_187] : memref<100000x128xf32, #tpu.memory_space<hbm>> -> memref<64x128xf32, #tpu.memory_space<hbm>>
    tpu.wait_dma2 semaphore(%dma_wait3A_181 : memref<!tpu.dma_semaphore, #tpu.memory_space<semaphore_mem>>) src(%dma_wait3A_188 : memref<64x128xf32, #tpu.memory_space<hbm>>) dst(%dma_wait3A_185 : memref<64x128xf32, #tpu.memory_space<vmem>>)
    %add3A_189 = arith.constant 64 : i32
    %add3A_190 = arith.addi %mul3A_2, %add3A_189 : i32
    %dma_start3A_191 = arith.constant 1 : i32
    %dma_start3A_192 = arith.constant 1 : i32
    %dma_start3A_193 = arith.constant 0 : i32
    %dma_start3A_194 = arith.constant 0 : i32
    %dma_start3A_195 = tpu.memref_slice %arg6[%dma_start3A_191, %dma_start3A_193, %dma_start3A_194] : memref<10x64x128xf32, #tpu.memory_space<vmem>> -> memref<1x64x128xf32, #tpu.memory_space<vmem>>
    %dma_start3A_196 = tpu.memref_squeeze %dma_start3A_195 : memref<1x64x128xf32, #tpu.memory_space<vmem>> -> memref<64x128xf32, #tpu.memory_space<vmem>>
    %dma_start3A_197 = arith.constant 0 : i32
    %dma_start3A_198 = tpu.memref_slice %arg4[%add3A_190, %dma_start3A_197] : memref<204800x128xf32, #tpu.memory_space<hbm>> -> memref<64x128xf32, #tpu.memory_space<hbm>>
    %dma_start3A_199 = tpu.memref_slice %arg9[%dma_start3A_192] : memref<10x!tpu.dma_semaphore, #tpu.memory_space<semaphore_mem>> -> memref<1x!tpu.dma_semaphore, #tpu.memory_space<semaphore_mem>>
    %dma_start3A_200 = tpu.memref_squeeze %dma_start3A_199 : memref<1x!tpu.dma_semaphore, #tpu.memory_space<semaphore_mem>> -> memref<!tpu.dma_semaphore, #tpu.memory_space<semaphore_mem>>
    %dma_start3A_201 = arith.constant 0 : i32
    %dma_start3A_202 = tpu.memref_slice %arg4[%add3A_190, %dma_start3A_201] : memref<204800x128xf32, #tpu.memory_space<hbm>> -> memref<64x128xf32, #tpu.memory_space<hbm>>
    %dma_start3A_203 = arith.constant 0 : i32
    %dma_start3A_204 = arith.constant 0 : i32
    %dma_start3A_205 = tpu.memref_slice %arg6[%dma_start3A_191, %dma_start3A_203, %dma_start3A_204] : memref<10x64x128xf32, #tpu.memory_space<vmem>> -> memref<1x64x128xf32, #tpu.memory_space<vmem>>
    %dma_start3A_206 = tpu.memref_squeeze %dma_start3A_205 : memref<1x64x128xf32, #tpu.memory_space<vmem>> -> memref<64x128xf32, #tpu.memory_space<vmem>>
    tpu.enqueue_dma source(%dma_start3A_206 : memref<64x128xf32, #tpu.memory_space<vmem>>) target(%dma_start3A_202 : memref<64x128xf32, #tpu.memory_space<hbm>>) target_semaphore(%dma_start3A_200 : memref<!tpu.dma_semaphore, #tpu.memory_space<semaphore_mem>>)
    %dma_wait3A_207 = arith.constant 2 : i32
    %dma_wait3A_208 = arith.constant 2 : i32
    %dma_wait3A_209 = arith.constant 0 : i32
    %dma_wait3A_210 = arith.constant 0 : i32
    %dma_wait3A_211 = tpu.memref_slice %arg6[%dma_wait3A_207, %dma_wait3A_209, %dma_wait3A_210] : memref<10x64x128xf32, #tpu.memory_space<vmem>> -> memref<1x64x128xf32, #tpu.memory_space<vmem>>
    %dma_wait3A_212 = tpu.memref_squeeze %dma_wait3A_211 : memref<1x64x128xf32, #tpu.memory_space<vmem>> -> memref<64x128xf32, #tpu.memory_space<vmem>>
    %dma_wait3A_213 = arith.constant 0 : i32
    %dma_wait3A_214 = arith.constant 0 : i32
    %dma_wait3A_215 = tpu.memref_slice %arg2[%dma_wait3A_213, %dma_wait3A_214] : memref<100000x128xf32, #tpu.memory_space<hbm>> -> memref<64x128xf32, #tpu.memory_space<hbm>>
    %dma_wait3A_216 = tpu.memref_slice %arg8[%dma_wait3A_208] : memref<10x!tpu.dma_semaphore, #tpu.memory_space<semaphore_mem>> -> memref<1x!tpu.dma_semaphore, #tpu.memory_space<semaphore_mem>>
    %dma_wait3A_217 = tpu.memref_squeeze %dma_wait3A_216 : memref<1x!tpu.dma_semaphore, #tpu.memory_space<semaphore_mem>> -> memref<!tpu.dma_semaphore, #tpu.memory_space<semaphore_mem>>
    %dma_wait3A_218 = arith.constant 0 : i32
    %dma_wait3A_219 = arith.constant 0 : i32
    %dma_wait3A_220 = tpu.memref_slice %arg6[%dma_wait3A_207, %dma_wait3A_218, %dma_wait3A_219] : memref<10x64x128xf32, #tpu.memory_space<vmem>> -> memref<1x64x128xf32, #tpu.memory_space<vmem>>
    %dma_wait3A_221 = tpu.memref_squeeze %dma_wait3A_220 : memref<1x64x128xf32, #tpu.memory_space<vmem>> -> memref<64x128xf32, #tpu.memory_space<vmem>>
    %dma_wait3A_222 = arith.constant 0 : i32
    %dma_wait3A_223 = arith.constant 0 : i32
    %dma_wait3A_224 = tpu.memref_slice %arg2[%dma_wait3A_222, %dma_wait3A_223] : memref<100000x128xf32, #tpu.memory_space<hbm>> -> memref<64x128xf32, #tpu.memory_space<hbm>>
    tpu.wait_dma2 semaphore(%dma_wait3A_217 : memref<!tpu.dma_semaphore, #tpu.memory_space<semaphore_mem>>) src(%dma_wait3A_224 : memref<64x128xf32, #tpu.memory_space<hbm>>) dst(%dma_wait3A_221 : memref<64x128xf32, #tpu.memory_space<vmem>>)
    %add3A_225 = arith.constant 128 : i32
    %add3A_226 = arith.addi %mul3A_2, %add3A_225 : i32
    %dma_start3A_227 = arith.constant 2 : i32
    %dma_start3A_228 = arith.constant 2 : i32
    %dma_start3A_229 = arith.constant 0 : i32
    %dma_start3A_230 = arith.constant 0 : i32
    %dma_start3A_231 = tpu.memref_slice %arg6[%dma_start3A_227, %dma_start3A_229, %dma_start3A_230] : memref<10x64x128xf32, #tpu.memory_space<vmem>> -> memref<1x64x128xf32, #tpu.memory_space<vmem>>
    %dma_start3A_232 = tpu.memref_squeeze %dma_start3A_231 : memref<1x64x128xf32, #tpu.memory_space<vmem>> -> memref<64x128xf32, #tpu.memory_space<vmem>>
    %dma_start3A_233 = arith.constant 0 : i32
    %dma_start3A_234 = tpu.memref_slice %arg4[%add3A_226, %dma_start3A_233] : memref<204800x128xf32, #tpu.memory_space<hbm>> -> memref<64x128xf32, #tpu.memory_space<hbm>>
    %dma_start3A_235 = tpu.memref_slice %arg9[%dma_start3A_228] : memref<10x!tpu.dma_semaphore, #tpu.memory_space<semaphore_mem>> -> memref<1x!tpu.dma_semaphore, #tpu.memory_space<semaphore_mem>>
    %dma_start3A_236 = tpu.memref_squeeze %dma_start3A_235 : memref<1x!tpu.dma_semaphore, #tpu.memory_space<semaphore_mem>> -> memref<!tpu.dma_semaphore, #tpu.memory_space<semaphore_mem>>
    %dma_start3A_237 = arith.constant 0 : i32
    %dma_start3A_238 = tpu.memref_slice %arg4[%add3A_226, %dma_start3A_237] : memref<204800x128xf32, #tpu.memory_space<hbm>> -> memref<64x128xf32, #tpu.memory_space<hbm>>
    %dma_start3A_239 = arith.constant 0 : i32
    %dma_start3A_240 = arith.constant 0 : i32
    %dma_start3A_241 = tpu.memref_slice %arg6[%dma_start3A_227, %dma_start3A_239, %dma_start3A_240] : memref<10x64x128xf32, #tpu.memory_space<vmem>> -> memref<1x64x128xf32, #tpu.memory_space<vmem>>
    %dma_start3A_242 = tpu.memref_squeeze %dma_start3A_241 : memref<1x64x128xf32, #tpu.memory_space<vmem>> -> memref<64x128xf32, #tpu.memory_space<vmem>>
    tpu.enqueue_dma source(%dma_start3A_242 : memref<64x128xf32, #tpu.memory_space<vmem>>) target(%dma_start3A_238 : memref<64x128xf32, #tpu.memory_space<hbm>>) target_semaphore(%dma_start3A_236 : memref<!tpu.dma_semaphore, #tpu.memory_space<semaphore_mem>>)
    %dma_wait3A_243 = arith.constant 3 : i32
    %dma_wait3A_244 = arith.constant 3 : i32
    %dma_wait3A_245 = arith.constant 0 : i32
    %dma_wait3A_246 = arith.constant 0 : i32
    %dma_wait3A_247 = tpu.memref_slice %arg6[%dma_wait3A_243, %dma_wait3A_245, %dma_wait3A_246] : memref<10x64x128xf32, #tpu.memory_space<vmem>> -> memref<1x64x128xf32, #tpu.memory_space<vmem>>
    %dma_wait3A_248 = tpu.memref_squeeze %dma_wait3A_247 : memref<1x64x128xf32, #tpu.memory_space<vmem>> -> memref<64x128xf32, #tpu.memory_space<vmem>>
    %dma_wait3A_249 = arith.constant 0 : i32
    %dma_wait3A_250 = arith.constant 0 : i32
    %dma_wait3A_251 = tpu.memref_slice %arg2[%dma_wait3A_249, %dma_wait3A_250] : memref<100000x128xf32, #tpu.memory_space<hbm>> -> memref<64x128xf32, #tpu.memory_space<hbm>>
    %dma_wait3A_252 = tpu.memref_slice %arg8[%dma_wait3A_244] : memref<10x!tpu.dma_semaphore, #tpu.memory_space<semaphore_mem>> -> memref<1x!tpu.dma_semaphore, #tpu.memory_space<semaphore_mem>>
    %dma_wait3A_253 = tpu.memref_squeeze %dma_wait3A_252 : memref<1x!tpu.dma_semaphore, #tpu.memory_space<semaphore_mem>> -> memref<!tpu.dma_semaphore, #tpu.memory_space<semaphore_mem>>
    %dma_wait3A_254 = arith.constant 0 : i32
    %dma_wait3A_255 = arith.constant 0 : i32
    %dma_wait3A_256 = tpu.memref_slice %arg6[%dma_wait3A_243, %dma_wait3A_254, %dma_wait3A_255] : memref<10x64x128xf32, #tpu.memory_space<vmem>> -> memref<1x64x128xf32, #tpu.memory_space<vmem>>
    %dma_wait3A_257 = tpu.memref_squeeze %dma_wait3A_256 : memref<1x64x128xf32, #tpu.memory_space<vmem>> -> memref<64x128xf32, #tpu.memory_space<vmem>>
    %dma_wait3A_258 = arith.constant 0 : i32
    %dma_wait3A_259 = arith.constant 0 : i32
    %dma_wait3A_260 = tpu.memref_slice %arg2[%dma_wait3A_258, %dma_wait3A_259] : memref<100000x128xf32, #tpu.memory_space<hbm>> -> memref<64x128xf32, #tpu.memory_space<hbm>>
    tpu.wait_dma2 semaphore(%dma_wait3A_253 : memref<!tpu.dma_semaphore, #tpu.memory_space<semaphore_mem>>) src(%dma_wait3A_260 : memref<64x128xf32, #tpu.memory_space<hbm>>) dst(%dma_wait3A_257 : memref<64x128xf32, #tpu.memory_space<vmem>>)
    %add3A_261 = arith.constant 192 : i32
    %add3A_262 = arith.addi %mul3A_2, %add3A_261 : i32
    %dma_start3A_263 = arith.constant 3 : i32
    %dma_start3A_264 = arith.constant 3 : i32
    %dma_start3A_265 = arith.constant 0 : i32
    %dma_start3A_266 = arith.constant 0 : i32
    %dma_start3A_267 = tpu.memref_slice %arg6[%dma_start3A_263, %dma_start3A_265, %dma_start3A_266] : memref<10x64x128xf32, #tpu.memory_space<vmem>> -> memref<1x64x128xf32, #tpu.memory_space<vmem>>
    %dma_start3A_268 = tpu.memref_squeeze %dma_start3A_267 : memref<1x64x128xf32, #tpu.memory_space<vmem>> -> memref<64x128xf32, #tpu.memory_space<vmem>>
    %dma_start3A_269 = arith.constant 0 : i32
    %dma_start3A_270 = tpu.memref_slice %arg4[%add3A_262, %dma_start3A_269] : memref<204800x128xf32, #tpu.memory_space<hbm>> -> memref<64x128xf32, #tpu.memory_space<hbm>>
    %dma_start3A_271 = tpu.memref_slice %arg9[%dma_start3A_264] : memref<10x!tpu.dma_semaphore, #tpu.memory_space<semaphore_mem>> -> memref<1x!tpu.dma_semaphore, #tpu.memory_space<semaphore_mem>>
    %dma_start3A_272 = tpu.memref_squeeze %dma_start3A_271 : memref<1x!tpu.dma_semaphore, #tpu.memory_space<semaphore_mem>> -> memref<!tpu.dma_semaphore, #tpu.memory_space<semaphore_mem>>
    %dma_start3A_273 = arith.constant 0 : i32
    %dma_start3A_274 = tpu.memref_slice %arg4[%add3A_262, %dma_start3A_273] : memref<204800x128xf32, #tpu.memory_space<hbm>> -> memref<64x128xf32, #tpu.memory_space<hbm>>
    %dma_start3A_275 = arith.constant 0 : i32
    %dma_start3A_276 = arith.constant 0 : i32
    %dma_start3A_277 = tpu.memref_slice %arg6[%dma_start3A_263, %dma_start3A_275, %dma_start3A_276] : memref<10x64x128xf32, #tpu.memory_space<vmem>> -> memref<1x64x128xf32, #tpu.memory_space<vmem>>
    %dma_start3A_278 = tpu.memref_squeeze %dma_start3A_277 : memref<1x64x128xf32, #tpu.memory_space<vmem>> -> memref<64x128xf32, #tpu.memory_space<vmem>>
    tpu.enqueue_dma source(%dma_start3A_278 : memref<64x128xf32, #tpu.memory_space<vmem>>) target(%dma_start3A_274 : memref<64x128xf32, #tpu.memory_space<hbm>>) target_semaphore(%dma_start3A_272 : memref<!tpu.dma_semaphore, #tpu.memory_space<semaphore_mem>>)
    %dma_wait3A_279 = arith.constant 4 : i32
    %dma_wait3A_280 = arith.constant 4 : i32
    %dma_wait3A_281 = arith.constant 0 : i32
    %dma_wait3A_282 = arith.constant 0 : i32
    %dma_wait3A_283 = tpu.memref_slice %arg6[%dma_wait3A_279, %dma_wait3A_281, %dma_wait3A_282] : memref<10x64x128xf32, #tpu.memory_space<vmem>> -> memref<1x64x128xf32, #tpu.memory_space<vmem>>
    %dma_wait3A_284 = tpu.memref_squeeze %dma_wait3A_283 : memref<1x64x128xf32, #tpu.memory_space<vmem>> -> memref<64x128xf32, #tpu.memory_space<vmem>>
    %dma_wait3A_285 = arith.constant 0 : i32
    %dma_wait3A_286 = arith.constant 0 : i32
    %dma_wait3A_287 = tpu.memref_slice %arg2[%dma_wait3A_285, %dma_wait3A_286] : memref<100000x128xf32, #tpu.memory_space<hbm>> -> memref<64x128xf32, #tpu.memory_space<hbm>>
    %dma_wait3A_288 = tpu.memref_slice %arg8[%dma_wait3A_280] : memref<10x!tpu.dma_semaphore, #tpu.memory_space<semaphore_mem>> -> memref<1x!tpu.dma_semaphore, #tpu.memory_space<semaphore_mem>>
    %dma_wait3A_289 = tpu.memref_squeeze %dma_wait3A_288 : memref<1x!tpu.dma_semaphore, #tpu.memory_space<semaphore_mem>> -> memref<!tpu.dma_semaphore, #tpu.memory_space<semaphore_mem>>
    %dma_wait3A_290 = arith.constant 0 : i32
    %dma_wait3A_291 = arith.constant 0 : i32
    %dma_wait3A_292 = tpu.memref_slice %arg6[%dma_wait3A_279, %dma_wait3A_290, %dma_wait3A_291] : memref<10x64x128xf32, #tpu.memory_space<vmem>> -> memref<1x64x128xf32, #tpu.memory_space<vmem>>
    %dma_wait3A_293 = tpu.memref_squeeze %dma_wait3A_292 : memref<1x64x128xf32, #tpu.memory_space<vmem>> -> memref<64x128xf32, #tpu.memory_space<vmem>>
    %dma_wait3A_294 = arith.constant 0 : i32
    %dma_wait3A_295 = arith.constant 0 : i32
    %dma_wait3A_296 = tpu.memref_slice %arg2[%dma_wait3A_294, %dma_wait3A_295] : memref<100000x128xf32, #tpu.memory_space<hbm>> -> memref<64x128xf32, #tpu.memory_space<hbm>>
    tpu.wait_dma2 semaphore(%dma_wait3A_289 : memref<!tpu.dma_semaphore, #tpu.memory_space<semaphore_mem>>) src(%dma_wait3A_296 : memref<64x128xf32, #tpu.memory_space<hbm>>) dst(%dma_wait3A_293 : memref<64x128xf32, #tpu.memory_space<vmem>>)
    %add3A_297 = arith.constant 256 : i32
    %add3A_298 = arith.addi %mul3A_2, %add3A_297 : i32
    %dma_start3A_299 = arith.constant 4 : i32
    %dma_start3A_300 = arith.constant 4 : i32
    %dma_start3A_301 = arith.constant 0 : i32
    %dma_start3A_302 = arith.constant 0 : i32
    %dma_start3A_303 = tpu.memref_slice %arg6[%dma_start3A_299, %dma_start3A_301, %dma_start3A_302] : memref<10x64x128xf32, #tpu.memory_space<vmem>> -> memref<1x64x128xf32, #tpu.memory_space<vmem>>
    %dma_start3A_304 = tpu.memref_squeeze %dma_start3A_303 : memref<1x64x128xf32, #tpu.memory_space<vmem>> -> memref<64x128xf32, #tpu.memory_space<vmem>>
    %dma_start3A_305 = arith.constant 0 : i32
    %dma_start3A_306 = tpu.memref_slice %arg4[%add3A_298, %dma_start3A_305] : memref<204800x128xf32, #tpu.memory_space<hbm>> -> memref<64x128xf32, #tpu.memory_space<hbm>>
    %dma_start3A_307 = tpu.memref_slice %arg9[%dma_start3A_300] : memref<10x!tpu.dma_semaphore, #tpu.memory_space<semaphore_mem>> -> memref<1x!tpu.dma_semaphore, #tpu.memory_space<semaphore_mem>>
    %dma_start3A_308 = tpu.memref_squeeze %dma_start3A_307 : memref<1x!tpu.dma_semaphore, #tpu.memory_space<semaphore_mem>> -> memref<!tpu.dma_semaphore, #tpu.memory_space<semaphore_mem>>
    %dma_start3A_309 = arith.constant 0 : i32
    %dma_start3A_310 = tpu.memref_slice %arg4[%add3A_298, %dma_start3A_309] : memref<204800x128xf32, #tpu.memory_space<hbm>> -> memref<64x128xf32, #tpu.memory_space<hbm>>
    %dma_start3A_311 = arith.constant 0 : i32
    %dma_start3A_312 = arith.constant 0 : i32
    %dma_start3A_313 = tpu.memref_slice %arg6[%dma_start3A_299, %dma_start3A_311, %dma_start3A_312] : memref<10x64x128xf32, #tpu.memory_space<vmem>> -> memref<1x64x128xf32, #tpu.memory_space<vmem>>
    %dma_start3A_314 = tpu.memref_squeeze %dma_start3A_313 : memref<1x64x128xf32, #tpu.memory_space<vmem>> -> memref<64x128xf32, #tpu.memory_space<vmem>>
    tpu.enqueue_dma source(%dma_start3A_314 : memref<64x128xf32, #tpu.memory_space<vmem>>) target(%dma_start3A_310 : memref<64x128xf32, #tpu.memory_space<hbm>>) target_semaphore(%dma_start3A_308 : memref<!tpu.dma_semaphore, #tpu.memory_space<semaphore_mem>>)
    %dma_wait3A_315 = arith.constant 5 : i32
    %dma_wait3A_316 = arith.constant 5 : i32
    %dma_wait3A_317 = arith.constant 0 : i32
    %dma_wait3A_318 = arith.constant 0 : i32
    %dma_wait3A_319 = tpu.memref_slice %arg6[%dma_wait3A_315, %dma_wait3A_317, %dma_wait3A_318] : memref<10x64x128xf32, #tpu.memory_space<vmem>> -> memref<1x64x128xf32, #tpu.memory_space<vmem>>
    %dma_wait3A_320 = tpu.memref_squeeze %dma_wait3A_319 : memref<1x64x128xf32, #tpu.memory_space<vmem>> -> memref<64x128xf32, #tpu.memory_space<vmem>>
    %dma_wait3A_321 = arith.constant 0 : i32
    %dma_wait3A_322 = arith.constant 0 : i32
    %dma_wait3A_323 = tpu.memref_slice %arg2[%dma_wait3A_321, %dma_wait3A_322] : memref<100000x128xf32, #tpu.memory_space<hbm>> -> memref<64x128xf32, #tpu.memory_space<hbm>>
    %dma_wait3A_324 = tpu.memref_slice %arg8[%dma_wait3A_316] : memref<10x!tpu.dma_semaphore, #tpu.memory_space<semaphore_mem>> -> memref<1x!tpu.dma_semaphore, #tpu.memory_space<semaphore_mem>>
    %dma_wait3A_325 = tpu.memref_squeeze %dma_wait3A_324 : memref<1x!tpu.dma_semaphore, #tpu.memory_space<semaphore_mem>> -> memref<!tpu.dma_semaphore, #tpu.memory_space<semaphore_mem>>
    %dma_wait3A_326 = arith.constant 0 : i32
    %dma_wait3A_327 = arith.constant 0 : i32
    %dma_wait3A_328 = tpu.memref_slice %arg6[%dma_wait3A_315, %dma_wait3A_326, %dma_wait3A_327] : memref<10x64x128xf32, #tpu.memory_space<vmem>> -> memref<1x64x128xf32, #tpu.memory_space<vmem>>
    %dma_wait3A_329 = tpu.memref_squeeze %dma_wait3A_328 : memref<1x64x128xf32, #tpu.memory_space<vmem>> -> memref<64x128xf32, #tpu.memory_space<vmem>>
    %dma_wait3A_330 = arith.constant 0 : i32
    %dma_wait3A_331 = arith.constant 0 : i32
    %dma_wait3A_332 = tpu.memref_slice %arg2[%dma_wait3A_330, %dma_wait3A_331] : memref<100000x128xf32, #tpu.memory_space<hbm>> -> memref<64x128xf32, #tpu.memory_space<hbm>>
    tpu.wait_dma2 semaphore(%dma_wait3A_325 : memref<!tpu.dma_semaphore, #tpu.memory_space<semaphore_mem>>) src(%dma_wait3A_332 : memref<64x128xf32, #tpu.memory_space<hbm>>) dst(%dma_wait3A_329 : memref<64x128xf32, #tpu.memory_space<vmem>>)
    %add3A_333 = arith.constant 320 : i32
    %add3A_334 = arith.addi %mul3A_2, %add3A_333 : i32
    %dma_start3A_335 = arith.constant 5 : i32
    %dma_start3A_336 = arith.constant 5 : i32
    %dma_start3A_337 = arith.constant 0 : i32
    %dma_start3A_338 = arith.constant 0 : i32
    %dma_start3A_339 = tpu.memref_slice %arg6[%dma_start3A_335, %dma_start3A_337, %dma_start3A_338] : memref<10x64x128xf32, #tpu.memory_space<vmem>> -> memref<1x64x128xf32, #tpu.memory_space<vmem>>
    %dma_start3A_340 = tpu.memref_squeeze %dma_start3A_339 : memref<1x64x128xf32, #tpu.memory_space<vmem>> -> memref<64x128xf32, #tpu.memory_space<vmem>>
    %dma_start3A_341 = arith.constant 0 : i32
    %dma_start3A_342 = tpu.memref_slice %arg4[%add3A_334, %dma_start3A_341] : memref<204800x128xf32, #tpu.memory_space<hbm>> -> memref<64x128xf32, #tpu.memory_space<hbm>>
    %dma_start3A_343 = tpu.memref_slice %arg9[%dma_start3A_336] : memref<10x!tpu.dma_semaphore, #tpu.memory_space<semaphore_mem>> -> memref<1x!tpu.dma_semaphore, #tpu.memory_space<semaphore_mem>>
    %dma_start3A_344 = tpu.memref_squeeze %dma_start3A_343 : memref<1x!tpu.dma_semaphore, #tpu.memory_space<semaphore_mem>> -> memref<!tpu.dma_semaphore, #tpu.memory_space<semaphore_mem>>
    %dma_start3A_345 = arith.constant 0 : i32
    %dma_start3A_346 = tpu.memref_slice %arg4[%add3A_334, %dma_start3A_345] : memref<204800x128xf32, #tpu.memory_space<hbm>> -> memref<64x128xf32, #tpu.memory_space<hbm>>
    %dma_start3A_347 = arith.constant 0 : i32
    %dma_start3A_348 = arith.constant 0 : i32
    %dma_start3A_349 = tpu.memref_slice %arg6[%dma_start3A_335, %dma_start3A_347, %dma_start3A_348] : memref<10x64x128xf32, #tpu.memory_space<vmem>> -> memref<1x64x128xf32, #tpu.memory_space<vmem>>
    %dma_start3A_350 = tpu.memref_squeeze %dma_start3A_349 : memref<1x64x128xf32, #tpu.memory_space<vmem>> -> memref<64x128xf32, #tpu.memory_space<vmem>>
    tpu.enqueue_dma source(%dma_start3A_350 : memref<64x128xf32, #tpu.memory_space<vmem>>) target(%dma_start3A_346 : memref<64x128xf32, #tpu.memory_space<hbm>>) target_semaphore(%dma_start3A_344 : memref<!tpu.dma_semaphore, #tpu.memory_space<semaphore_mem>>)
    %dma_wait3A_351 = arith.constant 6 : i32
    %dma_wait3A_352 = arith.constant 6 : i32
    %dma_wait3A_353 = arith.constant 0 : i32
    %dma_wait3A_354 = arith.constant 0 : i32
    %dma_wait3A_355 = tpu.memref_slice %arg6[%dma_wait3A_351, %dma_wait3A_353, %dma_wait3A_354] : memref<10x64x128xf32, #tpu.memory_space<vmem>> -> memref<1x64x128xf32, #tpu.memory_space<vmem>>
    %dma_wait3A_356 = tpu.memref_squeeze %dma_wait3A_355 : memref<1x64x128xf32, #tpu.memory_space<vmem>> -> memref<64x128xf32, #tpu.memory_space<vmem>>
    %dma_wait3A_357 = arith.constant 0 : i32
    %dma_wait3A_358 = arith.constant 0 : i32
    %dma_wait3A_359 = tpu.memref_slice %arg2[%dma_wait3A_357, %dma_wait3A_358] : memref<100000x128xf32, #tpu.memory_space<hbm>> -> memref<64x128xf32, #tpu.memory_space<hbm>>
    %dma_wait3A_360 = tpu.memref_slice %arg8[%dma_wait3A_352] : memref<10x!tpu.dma_semaphore, #tpu.memory_space<semaphore_mem>> -> memref<1x!tpu.dma_semaphore, #tpu.memory_space<semaphore_mem>>
    %dma_wait3A_361 = tpu.memref_squeeze %dma_wait3A_360 : memref<1x!tpu.dma_semaphore, #tpu.memory_space<semaphore_mem>> -> memref<!tpu.dma_semaphore, #tpu.memory_space<semaphore_mem>>
    %dma_wait3A_362 = arith.constant 0 : i32
    %dma_wait3A_363 = arith.constant 0 : i32
    %dma_wait3A_364 = tpu.memref_slice %arg6[%dma_wait3A_351, %dma_wait3A_362, %dma_wait3A_363] : memref<10x64x128xf32, #tpu.memory_space<vmem>> -> memref<1x64x128xf32, #tpu.memory_space<vmem>>
    %dma_wait3A_365 = tpu.memref_squeeze %dma_wait3A_364 : memref<1x64x128xf32, #tpu.memory_space<vmem>> -> memref<64x128xf32, #tpu.memory_space<vmem>>
    %dma_wait3A_366 = arith.constant 0 : i32
    %dma_wait3A_367 = arith.constant 0 : i32
    %dma_wait3A_368 = tpu.memref_slice %arg2[%dma_wait3A_366, %dma_wait3A_367] : memref<100000x128xf32, #tpu.memory_space<hbm>> -> memref<64x128xf32, #tpu.memory_space<hbm>>
    tpu.wait_dma2 semaphore(%dma_wait3A_361 : memref<!tpu.dma_semaphore, #tpu.memory_space<semaphore_mem>>) src(%dma_wait3A_368 : memref<64x128xf32, #tpu.memory_space<hbm>>) dst(%dma_wait3A_365 : memref<64x128xf32, #tpu.memory_space<vmem>>)
    %add3A_369 = arith.constant 384 : i32
    %add3A_370 = arith.addi %mul3A_2, %add3A_369 : i32
    %dma_start3A_371 = arith.constant 6 : i32
    %dma_start3A_372 = arith.constant 6 : i32
    %dma_start3A_373 = arith.constant 0 : i32
    %dma_start3A_374 = arith.constant 0 : i32
    %dma_start3A_375 = tpu.memref_slice %arg6[%dma_start3A_371, %dma_start3A_373, %dma_start3A_374] : memref<10x64x128xf32, #tpu.memory_space<vmem>> -> memref<1x64x128xf32, #tpu.memory_space<vmem>>
    %dma_start3A_376 = tpu.memref_squeeze %dma_start3A_375 : memref<1x64x128xf32, #tpu.memory_space<vmem>> -> memref<64x128xf32, #tpu.memory_space<vmem>>
    %dma_start3A_377 = arith.constant 0 : i32
    %dma_start3A_378 = tpu.memref_slice %arg4[%add3A_370, %dma_start3A_377] : memref<204800x128xf32, #tpu.memory_space<hbm>> -> memref<64x128xf32, #tpu.memory_space<hbm>>
    %dma_start3A_379 = tpu.memref_slice %arg9[%dma_start3A_372] : memref<10x!tpu.dma_semaphore, #tpu.memory_space<semaphore_mem>> -> memref<1x!tpu.dma_semaphore, #tpu.memory_space<semaphore_mem>>
    %dma_start3A_380 = tpu.memref_squeeze %dma_start3A_379 : memref<1x!tpu.dma_semaphore, #tpu.memory_space<semaphore_mem>> -> memref<!tpu.dma_semaphore, #tpu.memory_space<semaphore_mem>>
    %dma_start3A_381 = arith.constant 0 : i32
    %dma_start3A_382 = tpu.memref_slice %arg4[%add3A_370, %dma_start3A_381] : memref<204800x128xf32, #tpu.memory_space<hbm>> -> memref<64x128xf32, #tpu.memory_space<hbm>>
    %dma_start3A_383 = arith.constant 0 : i32
    %dma_start3A_384 = arith.constant 0 : i32
    %dma_start3A_385 = tpu.memref_slice %arg6[%dma_start3A_371, %dma_start3A_383, %dma_start3A_384] : memref<10x64x128xf32, #tpu.memory_space<vmem>> -> memref<1x64x128xf32, #tpu.memory_space<vmem>>
    %dma_start3A_386 = tpu.memref_squeeze %dma_start3A_385 : memref<1x64x128xf32, #tpu.memory_space<vmem>> -> memref<64x128xf32, #tpu.memory_space<vmem>>
    tpu.enqueue_dma source(%dma_start3A_386 : memref<64x128xf32, #tpu.memory_space<vmem>>) target(%dma_start3A_382 : memref<64x128xf32, #tpu.memory_space<hbm>>) target_semaphore(%dma_start3A_380 : memref<!tpu.dma_semaphore, #tpu.memory_space<semaphore_mem>>)
    %dma_wait3A_387 = arith.constant 7 : i32
    %dma_wait3A_388 = arith.constant 7 : i32
    %dma_wait3A_389 = arith.constant 0 : i32
    %dma_wait3A_390 = arith.constant 0 : i32
    %dma_wait3A_391 = tpu.memref_slice %arg6[%dma_wait3A_387, %dma_wait3A_389, %dma_wait3A_390] : memref<10x64x128xf32, #tpu.memory_space<vmem>> -> memref<1x64x128xf32, #tpu.memory_space<vmem>>
    %dma_wait3A_392 = tpu.memref_squeeze %dma_wait3A_391 : memref<1x64x128xf32, #tpu.memory_space<vmem>> -> memref<64x128xf32, #tpu.memory_space<vmem>>
    %dma_wait3A_393 = arith.constant 0 : i32
    %dma_wait3A_394 = arith.constant 0 : i32
    %dma_wait3A_395 = tpu.memref_slice %arg2[%dma_wait3A_393, %dma_wait3A_394] : memref<100000x128xf32, #tpu.memory_space<hbm>> -> memref<64x128xf32, #tpu.memory_space<hbm>>
    %dma_wait3A_396 = tpu.memref_slice %arg8[%dma_wait3A_388] : memref<10x!tpu.dma_semaphore, #tpu.memory_space<semaphore_mem>> -> memref<1x!tpu.dma_semaphore, #tpu.memory_space<semaphore_mem>>
    %dma_wait3A_397 = tpu.memref_squeeze %dma_wait3A_396 : memref<1x!tpu.dma_semaphore, #tpu.memory_space<semaphore_mem>> -> memref<!tpu.dma_semaphore, #tpu.memory_space<semaphore_mem>>
    %dma_wait3A_398 = arith.constant 0 : i32
    %dma_wait3A_399 = arith.constant 0 : i32
    %dma_wait3A_400 = tpu.memref_slice %arg6[%dma_wait3A_387, %dma_wait3A_398, %dma_wait3A_399] : memref<10x64x128xf32, #tpu.memory_space<vmem>> -> memref<1x64x128xf32, #tpu.memory_space<vmem>>
    %dma_wait3A_401 = tpu.memref_squeeze %dma_wait3A_400 : memref<1x64x128xf32, #tpu.memory_space<vmem>> -> memref<64x128xf32, #tpu.memory_space<vmem>>
    %dma_wait3A_402 = arith.constant 0 : i32
    %dma_wait3A_403 = arith.constant 0 : i32
    %dma_wait3A_404 = tpu.memref_slice %arg2[%dma_wait3A_402, %dma_wait3A_403] : memref<100000x128xf32, #tpu.memory_space<hbm>> -> memref<64x128xf32, #tpu.memory_space<hbm>>
    tpu.wait_dma2 semaphore(%dma_wait3A_397 : memref<!tpu.dma_semaphore, #tpu.memory_space<semaphore_mem>>) src(%dma_wait3A_404 : memref<64x128xf32, #tpu.memory_space<hbm>>) dst(%dma_wait3A_401 : memref<64x128xf32, #tpu.memory_space<vmem>>)
    %add3A_405 = arith.constant 448 : i32
    %add3A_406 = arith.addi %mul3A_2, %add3A_405 : i32
    %dma_start3A_407 = arith.constant 7 : i32
    %dma_start3A_408 = arith.constant 7 : i32
    %dma_start3A_409 = arith.constant 0 : i32
    %dma_start3A_410 = arith.constant 0 : i32
    %dma_start3A_411 = tpu.memref_slice %arg6[%dma_start3A_407, %dma_start3A_409, %dma_start3A_410] : memref<10x64x128xf32, #tpu.memory_space<vmem>> -> memref<1x64x128xf32, #tpu.memory_space<vmem>>
    %dma_start3A_412 = tpu.memref_squeeze %dma_start3A_411 : memref<1x64x128xf32, #tpu.memory_space<vmem>> -> memref<64x128xf32, #tpu.memory_space<vmem>>
    %dma_start3A_413 = arith.constant 0 : i32
    %dma_start3A_414 = tpu.memref_slice %arg4[%add3A_406, %dma_start3A_413] : memref<204800x128xf32, #tpu.memory_space<hbm>> -> memref<64x128xf32, #tpu.memory_space<hbm>>
    %dma_start3A_415 = tpu.memref_slice %arg9[%dma_start3A_408] : memref<10x!tpu.dma_semaphore, #tpu.memory_space<semaphore_mem>> -> memref<1x!tpu.dma_semaphore, #tpu.memory_space<semaphore_mem>>
    %dma_start3A_416 = tpu.memref_squeeze %dma_start3A_415 : memref<1x!tpu.dma_semaphore, #tpu.memory_space<semaphore_mem>> -> memref<!tpu.dma_semaphore, #tpu.memory_space<semaphore_mem>>
    %dma_start3A_417 = arith.constant 0 : i32
    %dma_start3A_418 = tpu.memref_slice %arg4[%add3A_406, %dma_start3A_417] : memref<204800x128xf32, #tpu.memory_space<hbm>> -> memref<64x128xf32, #tpu.memory_space<hbm>>
    %dma_start3A_419 = arith.constant 0 : i32
    %dma_start3A_420 = arith.constant 0 : i32
    %dma_start3A_421 = tpu.memref_slice %arg6[%dma_start3A_407, %dma_start3A_419, %dma_start3A_420] : memref<10x64x128xf32, #tpu.memory_space<vmem>> -> memref<1x64x128xf32, #tpu.memory_space<vmem>>
    %dma_start3A_422 = tpu.memref_squeeze %dma_start3A_421 : memref<1x64x128xf32, #tpu.memory_space<vmem>> -> memref<64x128xf32, #tpu.memory_space<vmem>>
    tpu.enqueue_dma source(%dma_start3A_422 : memref<64x128xf32, #tpu.memory_space<vmem>>) target(%dma_start3A_418 : memref<64x128xf32, #tpu.memory_space<hbm>>) target_semaphore(%dma_start3A_416 : memref<!tpu.dma_semaphore, #tpu.memory_space<semaphore_mem>>)
    %dma_wait3A_423 = arith.constant 8 : i32
    %dma_wait3A_424 = arith.constant 8 : i32
    %dma_wait3A_425 = arith.constant 0 : i32
    %dma_wait3A_426 = arith.constant 0 : i32
    %dma_wait3A_427 = tpu.memref_slice %arg6[%dma_wait3A_423, %dma_wait3A_425, %dma_wait3A_426] : memref<10x64x128xf32, #tpu.memory_space<vmem>> -> memref<1x64x128xf32, #tpu.memory_space<vmem>>
    %dma_wait3A_428 = tpu.memref_squeeze %dma_wait3A_427 : memref<1x64x128xf32, #tpu.memory_space<vmem>> -> memref<64x128xf32, #tpu.memory_space<vmem>>
    %dma_wait3A_429 = arith.constant 0 : i32
    %dma_wait3A_430 = arith.constant 0 : i32
    %dma_wait3A_431 = tpu.memref_slice %arg2[%dma_wait3A_429, %dma_wait3A_430] : memref<100000x128xf32, #tpu.memory_space<hbm>> -> memref<64x128xf32, #tpu.memory_space<hbm>>
    %dma_wait3A_432 = tpu.memref_slice %arg8[%dma_wait3A_424] : memref<10x!tpu.dma_semaphore, #tpu.memory_space<semaphore_mem>> -> memref<1x!tpu.dma_semaphore, #tpu.memory_space<semaphore_mem>>
    %dma_wait3A_433 = tpu.memref_squeeze %dma_wait3A_432 : memref<1x!tpu.dma_semaphore, #tpu.memory_space<semaphore_mem>> -> memref<!tpu.dma_semaphore, #tpu.memory_space<semaphore_mem>>
    %dma_wait3A_434 = arith.constant 0 : i32
    %dma_wait3A_435 = arith.constant 0 : i32
    %dma_wait3A_436 = tpu.memref_slice %arg6[%dma_wait3A_423, %dma_wait3A_434, %dma_wait3A_435] : memref<10x64x128xf32, #tpu.memory_space<vmem>> -> memref<1x64x128xf32, #tpu.memory_space<vmem>>
    %dma_wait3A_437 = tpu.memref_squeeze %dma_wait3A_436 : memref<1x64x128xf32, #tpu.memory_space<vmem>> -> memref<64x128xf32, #tpu.memory_space<vmem>>
    %dma_wait3A_438 = arith.constant 0 : i32
    %dma_wait3A_439 = arith.constant 0 : i32
    %dma_wait3A_440 = tpu.memref_slice %arg2[%dma_wait3A_438, %dma_wait3A_439] : memref<100000x128xf32, #tpu.memory_space<hbm>> -> memref<64x128xf32, #tpu.memory_space<hbm>>
    tpu.wait_dma2 semaphore(%dma_wait3A_433 : memref<!tpu.dma_semaphore, #tpu.memory_space<semaphore_mem>>) src(%dma_wait3A_440 : memref<64x128xf32, #tpu.memory_space<hbm>>) dst(%dma_wait3A_437 : memref<64x128xf32, #tpu.memory_space<vmem>>)
    %add3A_441 = arith.constant 512 : i32
    %add3A_442 = arith.addi %mul3A_2, %add3A_441 : i32
    %dma_start3A_443 = arith.constant 8 : i32
    %dma_start3A_444 = arith.constant 8 : i32
    %dma_start3A_445 = arith.constant 0 : i32
    %dma_start3A_446 = arith.constant 0 : i32
    %dma_start3A_447 = tpu.memref_slice %arg6[%dma_start3A_443, %dma_start3A_445, %dma_start3A_446] : memref<10x64x128xf32, #tpu.memory_space<vmem>> -> memref<1x64x128xf32, #tpu.memory_space<vmem>>
    %dma_start3A_448 = tpu.memref_squeeze %dma_start3A_447 : memref<1x64x128xf32, #tpu.memory_space<vmem>> -> memref<64x128xf32, #tpu.memory_space<vmem>>
    %dma_start3A_449 = arith.constant 0 : i32
    %dma_start3A_450 = tpu.memref_slice %arg4[%add3A_442, %dma_start3A_449] : memref<204800x128xf32, #tpu.memory_space<hbm>> -> memref<64x128xf32, #tpu.memory_space<hbm>>
    %dma_start3A_451 = tpu.memref_slice %arg9[%dma_start3A_444] : memref<10x!tpu.dma_semaphore, #tpu.memory_space<semaphore_mem>> -> memref<1x!tpu.dma_semaphore, #tpu.memory_space<semaphore_mem>>
    %dma_start3A_452 = tpu.memref_squeeze %dma_start3A_451 : memref<1x!tpu.dma_semaphore, #tpu.memory_space<semaphore_mem>> -> memref<!tpu.dma_semaphore, #tpu.memory_space<semaphore_mem>>
    %dma_start3A_453 = arith.constant 0 : i32
    %dma_start3A_454 = tpu.memref_slice %arg4[%add3A_442, %dma_start3A_453] : memref<204800x128xf32, #tpu.memory_space<hbm>> -> memref<64x128xf32, #tpu.memory_space<hbm>>
    %dma_start3A_455 = arith.constant 0 : i32
    %dma_start3A_456 = arith.constant 0 : i32
    %dma_start3A_457 = tpu.memref_slice %arg6[%dma_start3A_443, %dma_start3A_455, %dma_start3A_456] : memref<10x64x128xf32, #tpu.memory_space<vmem>> -> memref<1x64x128xf32, #tpu.memory_space<vmem>>
    %dma_start3A_458 = tpu.memref_squeeze %dma_start3A_457 : memref<1x64x128xf32, #tpu.memory_space<vmem>> -> memref<64x128xf32, #tpu.memory_space<vmem>>
    tpu.enqueue_dma source(%dma_start3A_458 : memref<64x128xf32, #tpu.memory_space<vmem>>) target(%dma_start3A_454 : memref<64x128xf32, #tpu.memory_space<hbm>>) target_semaphore(%dma_start3A_452 : memref<!tpu.dma_semaphore, #tpu.memory_space<semaphore_mem>>)
    %dma_wait3A_459 = arith.constant 9 : i32
    %dma_wait3A_460 = arith.constant 9 : i32
    %dma_wait3A_461 = arith.constant 0 : i32
    %dma_wait3A_462 = arith.constant 0 : i32
    %dma_wait3A_463 = tpu.memref_slice %arg6[%dma_wait3A_459, %dma_wait3A_461, %dma_wait3A_462] : memref<10x64x128xf32, #tpu.memory_space<vmem>> -> memref<1x64x128xf32, #tpu.memory_space<vmem>>
    %dma_wait3A_464 = tpu.memref_squeeze %dma_wait3A_463 : memref<1x64x128xf32, #tpu.memory_space<vmem>> -> memref<64x128xf32, #tpu.memory_space<vmem>>
    %dma_wait3A_465 = arith.constant 0 : i32
    %dma_wait3A_466 = arith.constant 0 : i32
    %dma_wait3A_467 = tpu.memref_slice %arg2[%dma_wait3A_465, %dma_wait3A_466] : memref<100000x128xf32, #tpu.memory_space<hbm>> -> memref<64x128xf32, #tpu.memory_space<hbm>>
    %dma_wait3A_468 = tpu.memref_slice %arg8[%dma_wait3A_460] : memref<10x!tpu.dma_semaphore, #tpu.memory_space<semaphore_mem>> -> memref<1x!tpu.dma_semaphore, #tpu.memory_space<semaphore_mem>>
    %dma_wait3A_469 = tpu.memref_squeeze %dma_wait3A_468 : memref<1x!tpu.dma_semaphore, #tpu.memory_space<semaphore_mem>> -> memref<!tpu.dma_semaphore, #tpu.memory_space<semaphore_mem>>
    %dma_wait3A_470 = arith.constant 0 : i32
    %dma_wait3A_471 = arith.constant 0 : i32
    %dma_wait3A_472 = tpu.memref_slice %arg6[%dma_wait3A_459, %dma_wait3A_470, %dma_wait3A_471] : memref<10x64x128xf32, #tpu.memory_space<vmem>> -> memref<1x64x128xf32, #tpu.memory_space<vmem>>
    %dma_wait3A_473 = tpu.memref_squeeze %dma_wait3A_472 : memref<1x64x128xf32, #tpu.memory_space<vmem>> -> memref<64x128xf32, #tpu.memory_space<vmem>>
    %dma_wait3A_474 = arith.constant 0 : i32
    %dma_wait3A_475 = arith.constant 0 : i32
    %dma_wait3A_476 = tpu.memref_slice %arg2[%dma_wait3A_474, %dma_wait3A_475] : memref<100000x128xf32, #tpu.memory_space<hbm>> -> memref<64x128xf32, #tpu.memory_space<hbm>>
    tpu.wait_dma2 semaphore(%dma_wait3A_469 : memref<!tpu.dma_semaphore, #tpu.memory_space<semaphore_mem>>) src(%dma_wait3A_476 : memref<64x128xf32, #tpu.memory_space<hbm>>) dst(%dma_wait3A_473 : memref<64x128xf32, #tpu.memory_space<vmem>>)
    %add3A_477 = arith.constant 576 : i32
    %add3A_478 = arith.addi %mul3A_2, %add3A_477 : i32
    %dma_start3A_479 = arith.constant 9 : i32
    %dma_start3A_480 = arith.constant 9 : i32
    %dma_start3A_481 = arith.constant 0 : i32
    %dma_start3A_482 = arith.constant 0 : i32
    %dma_start3A_483 = tpu.memref_slice %arg6[%dma_start3A_479, %dma_start3A_481, %dma_start3A_482] : memref<10x64x128xf32, #tpu.memory_space<vmem>> -> memref<1x64x128xf32, #tpu.memory_space<vmem>>
    %dma_start3A_484 = tpu.memref_squeeze %dma_start3A_483 : memref<1x64x128xf32, #tpu.memory_space<vmem>> -> memref<64x128xf32, #tpu.memory_space<vmem>>
    %dma_start3A_485 = arith.constant 0 : i32
    %dma_start3A_486 = tpu.memref_slice %arg4[%add3A_478, %dma_start3A_485] : memref<204800x128xf32, #tpu.memory_space<hbm>> -> memref<64x128xf32, #tpu.memory_space<hbm>>
    %dma_start3A_487 = tpu.memref_slice %arg9[%dma_start3A_480] : memref<10x!tpu.dma_semaphore, #tpu.memory_space<semaphore_mem>> -> memref<1x!tpu.dma_semaphore, #tpu.memory_space<semaphore_mem>>
    %dma_start3A_488 = tpu.memref_squeeze %dma_start3A_487 : memref<1x!tpu.dma_semaphore, #tpu.memory_space<semaphore_mem>> -> memref<!tpu.dma_semaphore, #tpu.memory_space<semaphore_mem>>
    %dma_start3A_489 = arith.constant 0 : i32
    %dma_start3A_490 = tpu.memref_slice %arg4[%add3A_478, %dma_start3A_489] : memref<204800x128xf32, #tpu.memory_space<hbm>> -> memref<64x128xf32, #tpu.memory_space<hbm>>
    %dma_start3A_491 = arith.constant 0 : i32
    %dma_start3A_492 = arith.constant 0 : i32
    %dma_start3A_493 = tpu.memref_slice %arg6[%dma_start3A_479, %dma_start3A_491, %dma_start3A_492] : memref<10x64x128xf32, #tpu.memory_space<vmem>> -> memref<1x64x128xf32, #tpu.memory_space<vmem>>
    %dma_start3A_494 = tpu.memref_squeeze %dma_start3A_493 : memref<1x64x128xf32, #tpu.memory_space<vmem>> -> memref<64x128xf32, #tpu.memory_space<vmem>>
    tpu.enqueue_dma source(%dma_start3A_494 : memref<64x128xf32, #tpu.memory_space<vmem>>) target(%dma_start3A_490 : memref<64x128xf32, #tpu.memory_space<hbm>>) target_semaphore(%dma_start3A_488 : memref<!tpu.dma_semaphore, #tpu.memory_space<semaphore_mem>>)
    %scan3A = arith.constant 0 : i32
    %scan3A_495 = arith.constant 9 : i32
    %scan3A_496 = arith.addi %scan3A, %scan3A_495 : i32
    %scan3A_497 = arith.constant 1 : i32
    scf.for %scan3A_679 = %scan3A to %scan3A_496 step %scan3A_497  : i32 {
      %mul3A_680 = arith.constant 1 : i32
      %mul3A_681 = arith.muli %scan3A_679, %mul3A_680 : i32
      %add3A_682 = arith.constant 1 : i32
      %add3A_683 = arith.addi %add3A_682, %mul3A_681 : i32
      %mul3A_684 = arith.constant 10 : i32
      %mul3A_685 = arith.muli %add3A_683, %mul3A_684 : i32
      %dma_wait3A_686 = arith.constant 0 : i32
      %dma_wait3A_687 = arith.constant 0 : i32
      %dma_wait3A_688 = arith.constant 0 : i32
      %dma_wait3A_689 = arith.constant 0 : i32
      %dma_wait3A_690 = tpu.memref_slice %arg6[%dma_wait3A_686, %dma_wait3A_688, %dma_wait3A_689] : memref<10x64x128xf32, #tpu.memory_space<vmem>> -> memref<1x64x128xf32, #tpu.memory_space<vmem>>
      %dma_wait3A_691 = tpu.memref_squeeze %dma_wait3A_690 : memref<1x64x128xf32, #tpu.memory_space<vmem>> -> memref<64x128xf32, #tpu.memory_space<vmem>>
      %dma_wait3A_692 = arith.constant 0 : i32
      %dma_wait3A_693 = arith.constant 0 : i32
      %dma_wait3A_694 = tpu.memref_slice %arg4[%dma_wait3A_692, %dma_wait3A_693] : memref<204800x128xf32, #tpu.memory_space<hbm>> -> memref<64x128xf32, #tpu.memory_space<hbm>>
      %dma_wait3A_695 = tpu.memref_slice %arg9[%dma_wait3A_687] : memref<10x!tpu.dma_semaphore, #tpu.memory_space<semaphore_mem>> -> memref<1x!tpu.dma_semaphore, #tpu.memory_space<semaphore_mem>>
      %dma_wait3A_696 = tpu.memref_squeeze %dma_wait3A_695 : memref<1x!tpu.dma_semaphore, #tpu.memory_space<semaphore_mem>> -> memref<!tpu.dma_semaphore, #tpu.memory_space<semaphore_mem>>
      %dma_wait3A_697 = arith.constant 0 : i32
      %dma_wait3A_698 = arith.constant 0 : i32
      %dma_wait3A_699 = tpu.memref_slice %arg6[%dma_wait3A_686, %dma_wait3A_697, %dma_wait3A_698] : memref<10x64x128xf32, #tpu.memory_space<vmem>> -> memref<1x64x128xf32, #tpu.memory_space<vmem>>
      %dma_wait3A_700 = tpu.memref_squeeze %dma_wait3A_699 : memref<1x64x128xf32, #tpu.memory_space<vmem>> -> memref<64x128xf32, #tpu.memory_space<vmem>>
      %dma_wait3A_701 = arith.constant 0 : i32
      %dma_wait3A_702 = arith.constant 0 : i32
      %dma_wait3A_703 = tpu.memref_slice %arg4[%dma_wait3A_701, %dma_wait3A_702] : memref<204800x128xf32, #tpu.memory_space<hbm>> -> memref<64x128xf32, #tpu.memory_space<hbm>>
      tpu.wait_dma2 semaphore(%dma_wait3A_696 : memref<!tpu.dma_semaphore, #tpu.memory_space<semaphore_mem>>) src(%dma_wait3A_703 : memref<64x128xf32, #tpu.memory_space<hbm>>) dst(%dma_wait3A_700 : memref<64x128xf32, #tpu.memory_space<vmem>>)
      %add3A_704 = arith.constant 0 : i32
      %add3A_705 = arith.addi %mul3A_685, %add3A_704 : i32
      %mul3A_706 = arith.constant 64 : i32
      %mul3A_707 = arith.muli %add3A_705, %mul3A_706 : i32
      %dma_start3A_708 = arith.constant 0 : i32
      %dma_start3A_709 = arith.constant 0 : i32
      %dma_start3A_710 = arith.constant 0 : i32
      %dma_start3A_711 = arith.constant 0 : i32
      %dma_start3A_712 = tpu.memref_slice %arg6[%dma_start3A_708, %dma_start3A_710, %dma_start3A_711] : memref<10x64x128xf32, #tpu.memory_space<vmem>> -> memref<1x64x128xf32, #tpu.memory_space<vmem>>
      %dma_start3A_713 = tpu.memref_squeeze %dma_start3A_712 : memref<1x64x128xf32, #tpu.memory_space<vmem>> -> memref<64x128xf32, #tpu.memory_space<vmem>>
      %dma_start3A_714 = tpu.memref_slice %arg5[%mul3A_707] : memref<6400xi32, #tpu.memory_space<vmem>> -> memref<64xi32, #tpu.memory_space<vmem>>
      %dma_start3A_715 = arith.constant 0 : i32
      %dma_start3A_716 = arith.constant 0 : i32
      %dma_start3A_717 = tpu.memref_slice %arg2[%dma_start3A_715, %dma_start3A_716] : memref<100000x128xf32, #tpu.memory_space<hbm>> -> memref<100000x128xf32, #tpu.memory_space<hbm>>
      %dma_start3A_718 = tpu.memref_slice %arg8[%dma_start3A_709] : memref<10x!tpu.dma_semaphore, #tpu.memory_space<semaphore_mem>> -> memref<1x!tpu.dma_semaphore, #tpu.memory_space<semaphore_mem>>
      %dma_start3A_719 = tpu.memref_squeeze %dma_start3A_718 : memref<1x!tpu.dma_semaphore, #tpu.memory_space<semaphore_mem>> -> memref<!tpu.dma_semaphore, #tpu.memory_space<semaphore_mem>>
      tpu.enqueue_indirect_dma source(%dma_start3A_717 : memref<100000x128xf32, #tpu.memory_space<hbm>>) target(%dma_start3A_713 : memref<64x128xf32, #tpu.memory_space<vmem>>) offsets(%dma_start3A_714 : memref<64xi32, #tpu.memory_space<vmem>>) semaphore(%dma_start3A_719 : memref<!tpu.dma_semaphore, #tpu.memory_space<semaphore_mem>>)
      %dma_wait3A_720 = arith.constant 1 : i32
      %dma_wait3A_721 = arith.constant 1 : i32
      %dma_wait3A_722 = arith.constant 0 : i32
      %dma_wait3A_723 = arith.constant 0 : i32
      %dma_wait3A_724 = tpu.memref_slice %arg6[%dma_wait3A_720, %dma_wait3A_722, %dma_wait3A_723] : memref<10x64x128xf32, #tpu.memory_space<vmem>> -> memref<1x64x128xf32, #tpu.memory_space<vmem>>
      %dma_wait3A_725 = tpu.memref_squeeze %dma_wait3A_724 : memref<1x64x128xf32, #tpu.memory_space<vmem>> -> memref<64x128xf32, #tpu.memory_space<vmem>>
      %dma_wait3A_726 = arith.constant 0 : i32
      %dma_wait3A_727 = arith.constant 0 : i32
      %dma_wait3A_728 = tpu.memref_slice %arg4[%dma_wait3A_726, %dma_wait3A_727] : memref<204800x128xf32, #tpu.memory_space<hbm>> -> memref<64x128xf32, #tpu.memory_space<hbm>>
      %dma_wait3A_729 = tpu.memref_slice %arg9[%dma_wait3A_721] : memref<10x!tpu.dma_semaphore, #tpu.memory_space<semaphore_mem>> -> memref<1x!tpu.dma_semaphore, #tpu.memory_space<semaphore_mem>>
      %dma_wait3A_730 = tpu.memref_squeeze %dma_wait3A_729 : memref<1x!tpu.dma_semaphore, #tpu.memory_space<semaphore_mem>> -> memref<!tpu.dma_semaphore, #tpu.memory_space<semaphore_mem>>
      %dma_wait3A_731 = arith.constant 0 : i32
      %dma_wait3A_732 = arith.constant 0 : i32
      %dma_wait3A_733 = tpu.memref_slice %arg6[%dma_wait3A_720, %dma_wait3A_731, %dma_wait3A_732] : memref<10x64x128xf32, #tpu.memory_space<vmem>> -> memref<1x64x128xf32, #tpu.memory_space<vmem>>
      %dma_wait3A_734 = tpu.memref_squeeze %dma_wait3A_733 : memref<1x64x128xf32, #tpu.memory_space<vmem>> -> memref<64x128xf32, #tpu.memory_space<vmem>>
      %dma_wait3A_735 = arith.constant 0 : i32
      %dma_wait3A_736 = arith.constant 0 : i32
      %dma_wait3A_737 = tpu.memref_slice %arg4[%dma_wait3A_735, %dma_wait3A_736] : memref<204800x128xf32, #tpu.memory_space<hbm>> -> memref<64x128xf32, #tpu.memory_space<hbm>>
      tpu.wait_dma2 semaphore(%dma_wait3A_730 : memref<!tpu.dma_semaphore, #tpu.memory_space<semaphore_mem>>) src(%dma_wait3A_737 : memref<64x128xf32, #tpu.memory_space<hbm>>) dst(%dma_wait3A_734 : memref<64x128xf32, #tpu.memory_space<vmem>>)
      %add3A_738 = arith.constant 1 : i32
      %add3A_739 = arith.addi %mul3A_685, %add3A_738 : i32
      %mul3A_740 = arith.constant 64 : i32
      %mul3A_741 = arith.muli %add3A_739, %mul3A_740 : i32
      %dma_start3A_742 = arith.constant 1 : i32
      %dma_start3A_743 = arith.constant 1 : i32
      %dma_start3A_744 = arith.constant 0 : i32
      %dma_start3A_745 = arith.constant 0 : i32
      %dma_start3A_746 = tpu.memref_slice %arg6[%dma_start3A_742, %dma_start3A_744, %dma_start3A_745] : memref<10x64x128xf32, #tpu.memory_space<vmem>> -> memref<1x64x128xf32, #tpu.memory_space<vmem>>
      %dma_start3A_747 = tpu.memref_squeeze %dma_start3A_746 : memref<1x64x128xf32, #tpu.memory_space<vmem>> -> memref<64x128xf32, #tpu.memory_space<vmem>>
      %dma_start3A_748 = tpu.memref_slice %arg5[%mul3A_741] : memref<6400xi32, #tpu.memory_space<vmem>> -> memref<64xi32, #tpu.memory_space<vmem>>
      %dma_start3A_749 = arith.constant 0 : i32
      %dma_start3A_750 = arith.constant 0 : i32
      %dma_start3A_751 = tpu.memref_slice %arg2[%dma_start3A_749, %dma_start3A_750] : memref<100000x128xf32, #tpu.memory_space<hbm>> -> memref<100000x128xf32, #tpu.memory_space<hbm>>
      %dma_start3A_752 = tpu.memref_slice %arg8[%dma_start3A_743] : memref<10x!tpu.dma_semaphore, #tpu.memory_space<semaphore_mem>> -> memref<1x!tpu.dma_semaphore, #tpu.memory_space<semaphore_mem>>
      %dma_start3A_753 = tpu.memref_squeeze %dma_start3A_752 : memref<1x!tpu.dma_semaphore, #tpu.memory_space<semaphore_mem>> -> memref<!tpu.dma_semaphore, #tpu.memory_space<semaphore_mem>>
      tpu.enqueue_indirect_dma source(%dma_start3A_751 : memref<100000x128xf32, #tpu.memory_space<hbm>>) target(%dma_start3A_747 : memref<64x128xf32, #tpu.memory_space<vmem>>) offsets(%dma_start3A_748 : memref<64xi32, #tpu.memory_space<vmem>>) semaphore(%dma_start3A_753 : memref<!tpu.dma_semaphore, #tpu.memory_space<semaphore_mem>>)
      %dma_wait3A_754 = arith.constant 2 : i32
      %dma_wait3A_755 = arith.constant 2 : i32
      %dma_wait3A_756 = arith.constant 0 : i32
      %dma_wait3A_757 = arith.constant 0 : i32
      %dma_wait3A_758 = tpu.memref_slice %arg6[%dma_wait3A_754, %dma_wait3A_756, %dma_wait3A_757] : memref<10x64x128xf32, #tpu.memory_space<vmem>> -> memref<1x64x128xf32, #tpu.memory_space<vmem>>
      %dma_wait3A_759 = tpu.memref_squeeze %dma_wait3A_758 : memref<1x64x128xf32, #tpu.memory_space<vmem>> -> memref<64x128xf32, #tpu.memory_space<vmem>>
      %dma_wait3A_760 = arith.constant 0 : i32
      %dma_wait3A_761 = arith.constant 0 : i32
      %dma_wait3A_762 = tpu.memref_slice %arg4[%dma_wait3A_760, %dma_wait3A_761] : memref<204800x128xf32, #tpu.memory_space<hbm>> -> memref<64x128xf32, #tpu.memory_space<hbm>>
      %dma_wait3A_763 = tpu.memref_slice %arg9[%dma_wait3A_755] : memref<10x!tpu.dma_semaphore, #tpu.memory_space<semaphore_mem>> -> memref<1x!tpu.dma_semaphore, #tpu.memory_space<semaphore_mem>>
      %dma_wait3A_764 = tpu.memref_squeeze %dma_wait3A_763 : memref<1x!tpu.dma_semaphore, #tpu.memory_space<semaphore_mem>> -> memref<!tpu.dma_semaphore, #tpu.memory_space<semaphore_mem>>
      %dma_wait3A_765 = arith.constant 0 : i32
      %dma_wait3A_766 = arith.constant 0 : i32
      %dma_wait3A_767 = tpu.memref_slice %arg6[%dma_wait3A_754, %dma_wait3A_765, %dma_wait3A_766] : memref<10x64x128xf32, #tpu.memory_space<vmem>> -> memref<1x64x128xf32, #tpu.memory_space<vmem>>
      %dma_wait3A_768 = tpu.memref_squeeze %dma_wait3A_767 : memref<1x64x128xf32, #tpu.memory_space<vmem>> -> memref<64x128xf32, #tpu.memory_space<vmem>>
      %dma_wait3A_769 = arith.constant 0 : i32
      %dma_wait3A_770 = arith.constant 0 : i32
      %dma_wait3A_771 = tpu.memref_slice %arg4[%dma_wait3A_769, %dma_wait3A_770] : memref<204800x128xf32, #tpu.memory_space<hbm>> -> memref<64x128xf32, #tpu.memory_space<hbm>>
      tpu.wait_dma2 semaphore(%dma_wait3A_764 : memref<!tpu.dma_semaphore, #tpu.memory_space<semaphore_mem>>) src(%dma_wait3A_771 : memref<64x128xf32, #tpu.memory_space<hbm>>) dst(%dma_wait3A_768 : memref<64x128xf32, #tpu.memory_space<vmem>>)
      %add3A_772 = arith.constant 2 : i32
      %add3A_773 = arith.addi %mul3A_685, %add3A_772 : i32
      %mul3A_774 = arith.constant 64 : i32
      %mul3A_775 = arith.muli %add3A_773, %mul3A_774 : i32
      %dma_start3A_776 = arith.constant 2 : i32
      %dma_start3A_777 = arith.constant 2 : i32
      %dma_start3A_778 = arith.constant 0 : i32
      %dma_start3A_779 = arith.constant 0 : i32
      %dma_start3A_780 = tpu.memref_slice %arg6[%dma_start3A_776, %dma_start3A_778, %dma_start3A_779] : memref<10x64x128xf32, #tpu.memory_space<vmem>> -> memref<1x64x128xf32, #tpu.memory_space<vmem>>
      %dma_start3A_781 = tpu.memref_squeeze %dma_start3A_780 : memref<1x64x128xf32, #tpu.memory_space<vmem>> -> memref<64x128xf32, #tpu.memory_space<vmem>>
      %dma_start3A_782 = tpu.memref_slice %arg5[%mul3A_775] : memref<6400xi32, #tpu.memory_space<vmem>> -> memref<64xi32, #tpu.memory_space<vmem>>
      %dma_start3A_783 = arith.constant 0 : i32
      %dma_start3A_784 = arith.constant 0 : i32
      %dma_start3A_785 = tpu.memref_slice %arg2[%dma_start3A_783, %dma_start3A_784] : memref<100000x128xf32, #tpu.memory_space<hbm>> -> memref<100000x128xf32, #tpu.memory_space<hbm>>
      %dma_start3A_786 = tpu.memref_slice %arg8[%dma_start3A_777] : memref<10x!tpu.dma_semaphore, #tpu.memory_space<semaphore_mem>> -> memref<1x!tpu.dma_semaphore, #tpu.memory_space<semaphore_mem>>
      %dma_start3A_787 = tpu.memref_squeeze %dma_start3A_786 : memref<1x!tpu.dma_semaphore, #tpu.memory_space<semaphore_mem>> -> memref<!tpu.dma_semaphore, #tpu.memory_space<semaphore_mem>>
      tpu.enqueue_indirect_dma source(%dma_start3A_785 : memref<100000x128xf32, #tpu.memory_space<hbm>>) target(%dma_start3A_781 : memref<64x128xf32, #tpu.memory_space<vmem>>) offsets(%dma_start3A_782 : memref<64xi32, #tpu.memory_space<vmem>>) semaphore(%dma_start3A_787 : memref<!tpu.dma_semaphore, #tpu.memory_space<semaphore_mem>>)
      %dma_wait3A_788 = arith.constant 3 : i32
      %dma_wait3A_789 = arith.constant 3 : i32
      %dma_wait3A_790 = arith.constant 0 : i32
      %dma_wait3A_791 = arith.constant 0 : i32
      %dma_wait3A_792 = tpu.memref_slice %arg6[%dma_wait3A_788, %dma_wait3A_790, %dma_wait3A_791] : memref<10x64x128xf32, #tpu.memory_space<vmem>> -> memref<1x64x128xf32, #tpu.memory_space<vmem>>
      %dma_wait3A_793 = tpu.memref_squeeze %dma_wait3A_792 : memref<1x64x128xf32, #tpu.memory_space<vmem>> -> memref<64x128xf32, #tpu.memory_space<vmem>>
      %dma_wait3A_794 = arith.constant 0 : i32
      %dma_wait3A_795 = arith.constant 0 : i32
      %dma_wait3A_796 = tpu.memref_slice %arg4[%dma_wait3A_794, %dma_wait3A_795] : memref<204800x128xf32, #tpu.memory_space<hbm>> -> memref<64x128xf32, #tpu.memory_space<hbm>>
      %dma_wait3A_797 = tpu.memref_slice %arg9[%dma_wait3A_789] : memref<10x!tpu.dma_semaphore, #tpu.memory_space<semaphore_mem>> -> memref<1x!tpu.dma_semaphore, #tpu.memory_space<semaphore_mem>>
      %dma_wait3A_798 = tpu.memref_squeeze %dma_wait3A_797 : memref<1x!tpu.dma_semaphore, #tpu.memory_space<semaphore_mem>> -> memref<!tpu.dma_semaphore, #tpu.memory_space<semaphore_mem>>
      %dma_wait3A_799 = arith.constant 0 : i32
      %dma_wait3A_800 = arith.constant 0 : i32
      %dma_wait3A_801 = tpu.memref_slice %arg6[%dma_wait3A_788, %dma_wait3A_799, %dma_wait3A_800] : memref<10x64x128xf32, #tpu.memory_space<vmem>> -> memref<1x64x128xf32, #tpu.memory_space<vmem>>
      %dma_wait3A_802 = tpu.memref_squeeze %dma_wait3A_801 : memref<1x64x128xf32, #tpu.memory_space<vmem>> -> memref<64x128xf32, #tpu.memory_space<vmem>>
      %dma_wait3A_803 = arith.constant 0 : i32
      %dma_wait3A_804 = arith.constant 0 : i32
      %dma_wait3A_805 = tpu.memref_slice %arg4[%dma_wait3A_803, %dma_wait3A_804] : memref<204800x128xf32, #tpu.memory_space<hbm>> -> memref<64x128xf32, #tpu.memory_space<hbm>>
      tpu.wait_dma2 semaphore(%dma_wait3A_798 : memref<!tpu.dma_semaphore, #tpu.memory_space<semaphore_mem>>) src(%dma_wait3A_805 : memref<64x128xf32, #tpu.memory_space<hbm>>) dst(%dma_wait3A_802 : memref<64x128xf32, #tpu.memory_space<vmem>>)
      %add3A_806 = arith.constant 3 : i32
      %add3A_807 = arith.addi %mul3A_685, %add3A_806 : i32
      %mul3A_808 = arith.constant 64 : i32
      %mul3A_809 = arith.muli %add3A_807, %mul3A_808 : i32
      %dma_start3A_810 = arith.constant 3 : i32
      %dma_start3A_811 = arith.constant 3 : i32
      %dma_start3A_812 = arith.constant 0 : i32
      %dma_start3A_813 = arith.constant 0 : i32
      %dma_start3A_814 = tpu.memref_slice %arg6[%dma_start3A_810, %dma_start3A_812, %dma_start3A_813] : memref<10x64x128xf32, #tpu.memory_space<vmem>> -> memref<1x64x128xf32, #tpu.memory_space<vmem>>
      %dma_start3A_815 = tpu.memref_squeeze %dma_start3A_814 : memref<1x64x128xf32, #tpu.memory_space<vmem>> -> memref<64x128xf32, #tpu.memory_space<vmem>>
      %dma_start3A_816 = tpu.memref_slice %arg5[%mul3A_809] : memref<6400xi32, #tpu.memory_space<vmem>> -> memref<64xi32, #tpu.memory_space<vmem>>
      %dma_start3A_817 = arith.constant 0 : i32
      %dma_start3A_818 = arith.constant 0 : i32
      %dma_start3A_819 = tpu.memref_slice %arg2[%dma_start3A_817, %dma_start3A_818] : memref<100000x128xf32, #tpu.memory_space<hbm>> -> memref<100000x128xf32, #tpu.memory_space<hbm>>
      %dma_start3A_820 = tpu.memref_slice %arg8[%dma_start3A_811] : memref<10x!tpu.dma_semaphore, #tpu.memory_space<semaphore_mem>> -> memref<1x!tpu.dma_semaphore, #tpu.memory_space<semaphore_mem>>
      %dma_start3A_821 = tpu.memref_squeeze %dma_start3A_820 : memref<1x!tpu.dma_semaphore, #tpu.memory_space<semaphore_mem>> -> memref<!tpu.dma_semaphore, #tpu.memory_space<semaphore_mem>>
      tpu.enqueue_indirect_dma source(%dma_start3A_819 : memref<100000x128xf32, #tpu.memory_space<hbm>>) target(%dma_start3A_815 : memref<64x128xf32, #tpu.memory_space<vmem>>) offsets(%dma_start3A_816 : memref<64xi32, #tpu.memory_space<vmem>>) semaphore(%dma_start3A_821 : memref<!tpu.dma_semaphore, #tpu.memory_space<semaphore_mem>>)
      %dma_wait3A_822 = arith.constant 4 : i32
      %dma_wait3A_823 = arith.constant 4 : i32
      %dma_wait3A_824 = arith.constant 0 : i32
      %dma_wait3A_825 = arith.constant 0 : i32
      %dma_wait3A_826 = tpu.memref_slice %arg6[%dma_wait3A_822, %dma_wait3A_824, %dma_wait3A_825] : memref<10x64x128xf32, #tpu.memory_space<vmem>> -> memref<1x64x128xf32, #tpu.memory_space<vmem>>
      %dma_wait3A_827 = tpu.memref_squeeze %dma_wait3A_826 : memref<1x64x128xf32, #tpu.memory_space<vmem>> -> memref<64x128xf32, #tpu.memory_space<vmem>>
      %dma_wait3A_828 = arith.constant 0 : i32
      %dma_wait3A_829 = arith.constant 0 : i32
      %dma_wait3A_830 = tpu.memref_slice %arg4[%dma_wait3A_828, %dma_wait3A_829] : memref<204800x128xf32, #tpu.memory_space<hbm>> -> memref<64x128xf32, #tpu.memory_space<hbm>>
      %dma_wait3A_831 = tpu.memref_slice %arg9[%dma_wait3A_823] : memref<10x!tpu.dma_semaphore, #tpu.memory_space<semaphore_mem>> -> memref<1x!tpu.dma_semaphore, #tpu.memory_space<semaphore_mem>>
      %dma_wait3A_832 = tpu.memref_squeeze %dma_wait3A_831 : memref<1x!tpu.dma_semaphore, #tpu.memory_space<semaphore_mem>> -> memref<!tpu.dma_semaphore, #tpu.memory_space<semaphore_mem>>
      %dma_wait3A_833 = arith.constant 0 : i32
      %dma_wait3A_834 = arith.constant 0 : i32
      %dma_wait3A_835 = tpu.memref_slice %arg6[%dma_wait3A_822, %dma_wait3A_833, %dma_wait3A_834] : memref<10x64x128xf32, #tpu.memory_space<vmem>> -> memref<1x64x128xf32, #tpu.memory_space<vmem>>
      %dma_wait3A_836 = tpu.memref_squeeze %dma_wait3A_835 : memref<1x64x128xf32, #tpu.memory_space<vmem>> -> memref<64x128xf32, #tpu.memory_space<vmem>>
      %dma_wait3A_837 = arith.constant 0 : i32
      %dma_wait3A_838 = arith.constant 0 : i32
      %dma_wait3A_839 = tpu.memref_slice %arg4[%dma_wait3A_837, %dma_wait3A_838] : memref<204800x128xf32, #tpu.memory_space<hbm>> -> memref<64x128xf32, #tpu.memory_space<hbm>>
      tpu.wait_dma2 semaphore(%dma_wait3A_832 : memref<!tpu.dma_semaphore, #tpu.memory_space<semaphore_mem>>) src(%dma_wait3A_839 : memref<64x128xf32, #tpu.memory_space<hbm>>) dst(%dma_wait3A_836 : memref<64x128xf32, #tpu.memory_space<vmem>>)
      %add3A_840 = arith.constant 4 : i32
      %add3A_841 = arith.addi %mul3A_685, %add3A_840 : i32
      %mul3A_842 = arith.constant 64 : i32
      %mul3A_843 = arith.muli %add3A_841, %mul3A_842 : i32
      %dma_start3A_844 = arith.constant 4 : i32
      %dma_start3A_845 = arith.constant 4 : i32
      %dma_start3A_846 = arith.constant 0 : i32
      %dma_start3A_847 = arith.constant 0 : i32
      %dma_start3A_848 = tpu.memref_slice %arg6[%dma_start3A_844, %dma_start3A_846, %dma_start3A_847] : memref<10x64x128xf32, #tpu.memory_space<vmem>> -> memref<1x64x128xf32, #tpu.memory_space<vmem>>
      %dma_start3A_849 = tpu.memref_squeeze %dma_start3A_848 : memref<1x64x128xf32, #tpu.memory_space<vmem>> -> memref<64x128xf32, #tpu.memory_space<vmem>>
      %dma_start3A_850 = tpu.memref_slice %arg5[%mul3A_843] : memref<6400xi32, #tpu.memory_space<vmem>> -> memref<64xi32, #tpu.memory_space<vmem>>
      %dma_start3A_851 = arith.constant 0 : i32
      %dma_start3A_852 = arith.constant 0 : i32
      %dma_start3A_853 = tpu.memref_slice %arg2[%dma_start3A_851, %dma_start3A_852] : memref<100000x128xf32, #tpu.memory_space<hbm>> -> memref<100000x128xf32, #tpu.memory_space<hbm>>
      %dma_start3A_854 = tpu.memref_slice %arg8[%dma_start3A_845] : memref<10x!tpu.dma_semaphore, #tpu.memory_space<semaphore_mem>> -> memref<1x!tpu.dma_semaphore, #tpu.memory_space<semaphore_mem>>
      %dma_start3A_855 = tpu.memref_squeeze %dma_start3A_854 : memref<1x!tpu.dma_semaphore, #tpu.memory_space<semaphore_mem>> -> memref<!tpu.dma_semaphore, #tpu.memory_space<semaphore_mem>>
      tpu.enqueue_indirect_dma source(%dma_start3A_853 : memref<100000x128xf32, #tpu.memory_space<hbm>>) target(%dma_start3A_849 : memref<64x128xf32, #tpu.memory_space<vmem>>) offsets(%dma_start3A_850 : memref<64xi32, #tpu.memory_space<vmem>>) semaphore(%dma_start3A_855 : memref<!tpu.dma_semaphore, #tpu.memory_space<semaphore_mem>>)
      %dma_wait3A_856 = arith.constant 5 : i32
      %dma_wait3A_857 = arith.constant 5 : i32
      %dma_wait3A_858 = arith.constant 0 : i32
      %dma_wait3A_859 = arith.constant 0 : i32
      %dma_wait3A_860 = tpu.memref_slice %arg6[%dma_wait3A_856, %dma_wait3A_858, %dma_wait3A_859] : memref<10x64x128xf32, #tpu.memory_space<vmem>> -> memref<1x64x128xf32, #tpu.memory_space<vmem>>
      %dma_wait3A_861 = tpu.memref_squeeze %dma_wait3A_860 : memref<1x64x128xf32, #tpu.memory_space<vmem>> -> memref<64x128xf32, #tpu.memory_space<vmem>>
      %dma_wait3A_862 = arith.constant 0 : i32
      %dma_wait3A_863 = arith.constant 0 : i32
      %dma_wait3A_864 = tpu.memref_slice %arg4[%dma_wait3A_862, %dma_wait3A_863] : memref<204800x128xf32, #tpu.memory_space<hbm>> -> memref<64x128xf32, #tpu.memory_space<hbm>>
      %dma_wait3A_865 = tpu.memref_slice %arg9[%dma_wait3A_857] : memref<10x!tpu.dma_semaphore, #tpu.memory_space<semaphore_mem>> -> memref<1x!tpu.dma_semaphore, #tpu.memory_space<semaphore_mem>>
      %dma_wait3A_866 = tpu.memref_squeeze %dma_wait3A_865 : memref<1x!tpu.dma_semaphore, #tpu.memory_space<semaphore_mem>> -> memref<!tpu.dma_semaphore, #tpu.memory_space<semaphore_mem>>
      %dma_wait3A_867 = arith.constant 0 : i32
      %dma_wait3A_868 = arith.constant 0 : i32
      %dma_wait3A_869 = tpu.memref_slice %arg6[%dma_wait3A_856, %dma_wait3A_867, %dma_wait3A_868] : memref<10x64x128xf32, #tpu.memory_space<vmem>> -> memref<1x64x128xf32, #tpu.memory_space<vmem>>
      %dma_wait3A_870 = tpu.memref_squeeze %dma_wait3A_869 : memref<1x64x128xf32, #tpu.memory_space<vmem>> -> memref<64x128xf32, #tpu.memory_space<vmem>>
      %dma_wait3A_871 = arith.constant 0 : i32
      %dma_wait3A_872 = arith.constant 0 : i32
      %dma_wait3A_873 = tpu.memref_slice %arg4[%dma_wait3A_871, %dma_wait3A_872] : memref<204800x128xf32, #tpu.memory_space<hbm>> -> memref<64x128xf32, #tpu.memory_space<hbm>>
      tpu.wait_dma2 semaphore(%dma_wait3A_866 : memref<!tpu.dma_semaphore, #tpu.memory_space<semaphore_mem>>) src(%dma_wait3A_873 : memref<64x128xf32, #tpu.memory_space<hbm>>) dst(%dma_wait3A_870 : memref<64x128xf32, #tpu.memory_space<vmem>>)
      %add3A_874 = arith.constant 5 : i32
      %add3A_875 = arith.addi %mul3A_685, %add3A_874 : i32
      %mul3A_876 = arith.constant 64 : i32
      %mul3A_877 = arith.muli %add3A_875, %mul3A_876 : i32
      %dma_start3A_878 = arith.constant 5 : i32
      %dma_start3A_879 = arith.constant 5 : i32
      %dma_start3A_880 = arith.constant 0 : i32
      %dma_start3A_881 = arith.constant 0 : i32
      %dma_start3A_882 = tpu.memref_slice %arg6[%dma_start3A_878, %dma_start3A_880, %dma_start3A_881] : memref<10x64x128xf32, #tpu.memory_space<vmem>> -> memref<1x64x128xf32, #tpu.memory_space<vmem>>
      %dma_start3A_883 = tpu.memref_squeeze %dma_start3A_882 : memref<1x64x128xf32, #tpu.memory_space<vmem>> -> memref<64x128xf32, #tpu.memory_space<vmem>>
      %dma_start3A_884 = tpu.memref_slice %arg5[%mul3A_877] : memref<6400xi32, #tpu.memory_space<vmem>> -> memref<64xi32, #tpu.memory_space<vmem>>
      %dma_start3A_885 = arith.constant 0 : i32
      %dma_start3A_886 = arith.constant 0 : i32
      %dma_start3A_887 = tpu.memref_slice %arg2[%dma_start3A_885, %dma_start3A_886] : memref<100000x128xf32, #tpu.memory_space<hbm>> -> memref<100000x128xf32, #tpu.memory_space<hbm>>
      %dma_start3A_888 = tpu.memref_slice %arg8[%dma_start3A_879] : memref<10x!tpu.dma_semaphore, #tpu.memory_space<semaphore_mem>> -> memref<1x!tpu.dma_semaphore, #tpu.memory_space<semaphore_mem>>
      %dma_start3A_889 = tpu.memref_squeeze %dma_start3A_888 : memref<1x!tpu.dma_semaphore, #tpu.memory_space<semaphore_mem>> -> memref<!tpu.dma_semaphore, #tpu.memory_space<semaphore_mem>>
      tpu.enqueue_indirect_dma source(%dma_start3A_887 : memref<100000x128xf32, #tpu.memory_space<hbm>>) target(%dma_start3A_883 : memref<64x128xf32, #tpu.memory_space<vmem>>) offsets(%dma_start3A_884 : memref<64xi32, #tpu.memory_space<vmem>>) semaphore(%dma_start3A_889 : memref<!tpu.dma_semaphore, #tpu.memory_space<semaphore_mem>>)
      %dma_wait3A_890 = arith.constant 6 : i32
      %dma_wait3A_891 = arith.constant 6 : i32
      %dma_wait3A_892 = arith.constant 0 : i32
      %dma_wait3A_893 = arith.constant 0 : i32
      %dma_wait3A_894 = tpu.memref_slice %arg6[%dma_wait3A_890, %dma_wait3A_892, %dma_wait3A_893] : memref<10x64x128xf32, #tpu.memory_space<vmem>> -> memref<1x64x128xf32, #tpu.memory_space<vmem>>
      %dma_wait3A_895 = tpu.memref_squeeze %dma_wait3A_894 : memref<1x64x128xf32, #tpu.memory_space<vmem>> -> memref<64x128xf32, #tpu.memory_space<vmem>>
      %dma_wait3A_896 = arith.constant 0 : i32
      %dma_wait3A_897 = arith.constant 0 : i32
      %dma_wait3A_898 = tpu.memref_slice %arg4[%dma_wait3A_896, %dma_wait3A_897] : memref<204800x128xf32, #tpu.memory_space<hbm>> -> memref<64x128xf32, #tpu.memory_space<hbm>>
      %dma_wait3A_899 = tpu.memref_slice %arg9[%dma_wait3A_891] : memref<10x!tpu.dma_semaphore, #tpu.memory_space<semaphore_mem>> -> memref<1x!tpu.dma_semaphore, #tpu.memory_space<semaphore_mem>>
      %dma_wait3A_900 = tpu.memref_squeeze %dma_wait3A_899 : memref<1x!tpu.dma_semaphore, #tpu.memory_space<semaphore_mem>> -> memref<!tpu.dma_semaphore, #tpu.memory_space<semaphore_mem>>
      %dma_wait3A_901 = arith.constant 0 : i32
      %dma_wait3A_902 = arith.constant 0 : i32
      %dma_wait3A_903 = tpu.memref_slice %arg6[%dma_wait3A_890, %dma_wait3A_901, %dma_wait3A_902] : memref<10x64x128xf32, #tpu.memory_space<vmem>> -> memref<1x64x128xf32, #tpu.memory_space<vmem>>
      %dma_wait3A_904 = tpu.memref_squeeze %dma_wait3A_903 : memref<1x64x128xf32, #tpu.memory_space<vmem>> -> memref<64x128xf32, #tpu.memory_space<vmem>>
      %dma_wait3A_905 = arith.constant 0 : i32
      %dma_wait3A_906 = arith.constant 0 : i32
      %dma_wait3A_907 = tpu.memref_slice %arg4[%dma_wait3A_905, %dma_wait3A_906] : memref<204800x128xf32, #tpu.memory_space<hbm>> -> memref<64x128xf32, #tpu.memory_space<hbm>>
      tpu.wait_dma2 semaphore(%dma_wait3A_900 : memref<!tpu.dma_semaphore, #tpu.memory_space<semaphore_mem>>) src(%dma_wait3A_907 : memref<64x128xf32, #tpu.memory_space<hbm>>) dst(%dma_wait3A_904 : memref<64x128xf32, #tpu.memory_space<vmem>>)
      %add3A_908 = arith.constant 6 : i32
      %add3A_909 = arith.addi %mul3A_685, %add3A_908 : i32
      %mul3A_910 = arith.constant 64 : i32
      %mul3A_911 = arith.muli %add3A_909, %mul3A_910 : i32
      %dma_start3A_912 = arith.constant 6 : i32
      %dma_start3A_913 = arith.constant 6 : i32
      %dma_start3A_914 = arith.constant 0 : i32
      %dma_start3A_915 = arith.constant 0 : i32
      %dma_start3A_916 = tpu.memref_slice %arg6[%dma_start3A_912, %dma_start3A_914, %dma_start3A_915] : memref<10x64x128xf32, #tpu.memory_space<vmem>> -> memref<1x64x128xf32, #tpu.memory_space<vmem>>
      %dma_start3A_917 = tpu.memref_squeeze %dma_start3A_916 : memref<1x64x128xf32, #tpu.memory_space<vmem>> -> memref<64x128xf32, #tpu.memory_space<vmem>>
      %dma_start3A_918 = tpu.memref_slice %arg5[%mul3A_911] : memref<6400xi32, #tpu.memory_space<vmem>> -> memref<64xi32, #tpu.memory_space<vmem>>
      %dma_start3A_919 = arith.constant 0 : i32
      %dma_start3A_920 = arith.constant 0 : i32
      %dma_start3A_921 = tpu.memref_slice %arg2[%dma_start3A_919, %dma_start3A_920] : memref<100000x128xf32, #tpu.memory_space<hbm>> -> memref<100000x128xf32, #tpu.memory_space<hbm>>
      %dma_start3A_922 = tpu.memref_slice %arg8[%dma_start3A_913] : memref<10x!tpu.dma_semaphore, #tpu.memory_space<semaphore_mem>> -> memref<1x!tpu.dma_semaphore, #tpu.memory_space<semaphore_mem>>
      %dma_start3A_923 = tpu.memref_squeeze %dma_start3A_922 : memref<1x!tpu.dma_semaphore, #tpu.memory_space<semaphore_mem>> -> memref<!tpu.dma_semaphore, #tpu.memory_space<semaphore_mem>>
      tpu.enqueue_indirect_dma source(%dma_start3A_921 : memref<100000x128xf32, #tpu.memory_space<hbm>>) target(%dma_start3A_917 : memref<64x128xf32, #tpu.memory_space<vmem>>) offsets(%dma_start3A_918 : memref<64xi32, #tpu.memory_space<vmem>>) semaphore(%dma_start3A_923 : memref<!tpu.dma_semaphore, #tpu.memory_space<semaphore_mem>>)
      %dma_wait3A_924 = arith.constant 7 : i32
      %dma_wait3A_925 = arith.constant 7 : i32
      %dma_wait3A_926 = arith.constant 0 : i32
      %dma_wait3A_927 = arith.constant 0 : i32
      %dma_wait3A_928 = tpu.memref_slice %arg6[%dma_wait3A_924, %dma_wait3A_926, %dma_wait3A_927] : memref<10x64x128xf32, #tpu.memory_space<vmem>> -> memref<1x64x128xf32, #tpu.memory_space<vmem>>
      %dma_wait3A_929 = tpu.memref_squeeze %dma_wait3A_928 : memref<1x64x128xf32, #tpu.memory_space<vmem>> -> memref<64x128xf32, #tpu.memory_space<vmem>>
      %dma_wait3A_930 = arith.constant 0 : i32
      %dma_wait3A_931 = arith.constant 0 : i32
      %dma_wait3A_932 = tpu.memref_slice %arg4[%dma_wait3A_930, %dma_wait3A_931] : memref<204800x128xf32, #tpu.memory_space<hbm>> -> memref<64x128xf32, #tpu.memory_space<hbm>>
      %dma_wait3A_933 = tpu.memref_slice %arg9[%dma_wait3A_925] : memref<10x!tpu.dma_semaphore, #tpu.memory_space<semaphore_mem>> -> memref<1x!tpu.dma_semaphore, #tpu.memory_space<semaphore_mem>>
      %dma_wait3A_934 = tpu.memref_squeeze %dma_wait3A_933 : memref<1x!tpu.dma_semaphore, #tpu.memory_space<semaphore_mem>> -> memref<!tpu.dma_semaphore, #tpu.memory_space<semaphore_mem>>
      %dma_wait3A_935 = arith.constant 0 : i32
      %dma_wait3A_936 = arith.constant 0 : i32
      %dma_wait3A_937 = tpu.memref_slice %arg6[%dma_wait3A_924, %dma_wait3A_935, %dma_wait3A_936] : memref<10x64x128xf32, #tpu.memory_space<vmem>> -> memref<1x64x128xf32, #tpu.memory_space<vmem>>
      %dma_wait3A_938 = tpu.memref_squeeze %dma_wait3A_937 : memref<1x64x128xf32, #tpu.memory_space<vmem>> -> memref<64x128xf32, #tpu.memory_space<vmem>>
      %dma_wait3A_939 = arith.constant 0 : i32
      %dma_wait3A_940 = arith.constant 0 : i32
      %dma_wait3A_941 = tpu.memref_slice %arg4[%dma_wait3A_939, %dma_wait3A_940] : memref<204800x128xf32, #tpu.memory_space<hbm>> -> memref<64x128xf32, #tpu.memory_space<hbm>>
      tpu.wait_dma2 semaphore(%dma_wait3A_934 : memref<!tpu.dma_semaphore, #tpu.memory_space<semaphore_mem>>) src(%dma_wait3A_941 : memref<64x128xf32, #tpu.memory_space<hbm>>) dst(%dma_wait3A_938 : memref<64x128xf32, #tpu.memory_space<vmem>>)
      %add3A_942 = arith.constant 7 : i32
      %add3A_943 = arith.addi %mul3A_685, %add3A_942 : i32
      %mul3A_944 = arith.constant 64 : i32
      %mul3A_945 = arith.muli %add3A_943, %mul3A_944 : i32
      %dma_start3A_946 = arith.constant 7 : i32
      %dma_start3A_947 = arith.constant 7 : i32
      %dma_start3A_948 = arith.constant 0 : i32
      %dma_start3A_949 = arith.constant 0 : i32
      %dma_start3A_950 = tpu.memref_slice %arg6[%dma_start3A_946, %dma_start3A_948, %dma_start3A_949] : memref<10x64x128xf32, #tpu.memory_space<vmem>> -> memref<1x64x128xf32, #tpu.memory_space<vmem>>
      %dma_start3A_951 = tpu.memref_squeeze %dma_start3A_950 : memref<1x64x128xf32, #tpu.memory_space<vmem>> -> memref<64x128xf32, #tpu.memory_space<vmem>>
      %dma_start3A_952 = tpu.memref_slice %arg5[%mul3A_945] : memref<6400xi32, #tpu.memory_space<vmem>> -> memref<64xi32, #tpu.memory_space<vmem>>
      %dma_start3A_953 = arith.constant 0 : i32
      %dma_start3A_954 = arith.constant 0 : i32
      %dma_start3A_955 = tpu.memref_slice %arg2[%dma_start3A_953, %dma_start3A_954] : memref<100000x128xf32, #tpu.memory_space<hbm>> -> memref<100000x128xf32, #tpu.memory_space<hbm>>
      %dma_start3A_956 = tpu.memref_slice %arg8[%dma_start3A_947] : memref<10x!tpu.dma_semaphore, #tpu.memory_space<semaphore_mem>> -> memref<1x!tpu.dma_semaphore, #tpu.memory_space<semaphore_mem>>
      %dma_start3A_957 = tpu.memref_squeeze %dma_start3A_956 : memref<1x!tpu.dma_semaphore, #tpu.memory_space<semaphore_mem>> -> memref<!tpu.dma_semaphore, #tpu.memory_space<semaphore_mem>>
      tpu.enqueue_indirect_dma source(%dma_start3A_955 : memref<100000x128xf32, #tpu.memory_space<hbm>>) target(%dma_start3A_951 : memref<64x128xf32, #tpu.memory_space<vmem>>) offsets(%dma_start3A_952 : memref<64xi32, #tpu.memory_space<vmem>>) semaphore(%dma_start3A_957 : memref<!tpu.dma_semaphore, #tpu.memory_space<semaphore_mem>>)
      %dma_wait3A_958 = arith.constant 8 : i32
      %dma_wait3A_959 = arith.constant 8 : i32
      %dma_wait3A_960 = arith.constant 0 : i32
      %dma_wait3A_961 = arith.constant 0 : i32
      %dma_wait3A_962 = tpu.memref_slice %arg6[%dma_wait3A_958, %dma_wait3A_960, %dma_wait3A_961] : memref<10x64x128xf32, #tpu.memory_space<vmem>> -> memref<1x64x128xf32, #tpu.memory_space<vmem>>
      %dma_wait3A_963 = tpu.memref_squeeze %dma_wait3A_962 : memref<1x64x128xf32, #tpu.memory_space<vmem>> -> memref<64x128xf32, #tpu.memory_space<vmem>>
      %dma_wait3A_964 = arith.constant 0 : i32
      %dma_wait3A_965 = arith.constant 0 : i32
      %dma_wait3A_966 = tpu.memref_slice %arg4[%dma_wait3A_964, %dma_wait3A_965] : memref<204800x128xf32, #tpu.memory_space<hbm>> -> memref<64x128xf32, #tpu.memory_space<hbm>>
      %dma_wait3A_967 = tpu.memref_slice %arg9[%dma_wait3A_959] : memref<10x!tpu.dma_semaphore, #tpu.memory_space<semaphore_mem>> -> memref<1x!tpu.dma_semaphore, #tpu.memory_space<semaphore_mem>>
      %dma_wait3A_968 = tpu.memref_squeeze %dma_wait3A_967 : memref<1x!tpu.dma_semaphore, #tpu.memory_space<semaphore_mem>> -> memref<!tpu.dma_semaphore, #tpu.memory_space<semaphore_mem>>
      %dma_wait3A_969 = arith.constant 0 : i32
      %dma_wait3A_970 = arith.constant 0 : i32
      %dma_wait3A_971 = tpu.memref_slice %arg6[%dma_wait3A_958, %dma_wait3A_969, %dma_wait3A_970] : memref<10x64x128xf32, #tpu.memory_space<vmem>> -> memref<1x64x128xf32, #tpu.memory_space<vmem>>
      %dma_wait3A_972 = tpu.memref_squeeze %dma_wait3A_971 : memref<1x64x128xf32, #tpu.memory_space<vmem>> -> memref<64x128xf32, #tpu.memory_space<vmem>>
      %dma_wait3A_973 = arith.constant 0 : i32
      %dma_wait3A_974 = arith.constant 0 : i32
      %dma_wait3A_975 = tpu.memref_slice %arg4[%dma_wait3A_973, %dma_wait3A_974] : memref<204800x128xf32, #tpu.memory_space<hbm>> -> memref<64x128xf32, #tpu.memory_space<hbm>>
      tpu.wait_dma2 semaphore(%dma_wait3A_968 : memref<!tpu.dma_semaphore, #tpu.memory_space<semaphore_mem>>) src(%dma_wait3A_975 : memref<64x128xf32, #tpu.memory_space<hbm>>) dst(%dma_wait3A_972 : memref<64x128xf32, #tpu.memory_space<vmem>>)
      %add3A_976 = arith.constant 8 : i32
      %add3A_977 = arith.addi %mul3A_685, %add3A_976 : i32
      %mul3A_978 = arith.constant 64 : i32
      %mul3A_979 = arith.muli %add3A_977, %mul3A_978 : i32
      %dma_start3A_980 = arith.constant 8 : i32
      %dma_start3A_981 = arith.constant 8 : i32
      %dma_start3A_982 = arith.constant 0 : i32
      %dma_start3A_983 = arith.constant 0 : i32
      %dma_start3A_984 = tpu.memref_slice %arg6[%dma_start3A_980, %dma_start3A_982, %dma_start3A_983] : memref<10x64x128xf32, #tpu.memory_space<vmem>> -> memref<1x64x128xf32, #tpu.memory_space<vmem>>
      %dma_start3A_985 = tpu.memref_squeeze %dma_start3A_984 : memref<1x64x128xf32, #tpu.memory_space<vmem>> -> memref<64x128xf32, #tpu.memory_space<vmem>>
      %dma_start3A_986 = tpu.memref_slice %arg5[%mul3A_979] : memref<6400xi32, #tpu.memory_space<vmem>> -> memref<64xi32, #tpu.memory_space<vmem>>
      %dma_start3A_987 = arith.constant 0 : i32
      %dma_start3A_988 = arith.constant 0 : i32
      %dma_start3A_989 = tpu.memref_slice %arg2[%dma_start3A_987, %dma_start3A_988] : memref<100000x128xf32, #tpu.memory_space<hbm>> -> memref<100000x128xf32, #tpu.memory_space<hbm>>
      %dma_start3A_990 = tpu.memref_slice %arg8[%dma_start3A_981] : memref<10x!tpu.dma_semaphore, #tpu.memory_space<semaphore_mem>> -> memref<1x!tpu.dma_semaphore, #tpu.memory_space<semaphore_mem>>
      %dma_start3A_991 = tpu.memref_squeeze %dma_start3A_990 : memref<1x!tpu.dma_semaphore, #tpu.memory_space<semaphore_mem>> -> memref<!tpu.dma_semaphore, #tpu.memory_space<semaphore_mem>>
      tpu.enqueue_indirect_dma source(%dma_start3A_989 : memref<100000x128xf32, #tpu.memory_space<hbm>>) target(%dma_start3A_985 : memref<64x128xf32, #tpu.memory_space<vmem>>) offsets(%dma_start3A_986 : memref<64xi32, #tpu.memory_space<vmem>>) semaphore(%dma_start3A_991 : memref<!tpu.dma_semaphore, #tpu.memory_space<semaphore_mem>>)
      %dma_wait3A_992 = arith.constant 9 : i32
      %dma_wait3A_993 = arith.constant 9 : i32
      %dma_wait3A_994 = arith.constant 0 : i32
      %dma_wait3A_995 = arith.constant 0 : i32
      %dma_wait3A_996 = tpu.memref_slice %arg6[%dma_wait3A_992, %dma_wait3A_994, %dma_wait3A_995] : memref<10x64x128xf32, #tpu.memory_space<vmem>> -> memref<1x64x128xf32, #tpu.memory_space<vmem>>
      %dma_wait3A_997 = tpu.memref_squeeze %dma_wait3A_996 : memref<1x64x128xf32, #tpu.memory_space<vmem>> -> memref<64x128xf32, #tpu.memory_space<vmem>>
      %dma_wait3A_998 = arith.constant 0 : i32
      %dma_wait3A_999 = arith.constant 0 : i32
      %dma_wait3A_1000 = tpu.memref_slice %arg4[%dma_wait3A_998, %dma_wait3A_999] : memref<204800x128xf32, #tpu.memory_space<hbm>> -> memref<64x128xf32, #tpu.memory_space<hbm>>
      %dma_wait3A_1001 = tpu.memref_slice %arg9[%dma_wait3A_993] : memref<10x!tpu.dma_semaphore, #tpu.memory_space<semaphore_mem>> -> memref<1x!tpu.dma_semaphore, #tpu.memory_space<semaphore_mem>>
      %dma_wait3A_1002 = tpu.memref_squeeze %dma_wait3A_1001 : memref<1x!tpu.dma_semaphore, #tpu.memory_space<semaphore_mem>> -> memref<!tpu.dma_semaphore, #tpu.memory_space<semaphore_mem>>
      %dma_wait3A_1003 = arith.constant 0 : i32
      %dma_wait3A_1004 = arith.constant 0 : i32
      %dma_wait3A_1005 = tpu.memref_slice %arg6[%dma_wait3A_992, %dma_wait3A_1003, %dma_wait3A_1004] : memref<10x64x128xf32, #tpu.memory_space<vmem>> -> memref<1x64x128xf32, #tpu.memory_space<vmem>>
      %dma_wait3A_1006 = tpu.memref_squeeze %dma_wait3A_1005 : memref<1x64x128xf32, #tpu.memory_space<vmem>> -> memref<64x128xf32, #tpu.memory_space<vmem>>
      %dma_wait3A_1007 = arith.constant 0 : i32
      %dma_wait3A_1008 = arith.constant 0 : i32
      %dma_wait3A_1009 = tpu.memref_slice %arg4[%dma_wait3A_1007, %dma_wait3A_1008] : memref<204800x128xf32, #tpu.memory_space<hbm>> -> memref<64x128xf32, #tpu.memory_space<hbm>>
      tpu.wait_dma2 semaphore(%dma_wait3A_1002 : memref<!tpu.dma_semaphore, #tpu.memory_space<semaphore_mem>>) src(%dma_wait3A_1009 : memref<64x128xf32, #tpu.memory_space<hbm>>) dst(%dma_wait3A_1006 : memref<64x128xf32, #tpu.memory_space<vmem>>)
      %add3A_1010 = arith.constant 9 : i32
      %add3A_1011 = arith.addi %mul3A_685, %add3A_1010 : i32
      %mul3A_1012 = arith.constant 64 : i32
      %mul3A_1013 = arith.muli %add3A_1011, %mul3A_1012 : i32
      %dma_start3A_1014 = arith.constant 9 : i32
      %dma_start3A_1015 = arith.constant 9 : i32
      %dma_start3A_1016 = arith.constant 0 : i32
      %dma_start3A_1017 = arith.constant 0 : i32
      %dma_start3A_1018 = tpu.memref_slice %arg6[%dma_start3A_1014, %dma_start3A_1016, %dma_start3A_1017] : memref<10x64x128xf32, #tpu.memory_space<vmem>> -> memref<1x64x128xf32, #tpu.memory_space<vmem>>
      %dma_start3A_1019 = tpu.memref_squeeze %dma_start3A_1018 : memref<1x64x128xf32, #tpu.memory_space<vmem>> -> memref<64x128xf32, #tpu.memory_space<vmem>>
      %dma_start3A_1020 = tpu.memref_slice %arg5[%mul3A_1013] : memref<6400xi32, #tpu.memory_space<vmem>> -> memref<64xi32, #tpu.memory_space<vmem>>
      %dma_start3A_1021 = arith.constant 0 : i32
      %dma_start3A_1022 = arith.constant 0 : i32
      %dma_start3A_1023 = tpu.memref_slice %arg2[%dma_start3A_1021, %dma_start3A_1022] : memref<100000x128xf32, #tpu.memory_space<hbm>> -> memref<100000x128xf32, #tpu.memory_space<hbm>>
      %dma_start3A_1024 = tpu.memref_slice %arg8[%dma_start3A_1015] : memref<10x!tpu.dma_semaphore, #tpu.memory_space<semaphore_mem>> -> memref<1x!tpu.dma_semaphore, #tpu.memory_space<semaphore_mem>>
      %dma_start3A_1025 = tpu.memref_squeeze %dma_start3A_1024 : memref<1x!tpu.dma_semaphore, #tpu.memory_space<semaphore_mem>> -> memref<!tpu.dma_semaphore, #tpu.memory_space<semaphore_mem>>
      tpu.enqueue_indirect_dma source(%dma_start3A_1023 : memref<100000x128xf32, #tpu.memory_space<hbm>>) target(%dma_start3A_1019 : memref<64x128xf32, #tpu.memory_space<vmem>>) offsets(%dma_start3A_1020 : memref<64xi32, #tpu.memory_space<vmem>>) semaphore(%dma_start3A_1025 : memref<!tpu.dma_semaphore, #tpu.memory_space<semaphore_mem>>)
      %dma_wait3A_1026 = arith.constant 0 : i32
      %dma_wait3A_1027 = arith.constant 0 : i32
      %dma_wait3A_1028 = arith.constant 0 : i32
      %dma_wait3A_1029 = arith.constant 0 : i32
      %dma_wait3A_1030 = tpu.memref_slice %arg6[%dma_wait3A_1026, %dma_wait3A_1028, %dma_wait3A_1029] : memref<10x64x128xf32, #tpu.memory_space<vmem>> -> memref<1x64x128xf32, #tpu.memory_space<vmem>>
      %dma_wait3A_1031 = tpu.memref_squeeze %dma_wait3A_1030 : memref<1x64x128xf32, #tpu.memory_space<vmem>> -> memref<64x128xf32, #tpu.memory_space<vmem>>
      %dma_wait3A_1032 = arith.constant 0 : i32
      %dma_wait3A_1033 = arith.constant 0 : i32
      %dma_wait3A_1034 = tpu.memref_slice %arg2[%dma_wait3A_1032, %dma_wait3A_1033] : memref<100000x128xf32, #tpu.memory_space<hbm>> -> memref<64x128xf32, #tpu.memory_space<hbm>>
      %dma_wait3A_1035 = tpu.memref_slice %arg8[%dma_wait3A_1027] : memref<10x!tpu.dma_semaphore, #tpu.memory_space<semaphore_mem>> -> memref<1x!tpu.dma_semaphore, #tpu.memory_space<semaphore_mem>>
      %dma_wait3A_1036 = tpu.memref_squeeze %dma_wait3A_1035 : memref<1x!tpu.dma_semaphore, #tpu.memory_space<semaphore_mem>> -> memref<!tpu.dma_semaphore, #tpu.memory_space<semaphore_mem>>
      %dma_wait3A_1037 = arith.constant 0 : i32
      %dma_wait3A_1038 = arith.constant 0 : i32
      %dma_wait3A_1039 = tpu.memref_slice %arg6[%dma_wait3A_1026, %dma_wait3A_1037, %dma_wait3A_1038] : memref<10x64x128xf32, #tpu.memory_space<vmem>> -> memref<1x64x128xf32, #tpu.memory_space<vmem>>
      %dma_wait3A_1040 = tpu.memref_squeeze %dma_wait3A_1039 : memref<1x64x128xf32, #tpu.memory_space<vmem>> -> memref<64x128xf32, #tpu.memory_space<vmem>>
      %dma_wait3A_1041 = arith.constant 0 : i32
      %dma_wait3A_1042 = arith.constant 0 : i32
      %dma_wait3A_1043 = tpu.memref_slice %arg2[%dma_wait3A_1041, %dma_wait3A_1042] : memref<100000x128xf32, #tpu.memory_space<hbm>> -> memref<64x128xf32, #tpu.memory_space<hbm>>
      tpu.wait_dma2 semaphore(%dma_wait3A_1036 : memref<!tpu.dma_semaphore, #tpu.memory_space<semaphore_mem>>) src(%dma_wait3A_1043 : memref<64x128xf32, #tpu.memory_space<hbm>>) dst(%dma_wait3A_1040 : memref<64x128xf32, #tpu.memory_space<vmem>>)
      %add3A_1044 = arith.constant 0 : i32
      %add3A_1045 = arith.addi %mul3A_685, %add3A_1044 : i32
      %mul3A_1046 = arith.constant 64 : i32
      %mul3A_1047 = arith.muli %add3A_1045, %mul3A_1046 : i32
      %add3A_1048 = arith.addi %mul3A_2, %mul3A_1047 : i32
      %dma_start3A_1049 = arith.constant 0 : i32
      %dma_start3A_1050 = arith.constant 0 : i32
      %dma_start3A_1051 = arith.constant 0 : i32
      %dma_start3A_1052 = arith.constant 0 : i32
      %dma_start3A_1053 = tpu.memref_slice %arg6[%dma_start3A_1049, %dma_start3A_1051, %dma_start3A_1052] : memref<10x64x128xf32, #tpu.memory_space<vmem>> -> memref<1x64x128xf32, #tpu.memory_space<vmem>>
      %dma_start3A_1054 = tpu.memref_squeeze %dma_start3A_1053 : memref<1x64x128xf32, #tpu.memory_space<vmem>> -> memref<64x128xf32, #tpu.memory_space<vmem>>
      %dma_start3A_1055 = arith.constant 0 : i32
      %dma_start3A_1056 = tpu.memref_slice %arg4[%add3A_1048, %dma_start3A_1055] : memref<204800x128xf32, #tpu.memory_space<hbm>> -> memref<64x128xf32, #tpu.memory_space<hbm>>
      %dma_start3A_1057 = tpu.memref_slice %arg9[%dma_start3A_1050] : memref<10x!tpu.dma_semaphore, #tpu.memory_space<semaphore_mem>> -> memref<1x!tpu.dma_semaphore, #tpu.memory_space<semaphore_mem>>
      %dma_start3A_1058 = tpu.memref_squeeze %dma_start3A_1057 : memref<1x!tpu.dma_semaphore, #tpu.memory_space<semaphore_mem>> -> memref<!tpu.dma_semaphore, #tpu.memory_space<semaphore_mem>>
      %dma_start3A_1059 = arith.constant 0 : i32
      %dma_start3A_1060 = tpu.memref_slice %arg4[%add3A_1048, %dma_start3A_1059] : memref<204800x128xf32, #tpu.memory_space<hbm>> -> memref<64x128xf32, #tpu.memory_space<hbm>>
      %dma_start3A_1061 = arith.constant 0 : i32
      %dma_start3A_1062 = arith.constant 0 : i32
      %dma_start3A_1063 = tpu.memref_slice %arg6[%dma_start3A_1049, %dma_start3A_1061, %dma_start3A_1062] : memref<10x64x128xf32, #tpu.memory_space<vmem>> -> memref<1x64x128xf32, #tpu.memory_space<vmem>>
      %dma_start3A_1064 = tpu.memref_squeeze %dma_start3A_1063 : memref<1x64x128xf32, #tpu.memory_space<vmem>> -> memref<64x128xf32, #tpu.memory_space<vmem>>
      tpu.enqueue_dma source(%dma_start3A_1064 : memref<64x128xf32, #tpu.memory_space<vmem>>) target(%dma_start3A_1060 : memref<64x128xf32, #tpu.memory_space<hbm>>) target_semaphore(%dma_start3A_1058 : memref<!tpu.dma_semaphore, #tpu.memory_space<semaphore_mem>>)
      %dma_wait3A_1065 = arith.constant 1 : i32
      %dma_wait3A_1066 = arith.constant 1 : i32
      %dma_wait3A_1067 = arith.constant 0 : i32
      %dma_wait3A_1068 = arith.constant 0 : i32
      %dma_wait3A_1069 = tpu.memref_slice %arg6[%dma_wait3A_1065, %dma_wait3A_1067, %dma_wait3A_1068] : memref<10x64x128xf32, #tpu.memory_space<vmem>> -> memref<1x64x128xf32, #tpu.memory_space<vmem>>
      %dma_wait3A_1070 = tpu.memref_squeeze %dma_wait3A_1069 : memref<1x64x128xf32, #tpu.memory_space<vmem>> -> memref<64x128xf32, #tpu.memory_space<vmem>>
      %dma_wait3A_1071 = arith.constant 0 : i32
      %dma_wait3A_1072 = arith.constant 0 : i32
      %dma_wait3A_1073 = tpu.memref_slice %arg2[%dma_wait3A_1071, %dma_wait3A_1072] : memref<100000x128xf32, #tpu.memory_space<hbm>> -> memref<64x128xf32, #tpu.memory_space<hbm>>
      %dma_wait3A_1074 = tpu.memref_slice %arg8[%dma_wait3A_1066] : memref<10x!tpu.dma_semaphore, #tpu.memory_space<semaphore_mem>> -> memref<1x!tpu.dma_semaphore, #tpu.memory_space<semaphore_mem>>
      %dma_wait3A_1075 = tpu.memref_squeeze %dma_wait3A_1074 : memref<1x!tpu.dma_semaphore, #tpu.memory_space<semaphore_mem>> -> memref<!tpu.dma_semaphore, #tpu.memory_space<semaphore_mem>>
      %dma_wait3A_1076 = arith.constant 0 : i32
      %dma_wait3A_1077 = arith.constant 0 : i32
      %dma_wait3A_1078 = tpu.memref_slice %arg6[%dma_wait3A_1065, %dma_wait3A_1076, %dma_wait3A_1077] : memref<10x64x128xf32, #tpu.memory_space<vmem>> -> memref<1x64x128xf32, #tpu.memory_space<vmem>>
      %dma_wait3A_1079 = tpu.memref_squeeze %dma_wait3A_1078 : memref<1x64x128xf32, #tpu.memory_space<vmem>> -> memref<64x128xf32, #tpu.memory_space<vmem>>
      %dma_wait3A_1080 = arith.constant 0 : i32
      %dma_wait3A_1081 = arith.constant 0 : i32
      %dma_wait3A_1082 = tpu.memref_slice %arg2[%dma_wait3A_1080, %dma_wait3A_1081] : memref<100000x128xf32, #tpu.memory_space<hbm>> -> memref<64x128xf32, #tpu.memory_space<hbm>>
      tpu.wait_dma2 semaphore(%dma_wait3A_1075 : memref<!tpu.dma_semaphore, #tpu.memory_space<semaphore_mem>>) src(%dma_wait3A_1082 : memref<64x128xf32, #tpu.memory_space<hbm>>) dst(%dma_wait3A_1079 : memref<64x128xf32, #tpu.memory_space<vmem>>)
      %add3A_1083 = arith.constant 1 : i32
      %add3A_1084 = arith.addi %mul3A_685, %add3A_1083 : i32
      %mul3A_1085 = arith.constant 64 : i32
      %mul3A_1086 = arith.muli %add3A_1084, %mul3A_1085 : i32
      %add3A_1087 = arith.addi %mul3A_2, %mul3A_1086 : i32
      %dma_start3A_1088 = arith.constant 1 : i32
      %dma_start3A_1089 = arith.constant 1 : i32
      %dma_start3A_1090 = arith.constant 0 : i32
      %dma_start3A_1091 = arith.constant 0 : i32
      %dma_start3A_1092 = tpu.memref_slice %arg6[%dma_start3A_1088, %dma_start3A_1090, %dma_start3A_1091] : memref<10x64x128xf32, #tpu.memory_space<vmem>> -> memref<1x64x128xf32, #tpu.memory_space<vmem>>
      %dma_start3A_1093 = tpu.memref_squeeze %dma_start3A_1092 : memref<1x64x128xf32, #tpu.memory_space<vmem>> -> memref<64x128xf32, #tpu.memory_space<vmem>>
      %dma_start3A_1094 = arith.constant 0 : i32
      %dma_start3A_1095 = tpu.memref_slice %arg4[%add3A_1087, %dma_start3A_1094] : memref<204800x128xf32, #tpu.memory_space<hbm>> -> memref<64x128xf32, #tpu.memory_space<hbm>>
      %dma_start3A_1096 = tpu.memref_slice %arg9[%dma_start3A_1089] : memref<10x!tpu.dma_semaphore, #tpu.memory_space<semaphore_mem>> -> memref<1x!tpu.dma_semaphore, #tpu.memory_space<semaphore_mem>>
      %dma_start3A_1097 = tpu.memref_squeeze %dma_start3A_1096 : memref<1x!tpu.dma_semaphore, #tpu.memory_space<semaphore_mem>> -> memref<!tpu.dma_semaphore, #tpu.memory_space<semaphore_mem>>
      %dma_start3A_1098 = arith.constant 0 : i32
      %dma_start3A_1099 = tpu.memref_slice %arg4[%add3A_1087, %dma_start3A_1098] : memref<204800x128xf32, #tpu.memory_space<hbm>> -> memref<64x128xf32, #tpu.memory_space<hbm>>
      %dma_start3A_1100 = arith.constant 0 : i32
      %dma_start3A_1101 = arith.constant 0 : i32
      %dma_start3A_1102 = tpu.memref_slice %arg6[%dma_start3A_1088, %dma_start3A_1100, %dma_start3A_1101] : memref<10x64x128xf32, #tpu.memory_space<vmem>> -> memref<1x64x128xf32, #tpu.memory_space<vmem>>
      %dma_start3A_1103 = tpu.memref_squeeze %dma_start3A_1102 : memref<1x64x128xf32, #tpu.memory_space<vmem>> -> memref<64x128xf32, #tpu.memory_space<vmem>>
      tpu.enqueue_dma source(%dma_start3A_1103 : memref<64x128xf32, #tpu.memory_space<vmem>>) target(%dma_start3A_1099 : memref<64x128xf32, #tpu.memory_space<hbm>>) target_semaphore(%dma_start3A_1097 : memref<!tpu.dma_semaphore, #tpu.memory_space<semaphore_mem>>)
      %dma_wait3A_1104 = arith.constant 2 : i32
      %dma_wait3A_1105 = arith.constant 2 : i32
      %dma_wait3A_1106 = arith.constant 0 : i32
      %dma_wait3A_1107 = arith.constant 0 : i32
      %dma_wait3A_1108 = tpu.memref_slice %arg6[%dma_wait3A_1104, %dma_wait3A_1106, %dma_wait3A_1107] : memref<10x64x128xf32, #tpu.memory_space<vmem>> -> memref<1x64x128xf32, #tpu.memory_space<vmem>>
      %dma_wait3A_1109 = tpu.memref_squeeze %dma_wait3A_1108 : memref<1x64x128xf32, #tpu.memory_space<vmem>> -> memref<64x128xf32, #tpu.memory_space<vmem>>
      %dma_wait3A_1110 = arith.constant 0 : i32
      %dma_wait3A_1111 = arith.constant 0 : i32
      %dma_wait3A_1112 = tpu.memref_slice %arg2[%dma_wait3A_1110, %dma_wait3A_1111] : memref<100000x128xf32, #tpu.memory_space<hbm>> -> memref<64x128xf32, #tpu.memory_space<hbm>>
      %dma_wait3A_1113 = tpu.memref_slice %arg8[%dma_wait3A_1105] : memref<10x!tpu.dma_semaphore, #tpu.memory_space<semaphore_mem>> -> memref<1x!tpu.dma_semaphore, #tpu.memory_space<semaphore_mem>>
      %dma_wait3A_1114 = tpu.memref_squeeze %dma_wait3A_1113 : memref<1x!tpu.dma_semaphore, #tpu.memory_space<semaphore_mem>> -> memref<!tpu.dma_semaphore, #tpu.memory_space<semaphore_mem>>
      %dma_wait3A_1115 = arith.constant 0 : i32
      %dma_wait3A_1116 = arith.constant 0 : i32
      %dma_wait3A_1117 = tpu.memref_slice %arg6[%dma_wait3A_1104, %dma_wait3A_1115, %dma_wait3A_1116] : memref<10x64x128xf32, #tpu.memory_space<vmem>> -> memref<1x64x128xf32, #tpu.memory_space<vmem>>
      %dma_wait3A_1118 = tpu.memref_squeeze %dma_wait3A_1117 : memref<1x64x128xf32, #tpu.memory_space<vmem>> -> memref<64x128xf32, #tpu.memory_space<vmem>>
      %dma_wait3A_1119 = arith.constant 0 : i32
      %dma_wait3A_1120 = arith.constant 0 : i32
      %dma_wait3A_1121 = tpu.memref_slice %arg2[%dma_wait3A_1119, %dma_wait3A_1120] : memref<100000x128xf32, #tpu.memory_space<hbm>> -> memref<64x128xf32, #tpu.memory_space<hbm>>
      tpu.wait_dma2 semaphore(%dma_wait3A_1114 : memref<!tpu.dma_semaphore, #tpu.memory_space<semaphore_mem>>) src(%dma_wait3A_1121 : memref<64x128xf32, #tpu.memory_space<hbm>>) dst(%dma_wait3A_1118 : memref<64x128xf32, #tpu.memory_space<vmem>>)
      %add3A_1122 = arith.constant 2 : i32
      %add3A_1123 = arith.addi %mul3A_685, %add3A_1122 : i32
      %mul3A_1124 = arith.constant 64 : i32
      %mul3A_1125 = arith.muli %add3A_1123, %mul3A_1124 : i32
      %add3A_1126 = arith.addi %mul3A_2, %mul3A_1125 : i32
      %dma_start3A_1127 = arith.constant 2 : i32
      %dma_start3A_1128 = arith.constant 2 : i32
      %dma_start3A_1129 = arith.constant 0 : i32
      %dma_start3A_1130 = arith.constant 0 : i32
      %dma_start3A_1131 = tpu.memref_slice %arg6[%dma_start3A_1127, %dma_start3A_1129, %dma_start3A_1130] : memref<10x64x128xf32, #tpu.memory_space<vmem>> -> memref<1x64x128xf32, #tpu.memory_space<vmem>>
      %dma_start3A_1132 = tpu.memref_squeeze %dma_start3A_1131 : memref<1x64x128xf32, #tpu.memory_space<vmem>> -> memref<64x128xf32, #tpu.memory_space<vmem>>
      %dma_start3A_1133 = arith.constant 0 : i32
      %dma_start3A_1134 = tpu.memref_slice %arg4[%add3A_1126, %dma_start3A_1133] : memref<204800x128xf32, #tpu.memory_space<hbm>> -> memref<64x128xf32, #tpu.memory_space<hbm>>
      %dma_start3A_1135 = tpu.memref_slice %arg9[%dma_start3A_1128] : memref<10x!tpu.dma_semaphore, #tpu.memory_space<semaphore_mem>> -> memref<1x!tpu.dma_semaphore, #tpu.memory_space<semaphore_mem>>
      %dma_start3A_1136 = tpu.memref_squeeze %dma_start3A_1135 : memref<1x!tpu.dma_semaphore, #tpu.memory_space<semaphore_mem>> -> memref<!tpu.dma_semaphore, #tpu.memory_space<semaphore_mem>>
      %dma_start3A_1137 = arith.constant 0 : i32
      %dma_start3A_1138 = tpu.memref_slice %arg4[%add3A_1126, %dma_start3A_1137] : memref<204800x128xf32, #tpu.memory_space<hbm>> -> memref<64x128xf32, #tpu.memory_space<hbm>>
      %dma_start3A_1139 = arith.constant 0 : i32
      %dma_start3A_1140 = arith.constant 0 : i32
      %dma_start3A_1141 = tpu.memref_slice %arg6[%dma_start3A_1127, %dma_start3A_1139, %dma_start3A_1140] : memref<10x64x128xf32, #tpu.memory_space<vmem>> -> memref<1x64x128xf32, #tpu.memory_space<vmem>>
      %dma_start3A_1142 = tpu.memref_squeeze %dma_start3A_1141 : memref<1x64x128xf32, #tpu.memory_space<vmem>> -> memref<64x128xf32, #tpu.memory_space<vmem>>
      tpu.enqueue_dma source(%dma_start3A_1142 : memref<64x128xf32, #tpu.memory_space<vmem>>) target(%dma_start3A_1138 : memref<64x128xf32, #tpu.memory_space<hbm>>) target_semaphore(%dma_start3A_1136 : memref<!tpu.dma_semaphore, #tpu.memory_space<semaphore_mem>>)
      %dma_wait3A_1143 = arith.constant 3 : i32
      %dma_wait3A_1144 = arith.constant 3 : i32
      %dma_wait3A_1145 = arith.constant 0 : i32
      %dma_wait3A_1146 = arith.constant 0 : i32
      %dma_wait3A_1147 = tpu.memref_slice %arg6[%dma_wait3A_1143, %dma_wait3A_1145, %dma_wait3A_1146] : memref<10x64x128xf32, #tpu.memory_space<vmem>> -> memref<1x64x128xf32, #tpu.memory_space<vmem>>
      %dma_wait3A_1148 = tpu.memref_squeeze %dma_wait3A_1147 : memref<1x64x128xf32, #tpu.memory_space<vmem>> -> memref<64x128xf32, #tpu.memory_space<vmem>>
      %dma_wait3A_1149 = arith.constant 0 : i32
      %dma_wait3A_1150 = arith.constant 0 : i32
      %dma_wait3A_1151 = tpu.memref_slice %arg2[%dma_wait3A_1149, %dma_wait3A_1150] : memref<100000x128xf32, #tpu.memory_space<hbm>> -> memref<64x128xf32, #tpu.memory_space<hbm>>
      %dma_wait3A_1152 = tpu.memref_slice %arg8[%dma_wait3A_1144] : memref<10x!tpu.dma_semaphore, #tpu.memory_space<semaphore_mem>> -> memref<1x!tpu.dma_semaphore, #tpu.memory_space<semaphore_mem>>
      %dma_wait3A_1153 = tpu.memref_squeeze %dma_wait3A_1152 : memref<1x!tpu.dma_semaphore, #tpu.memory_space<semaphore_mem>> -> memref<!tpu.dma_semaphore, #tpu.memory_space<semaphore_mem>>
      %dma_wait3A_1154 = arith.constant 0 : i32
      %dma_wait3A_1155 = arith.constant 0 : i32
      %dma_wait3A_1156 = tpu.memref_slice %arg6[%dma_wait3A_1143, %dma_wait3A_1154, %dma_wait3A_1155] : memref<10x64x128xf32, #tpu.memory_space<vmem>> -> memref<1x64x128xf32, #tpu.memory_space<vmem>>
      %dma_wait3A_1157 = tpu.memref_squeeze %dma_wait3A_1156 : memref<1x64x128xf32, #tpu.memory_space<vmem>> -> memref<64x128xf32, #tpu.memory_space<vmem>>
      %dma_wait3A_1158 = arith.constant 0 : i32
      %dma_wait3A_1159 = arith.constant 0 : i32
      %dma_wait3A_1160 = tpu.memref_slice %arg2[%dma_wait3A_1158, %dma_wait3A_1159] : memref<100000x128xf32, #tpu.memory_space<hbm>> -> memref<64x128xf32, #tpu.memory_space<hbm>>
      tpu.wait_dma2 semaphore(%dma_wait3A_1153 : memref<!tpu.dma_semaphore, #tpu.memory_space<semaphore_mem>>) src(%dma_wait3A_1160 : memref<64x128xf32, #tpu.memory_space<hbm>>) dst(%dma_wait3A_1157 : memref<64x128xf32, #tpu.memory_space<vmem>>)
      %add3A_1161 = arith.constant 3 : i32
      %add3A_1162 = arith.addi %mul3A_685, %add3A_1161 : i32
      %mul3A_1163 = arith.constant 64 : i32
      %mul3A_1164 = arith.muli %add3A_1162, %mul3A_1163 : i32
      %add3A_1165 = arith.addi %mul3A_2, %mul3A_1164 : i32
      %dma_start3A_1166 = arith.constant 3 : i32
      %dma_start3A_1167 = arith.constant 3 : i32
      %dma_start3A_1168 = arith.constant 0 : i32
      %dma_start3A_1169 = arith.constant 0 : i32
      %dma_start3A_1170 = tpu.memref_slice %arg6[%dma_start3A_1166, %dma_start3A_1168, %dma_start3A_1169] : memref<10x64x128xf32, #tpu.memory_space<vmem>> -> memref<1x64x128xf32, #tpu.memory_space<vmem>>
      %dma_start3A_1171 = tpu.memref_squeeze %dma_start3A_1170 : memref<1x64x128xf32, #tpu.memory_space<vmem>> -> memref<64x128xf32, #tpu.memory_space<vmem>>
      %dma_start3A_1172 = arith.constant 0 : i32
      %dma_start3A_1173 = tpu.memref_slice %arg4[%add3A_1165, %dma_start3A_1172] : memref<204800x128xf32, #tpu.memory_space<hbm>> -> memref<64x128xf32, #tpu.memory_space<hbm>>
      %dma_start3A_1174 = tpu.memref_slice %arg9[%dma_start3A_1167] : memref<10x!tpu.dma_semaphore, #tpu.memory_space<semaphore_mem>> -> memref<1x!tpu.dma_semaphore, #tpu.memory_space<semaphore_mem>>
      %dma_start3A_1175 = tpu.memref_squeeze %dma_start3A_1174 : memref<1x!tpu.dma_semaphore, #tpu.memory_space<semaphore_mem>> -> memref<!tpu.dma_semaphore, #tpu.memory_space<semaphore_mem>>
      %dma_start3A_1176 = arith.constant 0 : i32
      %dma_start3A_1177 = tpu.memref_slice %arg4[%add3A_1165, %dma_start3A_1176] : memref<204800x128xf32, #tpu.memory_space<hbm>> -> memref<64x128xf32, #tpu.memory_space<hbm>>
      %dma_start3A_1178 = arith.constant 0 : i32
      %dma_start3A_1179 = arith.constant 0 : i32
      %dma_start3A_1180 = tpu.memref_slice %arg6[%dma_start3A_1166, %dma_start3A_1178, %dma_start3A_1179] : memref<10x64x128xf32, #tpu.memory_space<vmem>> -> memref<1x64x128xf32, #tpu.memory_space<vmem>>
      %dma_start3A_1181 = tpu.memref_squeeze %dma_start3A_1180 : memref<1x64x128xf32, #tpu.memory_space<vmem>> -> memref<64x128xf32, #tpu.memory_space<vmem>>
      tpu.enqueue_dma source(%dma_start3A_1181 : memref<64x128xf32, #tpu.memory_space<vmem>>) target(%dma_start3A_1177 : memref<64x128xf32, #tpu.memory_space<hbm>>) target_semaphore(%dma_start3A_1175 : memref<!tpu.dma_semaphore, #tpu.memory_space<semaphore_mem>>)
      %dma_wait3A_1182 = arith.constant 4 : i32
      %dma_wait3A_1183 = arith.constant 4 : i32
      %dma_wait3A_1184 = arith.constant 0 : i32
      %dma_wait3A_1185 = arith.constant 0 : i32
      %dma_wait3A_1186 = tpu.memref_slice %arg6[%dma_wait3A_1182, %dma_wait3A_1184, %dma_wait3A_1185] : memref<10x64x128xf32, #tpu.memory_space<vmem>> -> memref<1x64x128xf32, #tpu.memory_space<vmem>>
      %dma_wait3A_1187 = tpu.memref_squeeze %dma_wait3A_1186 : memref<1x64x128xf32, #tpu.memory_space<vmem>> -> memref<64x128xf32, #tpu.memory_space<vmem>>
      %dma_wait3A_1188 = arith.constant 0 : i32
      %dma_wait3A_1189 = arith.constant 0 : i32
      %dma_wait3A_1190 = tpu.memref_slice %arg2[%dma_wait3A_1188, %dma_wait3A_1189] : memref<100000x128xf32, #tpu.memory_space<hbm>> -> memref<64x128xf32, #tpu.memory_space<hbm>>
      %dma_wait3A_1191 = tpu.memref_slice %arg8[%dma_wait3A_1183] : memref<10x!tpu.dma_semaphore, #tpu.memory_space<semaphore_mem>> -> memref<1x!tpu.dma_semaphore, #tpu.memory_space<semaphore_mem>>
      %dma_wait3A_1192 = tpu.memref_squeeze %dma_wait3A_1191 : memref<1x!tpu.dma_semaphore, #tpu.memory_space<semaphore_mem>> -> memref<!tpu.dma_semaphore, #tpu.memory_space<semaphore_mem>>
      %dma_wait3A_1193 = arith.constant 0 : i32
      %dma_wait3A_1194 = arith.constant 0 : i32
      %dma_wait3A_1195 = tpu.memref_slice %arg6[%dma_wait3A_1182, %dma_wait3A_1193, %dma_wait3A_1194] : memref<10x64x128xf32, #tpu.memory_space<vmem>> -> memref<1x64x128xf32, #tpu.memory_space<vmem>>
      %dma_wait3A_1196 = tpu.memref_squeeze %dma_wait3A_1195 : memref<1x64x128xf32, #tpu.memory_space<vmem>> -> memref<64x128xf32, #tpu.memory_space<vmem>>
      %dma_wait3A_1197 = arith.constant 0 : i32
      %dma_wait3A_1198 = arith.constant 0 : i32
      %dma_wait3A_1199 = tpu.memref_slice %arg2[%dma_wait3A_1197, %dma_wait3A_1198] : memref<100000x128xf32, #tpu.memory_space<hbm>> -> memref<64x128xf32, #tpu.memory_space<hbm>>
      tpu.wait_dma2 semaphore(%dma_wait3A_1192 : memref<!tpu.dma_semaphore, #tpu.memory_space<semaphore_mem>>) src(%dma_wait3A_1199 : memref<64x128xf32, #tpu.memory_space<hbm>>) dst(%dma_wait3A_1196 : memref<64x128xf32, #tpu.memory_space<vmem>>)
      %add3A_1200 = arith.constant 4 : i32
      %add3A_1201 = arith.addi %mul3A_685, %add3A_1200 : i32
      %mul3A_1202 = arith.constant 64 : i32
      %mul3A_1203 = arith.muli %add3A_1201, %mul3A_1202 : i32
      %add3A_1204 = arith.addi %mul3A_2, %mul3A_1203 : i32
      %dma_start3A_1205 = arith.constant 4 : i32
      %dma_start3A_1206 = arith.constant 4 : i32
      %dma_start3A_1207 = arith.constant 0 : i32
      %dma_start3A_1208 = arith.constant 0 : i32
      %dma_start3A_1209 = tpu.memref_slice %arg6[%dma_start3A_1205, %dma_start3A_1207, %dma_start3A_1208] : memref<10x64x128xf32, #tpu.memory_space<vmem>> -> memref<1x64x128xf32, #tpu.memory_space<vmem>>
      %dma_start3A_1210 = tpu.memref_squeeze %dma_start3A_1209 : memref<1x64x128xf32, #tpu.memory_space<vmem>> -> memref<64x128xf32, #tpu.memory_space<vmem>>
      %dma_start3A_1211 = arith.constant 0 : i32
      %dma_start3A_1212 = tpu.memref_slice %arg4[%add3A_1204, %dma_start3A_1211] : memref<204800x128xf32, #tpu.memory_space<hbm>> -> memref<64x128xf32, #tpu.memory_space<hbm>>
      %dma_start3A_1213 = tpu.memref_slice %arg9[%dma_start3A_1206] : memref<10x!tpu.dma_semaphore, #tpu.memory_space<semaphore_mem>> -> memref<1x!tpu.dma_semaphore, #tpu.memory_space<semaphore_mem>>
      %dma_start3A_1214 = tpu.memref_squeeze %dma_start3A_1213 : memref<1x!tpu.dma_semaphore, #tpu.memory_space<semaphore_mem>> -> memref<!tpu.dma_semaphore, #tpu.memory_space<semaphore_mem>>
      %dma_start3A_1215 = arith.constant 0 : i32
      %dma_start3A_1216 = tpu.memref_slice %arg4[%add3A_1204, %dma_start3A_1215] : memref<204800x128xf32, #tpu.memory_space<hbm>> -> memref<64x128xf32, #tpu.memory_space<hbm>>
      %dma_start3A_1217 = arith.constant 0 : i32
      %dma_start3A_1218 = arith.constant 0 : i32
      %dma_start3A_1219 = tpu.memref_slice %arg6[%dma_start3A_1205, %dma_start3A_1217, %dma_start3A_1218] : memref<10x64x128xf32, #tpu.memory_space<vmem>> -> memref<1x64x128xf32, #tpu.memory_space<vmem>>
      %dma_start3A_1220 = tpu.memref_squeeze %dma_start3A_1219 : memref<1x64x128xf32, #tpu.memory_space<vmem>> -> memref<64x128xf32, #tpu.memory_space<vmem>>
      tpu.enqueue_dma source(%dma_start3A_1220 : memref<64x128xf32, #tpu.memory_space<vmem>>) target(%dma_start3A_1216 : memref<64x128xf32, #tpu.memory_space<hbm>>) target_semaphore(%dma_start3A_1214 : memref<!tpu.dma_semaphore, #tpu.memory_space<semaphore_mem>>)
      %dma_wait3A_1221 = arith.constant 5 : i32
      %dma_wait3A_1222 = arith.constant 5 : i32
      %dma_wait3A_1223 = arith.constant 0 : i32
      %dma_wait3A_1224 = arith.constant 0 : i32
      %dma_wait3A_1225 = tpu.memref_slice %arg6[%dma_wait3A_1221, %dma_wait3A_1223, %dma_wait3A_1224] : memref<10x64x128xf32, #tpu.memory_space<vmem>> -> memref<1x64x128xf32, #tpu.memory_space<vmem>>
      %dma_wait3A_1226 = tpu.memref_squeeze %dma_wait3A_1225 : memref<1x64x128xf32, #tpu.memory_space<vmem>> -> memref<64x128xf32, #tpu.memory_space<vmem>>
      %dma_wait3A_1227 = arith.constant 0 : i32
      %dma_wait3A_1228 = arith.constant 0 : i32
      %dma_wait3A_1229 = tpu.memref_slice %arg2[%dma_wait3A_1227, %dma_wait3A_1228] : memref<100000x128xf32, #tpu.memory_space<hbm>> -> memref<64x128xf32, #tpu.memory_space<hbm>>
      %dma_wait3A_1230 = tpu.memref_slice %arg8[%dma_wait3A_1222] : memref<10x!tpu.dma_semaphore, #tpu.memory_space<semaphore_mem>> -> memref<1x!tpu.dma_semaphore, #tpu.memory_space<semaphore_mem>>
      %dma_wait3A_1231 = tpu.memref_squeeze %dma_wait3A_1230 : memref<1x!tpu.dma_semaphore, #tpu.memory_space<semaphore_mem>> -> memref<!tpu.dma_semaphore, #tpu.memory_space<semaphore_mem>>
      %dma_wait3A_1232 = arith.constant 0 : i32
      %dma_wait3A_1233 = arith.constant 0 : i32
      %dma_wait3A_1234 = tpu.memref_slice %arg6[%dma_wait3A_1221, %dma_wait3A_1232, %dma_wait3A_1233] : memref<10x64x128xf32, #tpu.memory_space<vmem>> -> memref<1x64x128xf32, #tpu.memory_space<vmem>>
      %dma_wait3A_1235 = tpu.memref_squeeze %dma_wait3A_1234 : memref<1x64x128xf32, #tpu.memory_space<vmem>> -> memref<64x128xf32, #tpu.memory_space<vmem>>
      %dma_wait3A_1236 = arith.constant 0 : i32
      %dma_wait3A_1237 = arith.constant 0 : i32
      %dma_wait3A_1238 = tpu.memref_slice %arg2[%dma_wait3A_1236, %dma_wait3A_1237] : memref<100000x128xf32, #tpu.memory_space<hbm>> -> memref<64x128xf32, #tpu.memory_space<hbm>>
      tpu.wait_dma2 semaphore(%dma_wait3A_1231 : memref<!tpu.dma_semaphore, #tpu.memory_space<semaphore_mem>>) src(%dma_wait3A_1238 : memref<64x128xf32, #tpu.memory_space<hbm>>) dst(%dma_wait3A_1235 : memref<64x128xf32, #tpu.memory_space<vmem>>)
      %add3A_1239 = arith.constant 5 : i32
      %add3A_1240 = arith.addi %mul3A_685, %add3A_1239 : i32
      %mul3A_1241 = arith.constant 64 : i32
      %mul3A_1242 = arith.muli %add3A_1240, %mul3A_1241 : i32
      %add3A_1243 = arith.addi %mul3A_2, %mul3A_1242 : i32
      %dma_start3A_1244 = arith.constant 5 : i32
      %dma_start3A_1245 = arith.constant 5 : i32
      %dma_start3A_1246 = arith.constant 0 : i32
      %dma_start3A_1247 = arith.constant 0 : i32
      %dma_start3A_1248 = tpu.memref_slice %arg6[%dma_start3A_1244, %dma_start3A_1246, %dma_start3A_1247] : memref<10x64x128xf32, #tpu.memory_space<vmem>> -> memref<1x64x128xf32, #tpu.memory_space<vmem>>
      %dma_start3A_1249 = tpu.memref_squeeze %dma_start3A_1248 : memref<1x64x128xf32, #tpu.memory_space<vmem>> -> memref<64x128xf32, #tpu.memory_space<vmem>>
      %dma_start3A_1250 = arith.constant 0 : i32
      %dma_start3A_1251 = tpu.memref_slice %arg4[%add3A_1243, %dma_start3A_1250] : memref<204800x128xf32, #tpu.memory_space<hbm>> -> memref<64x128xf32, #tpu.memory_space<hbm>>
      %dma_start3A_1252 = tpu.memref_slice %arg9[%dma_start3A_1245] : memref<10x!tpu.dma_semaphore, #tpu.memory_space<semaphore_mem>> -> memref<1x!tpu.dma_semaphore, #tpu.memory_space<semaphore_mem>>
      %dma_start3A_1253 = tpu.memref_squeeze %dma_start3A_1252 : memref<1x!tpu.dma_semaphore, #tpu.memory_space<semaphore_mem>> -> memref<!tpu.dma_semaphore, #tpu.memory_space<semaphore_mem>>
      %dma_start3A_1254 = arith.constant 0 : i32
      %dma_start3A_1255 = tpu.memref_slice %arg4[%add3A_1243, %dma_start3A_1254] : memref<204800x128xf32, #tpu.memory_space<hbm>> -> memref<64x128xf32, #tpu.memory_space<hbm>>
      %dma_start3A_1256 = arith.constant 0 : i32
      %dma_start3A_1257 = arith.constant 0 : i32
      %dma_start3A_1258 = tpu.memref_slice %arg6[%dma_start3A_1244, %dma_start3A_1256, %dma_start3A_1257] : memref<10x64x128xf32, #tpu.memory_space<vmem>> -> memref<1x64x128xf32, #tpu.memory_space<vmem>>
      %dma_start3A_1259 = tpu.memref_squeeze %dma_start3A_1258 : memref<1x64x128xf32, #tpu.memory_space<vmem>> -> memref<64x128xf32, #tpu.memory_space<vmem>>
      tpu.enqueue_dma source(%dma_start3A_1259 : memref<64x128xf32, #tpu.memory_space<vmem>>) target(%dma_start3A_1255 : memref<64x128xf32, #tpu.memory_space<hbm>>) target_semaphore(%dma_start3A_1253 : memref<!tpu.dma_semaphore, #tpu.memory_space<semaphore_mem>>)
      %dma_wait3A_1260 = arith.constant 6 : i32
      %dma_wait3A_1261 = arith.constant 6 : i32
      %dma_wait3A_1262 = arith.constant 0 : i32
      %dma_wait3A_1263 = arith.constant 0 : i32
      %dma_wait3A_1264 = tpu.memref_slice %arg6[%dma_wait3A_1260, %dma_wait3A_1262, %dma_wait3A_1263] : memref<10x64x128xf32, #tpu.memory_space<vmem>> -> memref<1x64x128xf32, #tpu.memory_space<vmem>>
      %dma_wait3A_1265 = tpu.memref_squeeze %dma_wait3A_1264 : memref<1x64x128xf32, #tpu.memory_space<vmem>> -> memref<64x128xf32, #tpu.memory_space<vmem>>
      %dma_wait3A_1266 = arith.constant 0 : i32
      %dma_wait3A_1267 = arith.constant 0 : i32
      %dma_wait3A_1268 = tpu.memref_slice %arg2[%dma_wait3A_1266, %dma_wait3A_1267] : memref<100000x128xf32, #tpu.memory_space<hbm>> -> memref<64x128xf32, #tpu.memory_space<hbm>>
      %dma_wait3A_1269 = tpu.memref_slice %arg8[%dma_wait3A_1261] : memref<10x!tpu.dma_semaphore, #tpu.memory_space<semaphore_mem>> -> memref<1x!tpu.dma_semaphore, #tpu.memory_space<semaphore_mem>>
      %dma_wait3A_1270 = tpu.memref_squeeze %dma_wait3A_1269 : memref<1x!tpu.dma_semaphore, #tpu.memory_space<semaphore_mem>> -> memref<!tpu.dma_semaphore, #tpu.memory_space<semaphore_mem>>
      %dma_wait3A_1271 = arith.constant 0 : i32
      %dma_wait3A_1272 = arith.constant 0 : i32
      %dma_wait3A_1273 = tpu.memref_slice %arg6[%dma_wait3A_1260, %dma_wait3A_1271, %dma_wait3A_1272] : memref<10x64x128xf32, #tpu.memory_space<vmem>> -> memref<1x64x128xf32, #tpu.memory_space<vmem>>
      %dma_wait3A_1274 = tpu.memref_squeeze %dma_wait3A_1273 : memref<1x64x128xf32, #tpu.memory_space<vmem>> -> memref<64x128xf32, #tpu.memory_space<vmem>>
      %dma_wait3A_1275 = arith.constant 0 : i32
      %dma_wait3A_1276 = arith.constant 0 : i32
      %dma_wait3A_1277 = tpu.memref_slice %arg2[%dma_wait3A_1275, %dma_wait3A_1276] : memref<100000x128xf32, #tpu.memory_space<hbm>> -> memref<64x128xf32, #tpu.memory_space<hbm>>
      tpu.wait_dma2 semaphore(%dma_wait3A_1270 : memref<!tpu.dma_semaphore, #tpu.memory_space<semaphore_mem>>) src(%dma_wait3A_1277 : memref<64x128xf32, #tpu.memory_space<hbm>>) dst(%dma_wait3A_1274 : memref<64x128xf32, #tpu.memory_space<vmem>>)
      %add3A_1278 = arith.constant 6 : i32
      %add3A_1279 = arith.addi %mul3A_685, %add3A_1278 : i32
      %mul3A_1280 = arith.constant 64 : i32
      %mul3A_1281 = arith.muli %add3A_1279, %mul3A_1280 : i32
      %add3A_1282 = arith.addi %mul3A_2, %mul3A_1281 : i32
      %dma_start3A_1283 = arith.constant 6 : i32
      %dma_start3A_1284 = arith.constant 6 : i32
      %dma_start3A_1285 = arith.constant 0 : i32
      %dma_start3A_1286 = arith.constant 0 : i32
      %dma_start3A_1287 = tpu.memref_slice %arg6[%dma_start3A_1283, %dma_start3A_1285, %dma_start3A_1286] : memref<10x64x128xf32, #tpu.memory_space<vmem>> -> memref<1x64x128xf32, #tpu.memory_space<vmem>>
      %dma_start3A_1288 = tpu.memref_squeeze %dma_start3A_1287 : memref<1x64x128xf32, #tpu.memory_space<vmem>> -> memref<64x128xf32, #tpu.memory_space<vmem>>
      %dma_start3A_1289 = arith.constant 0 : i32
      %dma_start3A_1290 = tpu.memref_slice %arg4[%add3A_1282, %dma_start3A_1289] : memref<204800x128xf32, #tpu.memory_space<hbm>> -> memref<64x128xf32, #tpu.memory_space<hbm>>
      %dma_start3A_1291 = tpu.memref_slice %arg9[%dma_start3A_1284] : memref<10x!tpu.dma_semaphore, #tpu.memory_space<semaphore_mem>> -> memref<1x!tpu.dma_semaphore, #tpu.memory_space<semaphore_mem>>
      %dma_start3A_1292 = tpu.memref_squeeze %dma_start3A_1291 : memref<1x!tpu.dma_semaphore, #tpu.memory_space<semaphore_mem>> -> memref<!tpu.dma_semaphore, #tpu.memory_space<semaphore_mem>>
      %dma_start3A_1293 = arith.constant 0 : i32
      %dma_start3A_1294 = tpu.memref_slice %arg4[%add3A_1282, %dma_start3A_1293] : memref<204800x128xf32, #tpu.memory_space<hbm>> -> memref<64x128xf32, #tpu.memory_space<hbm>>
      %dma_start3A_1295 = arith.constant 0 : i32
      %dma_start3A_1296 = arith.constant 0 : i32
      %dma_start3A_1297 = tpu.memref_slice %arg6[%dma_start3A_1283, %dma_start3A_1295, %dma_start3A_1296] : memref<10x64x128xf32, #tpu.memory_space<vmem>> -> memref<1x64x128xf32, #tpu.memory_space<vmem>>
      %dma_start3A_1298 = tpu.memref_squeeze %dma_start3A_1297 : memref<1x64x128xf32, #tpu.memory_space<vmem>> -> memref<64x128xf32, #tpu.memory_space<vmem>>
      tpu.enqueue_dma source(%dma_start3A_1298 : memref<64x128xf32, #tpu.memory_space<vmem>>) target(%dma_start3A_1294 : memref<64x128xf32, #tpu.memory_space<hbm>>) target_semaphore(%dma_start3A_1292 : memref<!tpu.dma_semaphore, #tpu.memory_space<semaphore_mem>>)
      %dma_wait3A_1299 = arith.constant 7 : i32
      %dma_wait3A_1300 = arith.constant 7 : i32
      %dma_wait3A_1301 = arith.constant 0 : i32
      %dma_wait3A_1302 = arith.constant 0 : i32
      %dma_wait3A_1303 = tpu.memref_slice %arg6[%dma_wait3A_1299, %dma_wait3A_1301, %dma_wait3A_1302] : memref<10x64x128xf32, #tpu.memory_space<vmem>> -> memref<1x64x128xf32, #tpu.memory_space<vmem>>
      %dma_wait3A_1304 = tpu.memref_squeeze %dma_wait3A_1303 : memref<1x64x128xf32, #tpu.memory_space<vmem>> -> memref<64x128xf32, #tpu.memory_space<vmem>>
      %dma_wait3A_1305 = arith.constant 0 : i32
      %dma_wait3A_1306 = arith.constant 0 : i32
      %dma_wait3A_1307 = tpu.memref_slice %arg2[%dma_wait3A_1305, %dma_wait3A_1306] : memref<100000x128xf32, #tpu.memory_space<hbm>> -> memref<64x128xf32, #tpu.memory_space<hbm>>
      %dma_wait3A_1308 = tpu.memref_slice %arg8[%dma_wait3A_1300] : memref<10x!tpu.dma_semaphore, #tpu.memory_space<semaphore_mem>> -> memref<1x!tpu.dma_semaphore, #tpu.memory_space<semaphore_mem>>
      %dma_wait3A_1309 = tpu.memref_squeeze %dma_wait3A_1308 : memref<1x!tpu.dma_semaphore, #tpu.memory_space<semaphore_mem>> -> memref<!tpu.dma_semaphore, #tpu.memory_space<semaphore_mem>>
      %dma_wait3A_1310 = arith.constant 0 : i32
      %dma_wait3A_1311 = arith.constant 0 : i32
      %dma_wait3A_1312 = tpu.memref_slice %arg6[%dma_wait3A_1299, %dma_wait3A_1310, %dma_wait3A_1311] : memref<10x64x128xf32, #tpu.memory_space<vmem>> -> memref<1x64x128xf32, #tpu.memory_space<vmem>>
      %dma_wait3A_1313 = tpu.memref_squeeze %dma_wait3A_1312 : memref<1x64x128xf32, #tpu.memory_space<vmem>> -> memref<64x128xf32, #tpu.memory_space<vmem>>
      %dma_wait3A_1314 = arith.constant 0 : i32
      %dma_wait3A_1315 = arith.constant 0 : i32
      %dma_wait3A_1316 = tpu.memref_slice %arg2[%dma_wait3A_1314, %dma_wait3A_1315] : memref<100000x128xf32, #tpu.memory_space<hbm>> -> memref<64x128xf32, #tpu.memory_space<hbm>>
      tpu.wait_dma2 semaphore(%dma_wait3A_1309 : memref<!tpu.dma_semaphore, #tpu.memory_space<semaphore_mem>>) src(%dma_wait3A_1316 : memref<64x128xf32, #tpu.memory_space<hbm>>) dst(%dma_wait3A_1313 : memref<64x128xf32, #tpu.memory_space<vmem>>)
      %add3A_1317 = arith.constant 7 : i32
      %add3A_1318 = arith.addi %mul3A_685, %add3A_1317 : i32
      %mul3A_1319 = arith.constant 64 : i32
      %mul3A_1320 = arith.muli %add3A_1318, %mul3A_1319 : i32
      %add3A_1321 = arith.addi %mul3A_2, %mul3A_1320 : i32
      %dma_start3A_1322 = arith.constant 7 : i32
      %dma_start3A_1323 = arith.constant 7 : i32
      %dma_start3A_1324 = arith.constant 0 : i32
      %dma_start3A_1325 = arith.constant 0 : i32
      %dma_start3A_1326 = tpu.memref_slice %arg6[%dma_start3A_1322, %dma_start3A_1324, %dma_start3A_1325] : memref<10x64x128xf32, #tpu.memory_space<vmem>> -> memref<1x64x128xf32, #tpu.memory_space<vmem>>
      %dma_start3A_1327 = tpu.memref_squeeze %dma_start3A_1326 : memref<1x64x128xf32, #tpu.memory_space<vmem>> -> memref<64x128xf32, #tpu.memory_space<vmem>>
      %dma_start3A_1328 = arith.constant 0 : i32
      %dma_start3A_1329 = tpu.memref_slice %arg4[%add3A_1321, %dma_start3A_1328] : memref<204800x128xf32, #tpu.memory_space<hbm>> -> memref<64x128xf32, #tpu.memory_space<hbm>>
      %dma_start3A_1330 = tpu.memref_slice %arg9[%dma_start3A_1323] : memref<10x!tpu.dma_semaphore, #tpu.memory_space<semaphore_mem>> -> memref<1x!tpu.dma_semaphore, #tpu.memory_space<semaphore_mem>>
      %dma_start3A_1331 = tpu.memref_squeeze %dma_start3A_1330 : memref<1x!tpu.dma_semaphore, #tpu.memory_space<semaphore_mem>> -> memref<!tpu.dma_semaphore, #tpu.memory_space<semaphore_mem>>
      %dma_start3A_1332 = arith.constant 0 : i32
      %dma_start3A_1333 = tpu.memref_slice %arg4[%add3A_1321, %dma_start3A_1332] : memref<204800x128xf32, #tpu.memory_space<hbm>> -> memref<64x128xf32, #tpu.memory_space<hbm>>
      %dma_start3A_1334 = arith.constant 0 : i32
      %dma_start3A_1335 = arith.constant 0 : i32
      %dma_start3A_1336 = tpu.memref_slice %arg6[%dma_start3A_1322, %dma_start3A_1334, %dma_start3A_1335] : memref<10x64x128xf32, #tpu.memory_space<vmem>> -> memref<1x64x128xf32, #tpu.memory_space<vmem>>
      %dma_start3A_1337 = tpu.memref_squeeze %dma_start3A_1336 : memref<1x64x128xf32, #tpu.memory_space<vmem>> -> memref<64x128xf32, #tpu.memory_space<vmem>>
      tpu.enqueue_dma source(%dma_start3A_1337 : memref<64x128xf32, #tpu.memory_space<vmem>>) target(%dma_start3A_1333 : memref<64x128xf32, #tpu.memory_space<hbm>>) target_semaphore(%dma_start3A_1331 : memref<!tpu.dma_semaphore, #tpu.memory_space<semaphore_mem>>)
      %dma_wait3A_1338 = arith.constant 8 : i32
      %dma_wait3A_1339 = arith.constant 8 : i32
      %dma_wait3A_1340 = arith.constant 0 : i32
      %dma_wait3A_1341 = arith.constant 0 : i32
      %dma_wait3A_1342 = tpu.memref_slice %arg6[%dma_wait3A_1338, %dma_wait3A_1340, %dma_wait3A_1341] : memref<10x64x128xf32, #tpu.memory_space<vmem>> -> memref<1x64x128xf32, #tpu.memory_space<vmem>>
      %dma_wait3A_1343 = tpu.memref_squeeze %dma_wait3A_1342 : memref<1x64x128xf32, #tpu.memory_space<vmem>> -> memref<64x128xf32, #tpu.memory_space<vmem>>
      %dma_wait3A_1344 = arith.constant 0 : i32
      %dma_wait3A_1345 = arith.constant 0 : i32
      %dma_wait3A_1346 = tpu.memref_slice %arg2[%dma_wait3A_1344, %dma_wait3A_1345] : memref<100000x128xf32, #tpu.memory_space<hbm>> -> memref<64x128xf32, #tpu.memory_space<hbm>>
      %dma_wait3A_1347 = tpu.memref_slice %arg8[%dma_wait3A_1339] : memref<10x!tpu.dma_semaphore, #tpu.memory_space<semaphore_mem>> -> memref<1x!tpu.dma_semaphore, #tpu.memory_space<semaphore_mem>>
      %dma_wait3A_1348 = tpu.memref_squeeze %dma_wait3A_1347 : memref<1x!tpu.dma_semaphore, #tpu.memory_space<semaphore_mem>> -> memref<!tpu.dma_semaphore, #tpu.memory_space<semaphore_mem>>
      %dma_wait3A_1349 = arith.constant 0 : i32
      %dma_wait3A_1350 = arith.constant 0 : i32
      %dma_wait3A_1351 = tpu.memref_slice %arg6[%dma_wait3A_1338, %dma_wait3A_1349, %dma_wait3A_1350] : memref<10x64x128xf32, #tpu.memory_space<vmem>> -> memref<1x64x128xf32, #tpu.memory_space<vmem>>
      %dma_wait3A_1352 = tpu.memref_squeeze %dma_wait3A_1351 : memref<1x64x128xf32, #tpu.memory_space<vmem>> -> memref<64x128xf32, #tpu.memory_space<vmem>>
      %dma_wait3A_1353 = arith.constant 0 : i32
      %dma_wait3A_1354 = arith.constant 0 : i32
      %dma_wait3A_1355 = tpu.memref_slice %arg2[%dma_wait3A_1353, %dma_wait3A_1354] : memref<100000x128xf32, #tpu.memory_space<hbm>> -> memref<64x128xf32, #tpu.memory_space<hbm>>
      tpu.wait_dma2 semaphore(%dma_wait3A_1348 : memref<!tpu.dma_semaphore, #tpu.memory_space<semaphore_mem>>) src(%dma_wait3A_1355 : memref<64x128xf32, #tpu.memory_space<hbm>>) dst(%dma_wait3A_1352 : memref<64x128xf32, #tpu.memory_space<vmem>>)
      %add3A_1356 = arith.constant 8 : i32
      %add3A_1357 = arith.addi %mul3A_685, %add3A_1356 : i32
      %mul3A_1358 = arith.constant 64 : i32
      %mul3A_1359 = arith.muli %add3A_1357, %mul3A_1358 : i32
      %add3A_1360 = arith.addi %mul3A_2, %mul3A_1359 : i32
      %dma_start3A_1361 = arith.constant 8 : i32
      %dma_start3A_1362 = arith.constant 8 : i32
      %dma_start3A_1363 = arith.constant 0 : i32
      %dma_start3A_1364 = arith.constant 0 : i32
      %dma_start3A_1365 = tpu.memref_slice %arg6[%dma_start3A_1361, %dma_start3A_1363, %dma_start3A_1364] : memref<10x64x128xf32, #tpu.memory_space<vmem>> -> memref<1x64x128xf32, #tpu.memory_space<vmem>>
      %dma_start3A_1366 = tpu.memref_squeeze %dma_start3A_1365 : memref<1x64x128xf32, #tpu.memory_space<vmem>> -> memref<64x128xf32, #tpu.memory_space<vmem>>
      %dma_start3A_1367 = arith.constant 0 : i32
      %dma_start3A_1368 = tpu.memref_slice %arg4[%add3A_1360, %dma_start3A_1367] : memref<204800x128xf32, #tpu.memory_space<hbm>> -> memref<64x128xf32, #tpu.memory_space<hbm>>
      %dma_start3A_1369 = tpu.memref_slice %arg9[%dma_start3A_1362] : memref<10x!tpu.dma_semaphore, #tpu.memory_space<semaphore_mem>> -> memref<1x!tpu.dma_semaphore, #tpu.memory_space<semaphore_mem>>
      %dma_start3A_1370 = tpu.memref_squeeze %dma_start3A_1369 : memref<1x!tpu.dma_semaphore, #tpu.memory_space<semaphore_mem>> -> memref<!tpu.dma_semaphore, #tpu.memory_space<semaphore_mem>>
      %dma_start3A_1371 = arith.constant 0 : i32
      %dma_start3A_1372 = tpu.memref_slice %arg4[%add3A_1360, %dma_start3A_1371] : memref<204800x128xf32, #tpu.memory_space<hbm>> -> memref<64x128xf32, #tpu.memory_space<hbm>>
      %dma_start3A_1373 = arith.constant 0 : i32
      %dma_start3A_1374 = arith.constant 0 : i32
      %dma_start3A_1375 = tpu.memref_slice %arg6[%dma_start3A_1361, %dma_start3A_1373, %dma_start3A_1374] : memref<10x64x128xf32, #tpu.memory_space<vmem>> -> memref<1x64x128xf32, #tpu.memory_space<vmem>>
      %dma_start3A_1376 = tpu.memref_squeeze %dma_start3A_1375 : memref<1x64x128xf32, #tpu.memory_space<vmem>> -> memref<64x128xf32, #tpu.memory_space<vmem>>
      tpu.enqueue_dma source(%dma_start3A_1376 : memref<64x128xf32, #tpu.memory_space<vmem>>) target(%dma_start3A_1372 : memref<64x128xf32, #tpu.memory_space<hbm>>) target_semaphore(%dma_start3A_1370 : memref<!tpu.dma_semaphore, #tpu.memory_space<semaphore_mem>>)
      %dma_wait3A_1377 = arith.constant 9 : i32
      %dma_wait3A_1378 = arith.constant 9 : i32
      %dma_wait3A_1379 = arith.constant 0 : i32
      %dma_wait3A_1380 = arith.constant 0 : i32
      %dma_wait3A_1381 = tpu.memref_slice %arg6[%dma_wait3A_1377, %dma_wait3A_1379, %dma_wait3A_1380] : memref<10x64x128xf32, #tpu.memory_space<vmem>> -> memref<1x64x128xf32, #tpu.memory_space<vmem>>
      %dma_wait3A_1382 = tpu.memref_squeeze %dma_wait3A_1381 : memref<1x64x128xf32, #tpu.memory_space<vmem>> -> memref<64x128xf32, #tpu.memory_space<vmem>>
      %dma_wait3A_1383 = arith.constant 0 : i32
      %dma_wait3A_1384 = arith.constant 0 : i32
      %dma_wait3A_1385 = tpu.memref_slice %arg2[%dma_wait3A_1383, %dma_wait3A_1384] : memref<100000x128xf32, #tpu.memory_space<hbm>> -> memref<64x128xf32, #tpu.memory_space<hbm>>
      %dma_wait3A_1386 = tpu.memref_slice %arg8[%dma_wait3A_1378] : memref<10x!tpu.dma_semaphore, #tpu.memory_space<semaphore_mem>> -> memref<1x!tpu.dma_semaphore, #tpu.memory_space<semaphore_mem>>
      %dma_wait3A_1387 = tpu.memref_squeeze %dma_wait3A_1386 : memref<1x!tpu.dma_semaphore, #tpu.memory_space<semaphore_mem>> -> memref<!tpu.dma_semaphore, #tpu.memory_space<semaphore_mem>>
      %dma_wait3A_1388 = arith.constant 0 : i32
      %dma_wait3A_1389 = arith.constant 0 : i32
      %dma_wait3A_1390 = tpu.memref_slice %arg6[%dma_wait3A_1377, %dma_wait3A_1388, %dma_wait3A_1389] : memref<10x64x128xf32, #tpu.memory_space<vmem>> -> memref<1x64x128xf32, #tpu.memory_space<vmem>>
      %dma_wait3A_1391 = tpu.memref_squeeze %dma_wait3A_1390 : memref<1x64x128xf32, #tpu.memory_space<vmem>> -> memref<64x128xf32, #tpu.memory_space<vmem>>
      %dma_wait3A_1392 = arith.constant 0 : i32
      %dma_wait3A_1393 = arith.constant 0 : i32
      %dma_wait3A_1394 = tpu.memref_slice %arg2[%dma_wait3A_1392, %dma_wait3A_1393] : memref<100000x128xf32, #tpu.memory_space<hbm>> -> memref<64x128xf32, #tpu.memory_space<hbm>>
      tpu.wait_dma2 semaphore(%dma_wait3A_1387 : memref<!tpu.dma_semaphore, #tpu.memory_space<semaphore_mem>>) src(%dma_wait3A_1394 : memref<64x128xf32, #tpu.memory_space<hbm>>) dst(%dma_wait3A_1391 : memref<64x128xf32, #tpu.memory_space<vmem>>)
      %add3A_1395 = arith.constant 9 : i32
      %add3A_1396 = arith.addi %mul3A_685, %add3A_1395 : i32
      %mul3A_1397 = arith.constant 64 : i32
      %mul3A_1398 = arith.muli %add3A_1396, %mul3A_1397 : i32
      %add3A_1399 = arith.addi %mul3A_2, %mul3A_1398 : i32
      %dma_start3A_1400 = arith.constant 9 : i32
      %dma_start3A_1401 = arith.constant 9 : i32
      %dma_start3A_1402 = arith.constant 0 : i32
      %dma_start3A_1403 = arith.constant 0 : i32
      %dma_start3A_1404 = tpu.memref_slice %arg6[%dma_start3A_1400, %dma_start3A_1402, %dma_start3A_1403] : memref<10x64x128xf32, #tpu.memory_space<vmem>> -> memref<1x64x128xf32, #tpu.memory_space<vmem>>
      %dma_start3A_1405 = tpu.memref_squeeze %dma_start3A_1404 : memref<1x64x128xf32, #tpu.memory_space<vmem>> -> memref<64x128xf32, #tpu.memory_space<vmem>>
      %dma_start3A_1406 = arith.constant 0 : i32
      %dma_start3A_1407 = tpu.memref_slice %arg4[%add3A_1399, %dma_start3A_1406] : memref<204800x128xf32, #tpu.memory_space<hbm>> -> memref<64x128xf32, #tpu.memory_space<hbm>>
      %dma_start3A_1408 = tpu.memref_slice %arg9[%dma_start3A_1401] : memref<10x!tpu.dma_semaphore, #tpu.memory_space<semaphore_mem>> -> memref<1x!tpu.dma_semaphore, #tpu.memory_space<semaphore_mem>>
      %dma_start3A_1409 = tpu.memref_squeeze %dma_start3A_1408 : memref<1x!tpu.dma_semaphore, #tpu.memory_space<semaphore_mem>> -> memref<!tpu.dma_semaphore, #tpu.memory_space<semaphore_mem>>
      %dma_start3A_1410 = arith.constant 0 : i32
      %dma_start3A_1411 = tpu.memref_slice %arg4[%add3A_1399, %dma_start3A_1410] : memref<204800x128xf32, #tpu.memory_space<hbm>> -> memref<64x128xf32, #tpu.memory_space<hbm>>
      %dma_start3A_1412 = arith.constant 0 : i32
      %dma_start3A_1413 = arith.constant 0 : i32
      %dma_start3A_1414 = tpu.memref_slice %arg6[%dma_start3A_1400, %dma_start3A_1412, %dma_start3A_1413] : memref<10x64x128xf32, #tpu.memory_space<vmem>> -> memref<1x64x128xf32, #tpu.memory_space<vmem>>
      %dma_start3A_1415 = tpu.memref_squeeze %dma_start3A_1414 : memref<1x64x128xf32, #tpu.memory_space<vmem>> -> memref<64x128xf32, #tpu.memory_space<vmem>>
      tpu.enqueue_dma source(%dma_start3A_1415 : memref<64x128xf32, #tpu.memory_space<vmem>>) target(%dma_start3A_1411 : memref<64x128xf32, #tpu.memory_space<hbm>>) target_semaphore(%dma_start3A_1409 : memref<!tpu.dma_semaphore, #tpu.memory_space<semaphore_mem>>)
    }
    %scan3A_498 = arith.constant 9 : i32
    %dma_wait3A_499 = arith.constant 0 : i32
    %dma_wait3A_500 = arith.constant 0 : i32
    %dma_wait3A_501 = arith.constant 0 : i32
    %dma_wait3A_502 = arith.constant 0 : i32
    %dma_wait3A_503 = tpu.memref_slice %arg6[%dma_wait3A_499, %dma_wait3A_501, %dma_wait3A_502] : memref<10x64x128xf32, #tpu.memory_space<vmem>> -> memref<1x64x128xf32, #tpu.memory_space<vmem>>
    %dma_wait3A_504 = tpu.memref_squeeze %dma_wait3A_503 : memref<1x64x128xf32, #tpu.memory_space<vmem>> -> memref<64x128xf32, #tpu.memory_space<vmem>>
    %dma_wait3A_505 = arith.constant 0 : i32
    %dma_wait3A_506 = arith.constant 0 : i32
    %dma_wait3A_507 = tpu.memref_slice %arg4[%dma_wait3A_505, %dma_wait3A_506] : memref<204800x128xf32, #tpu.memory_space<hbm>> -> memref<64x128xf32, #tpu.memory_space<hbm>>
    %dma_wait3A_508 = tpu.memref_slice %arg9[%dma_wait3A_500] : memref<10x!tpu.dma_semaphore, #tpu.memory_space<semaphore_mem>> -> memref<1x!tpu.dma_semaphore, #tpu.memory_space<semaphore_mem>>
    %dma_wait3A_509 = tpu.memref_squeeze %dma_wait3A_508 : memref<1x!tpu.dma_semaphore, #tpu.memory_space<semaphore_mem>> -> memref<!tpu.dma_semaphore, #tpu.memory_space<semaphore_mem>>
    %dma_wait3A_510 = arith.constant 0 : i32
    %dma_wait3A_511 = arith.constant 0 : i32
    %dma_wait3A_512 = tpu.memref_slice %arg6[%dma_wait3A_499, %dma_wait3A_510, %dma_wait3A_511] : memref<10x64x128xf32, #tpu.memory_space<vmem>> -> memref<1x64x128xf32, #tpu.memory_space<vmem>>
    %dma_wait3A_513 = tpu.memref_squeeze %dma_wait3A_512 : memref<1x64x128xf32, #tpu.memory_space<vmem>> -> memref<64x128xf32, #tpu.memory_space<vmem>>
    %dma_wait3A_514 = arith.constant 0 : i32
    %dma_wait3A_515 = arith.constant 0 : i32
    %dma_wait3A_516 = tpu.memref_slice %arg4[%dma_wait3A_514, %dma_wait3A_515] : memref<204800x128xf32, #tpu.memory_space<hbm>> -> memref<64x128xf32, #tpu.memory_space<hbm>>
    tpu.wait_dma2 semaphore(%dma_wait3A_509 : memref<!tpu.dma_semaphore, #tpu.memory_space<semaphore_mem>>) src(%dma_wait3A_516 : memref<64x128xf32, #tpu.memory_space<hbm>>) dst(%dma_wait3A_513 : memref<64x128xf32, #tpu.memory_space<vmem>>)
    %dma_wait3A_517 = arith.constant 1 : i32
    %dma_wait3A_518 = arith.constant 1 : i32
    %dma_wait3A_519 = arith.constant 0 : i32
    %dma_wait3A_520 = arith.constant 0 : i32
    %dma_wait3A_521 = tpu.memref_slice %arg6[%dma_wait3A_517, %dma_wait3A_519, %dma_wait3A_520] : memref<10x64x128xf32, #tpu.memory_space<vmem>> -> memref<1x64x128xf32, #tpu.memory_space<vmem>>
    %dma_wait3A_522 = tpu.memref_squeeze %dma_wait3A_521 : memref<1x64x128xf32, #tpu.memory_space<vmem>> -> memref<64x128xf32, #tpu.memory_space<vmem>>
    %dma_wait3A_523 = arith.constant 0 : i32
    %dma_wait3A_524 = arith.constant 0 : i32
    %dma_wait3A_525 = tpu.memref_slice %arg4[%dma_wait3A_523, %dma_wait3A_524] : memref<204800x128xf32, #tpu.memory_space<hbm>> -> memref<64x128xf32, #tpu.memory_space<hbm>>
    %dma_wait3A_526 = tpu.memref_slice %arg9[%dma_wait3A_518] : memref<10x!tpu.dma_semaphore, #tpu.memory_space<semaphore_mem>> -> memref<1x!tpu.dma_semaphore, #tpu.memory_space<semaphore_mem>>
    %dma_wait3A_527 = tpu.memref_squeeze %dma_wait3A_526 : memref<1x!tpu.dma_semaphore, #tpu.memory_space<semaphore_mem>> -> memref<!tpu.dma_semaphore, #tpu.memory_space<semaphore_mem>>
    %dma_wait3A_528 = arith.constant 0 : i32
    %dma_wait3A_529 = arith.constant 0 : i32
    %dma_wait3A_530 = tpu.memref_slice %arg6[%dma_wait3A_517, %dma_wait3A_528, %dma_wait3A_529] : memref<10x64x128xf32, #tpu.memory_space<vmem>> -> memref<1x64x128xf32, #tpu.memory_space<vmem>>
    %dma_wait3A_531 = tpu.memref_squeeze %dma_wait3A_530 : memref<1x64x128xf32, #tpu.memory_space<vmem>> -> memref<64x128xf32, #tpu.memory_space<vmem>>
    %dma_wait3A_532 = arith.constant 0 : i32
    %dma_wait3A_533 = arith.constant 0 : i32
    %dma_wait3A_534 = tpu.memref_slice %arg4[%dma_wait3A_532, %dma_wait3A_533] : memref<204800x128xf32, #tpu.memory_space<hbm>> -> memref<64x128xf32, #tpu.memory_space<hbm>>
    tpu.wait_dma2 semaphore(%dma_wait3A_527 : memref<!tpu.dma_semaphore, #tpu.memory_space<semaphore_mem>>) src(%dma_wait3A_534 : memref<64x128xf32, #tpu.memory_space<hbm>>) dst(%dma_wait3A_531 : memref<64x128xf32, #tpu.memory_space<vmem>>)
    %dma_wait3A_535 = arith.constant 2 : i32
    %dma_wait3A_536 = arith.constant 2 : i32
    %dma_wait3A_537 = arith.constant 0 : i32
    %dma_wait3A_538 = arith.constant 0 : i32
    %dma_wait3A_539 = tpu.memref_slice %arg6[%dma_wait3A_535, %dma_wait3A_537, %dma_wait3A_538] : memref<10x64x128xf32, #tpu.memory_space<vmem>> -> memref<1x64x128xf32, #tpu.memory_space<vmem>>
    %dma_wait3A_540 = tpu.memref_squeeze %dma_wait3A_539 : memref<1x64x128xf32, #tpu.memory_space<vmem>> -> memref<64x128xf32, #tpu.memory_space<vmem>>
    %dma_wait3A_541 = arith.constant 0 : i32
    %dma_wait3A_542 = arith.constant 0 : i32
    %dma_wait3A_543 = tpu.memref_slice %arg4[%dma_wait3A_541, %dma_wait3A_542] : memref<204800x128xf32, #tpu.memory_space<hbm>> -> memref<64x128xf32, #tpu.memory_space<hbm>>
    %dma_wait3A_544 = tpu.memref_slice %arg9[%dma_wait3A_536] : memref<10x!tpu.dma_semaphore, #tpu.memory_space<semaphore_mem>> -> memref<1x!tpu.dma_semaphore, #tpu.memory_space<semaphore_mem>>
    %dma_wait3A_545 = tpu.memref_squeeze %dma_wait3A_544 : memref<1x!tpu.dma_semaphore, #tpu.memory_space<semaphore_mem>> -> memref<!tpu.dma_semaphore, #tpu.memory_space<semaphore_mem>>
    %dma_wait3A_546 = arith.constant 0 : i32
    %dma_wait3A_547 = arith.constant 0 : i32
    %dma_wait3A_548 = tpu.memref_slice %arg6[%dma_wait3A_535, %dma_wait3A_546, %dma_wait3A_547] : memref<10x64x128xf32, #tpu.memory_space<vmem>> -> memref<1x64x128xf32, #tpu.memory_space<vmem>>
    %dma_wait3A_549 = tpu.memref_squeeze %dma_wait3A_548 : memref<1x64x128xf32, #tpu.memory_space<vmem>> -> memref<64x128xf32, #tpu.memory_space<vmem>>
    %dma_wait3A_550 = arith.constant 0 : i32
    %dma_wait3A_551 = arith.constant 0 : i32
    %dma_wait3A_552 = tpu.memref_slice %arg4[%dma_wait3A_550, %dma_wait3A_551] : memref<204800x128xf32, #tpu.memory_space<hbm>> -> memref<64x128xf32, #tpu.memory_space<hbm>>
    tpu.wait_dma2 semaphore(%dma_wait3A_545 : memref<!tpu.dma_semaphore, #tpu.memory_space<semaphore_mem>>) src(%dma_wait3A_552 : memref<64x128xf32, #tpu.memory_space<hbm>>) dst(%dma_wait3A_549 : memref<64x128xf32, #tpu.memory_space<vmem>>)
    %dma_wait3A_553 = arith.constant 3 : i32
    %dma_wait3A_554 = arith.constant 3 : i32
    %dma_wait3A_555 = arith.constant 0 : i32
    %dma_wait3A_556 = arith.constant 0 : i32
    %dma_wait3A_557 = tpu.memref_slice %arg6[%dma_wait3A_553, %dma_wait3A_555, %dma_wait3A_556] : memref<10x64x128xf32, #tpu.memory_space<vmem>> -> memref<1x64x128xf32, #tpu.memory_space<vmem>>
    %dma_wait3A_558 = tpu.memref_squeeze %dma_wait3A_557 : memref<1x64x128xf32, #tpu.memory_space<vmem>> -> memref<64x128xf32, #tpu.memory_space<vmem>>
    %dma_wait3A_559 = arith.constant 0 : i32
    %dma_wait3A_560 = arith.constant 0 : i32
    %dma_wait3A_561 = tpu.memref_slice %arg4[%dma_wait3A_559, %dma_wait3A_560] : memref<204800x128xf32, #tpu.memory_space<hbm>> -> memref<64x128xf32, #tpu.memory_space<hbm>>
    %dma_wait3A_562 = tpu.memref_slice %arg9[%dma_wait3A_554] : memref<10x!tpu.dma_semaphore, #tpu.memory_space<semaphore_mem>> -> memref<1x!tpu.dma_semaphore, #tpu.memory_space<semaphore_mem>>
    %dma_wait3A_563 = tpu.memref_squeeze %dma_wait3A_562 : memref<1x!tpu.dma_semaphore, #tpu.memory_space<semaphore_mem>> -> memref<!tpu.dma_semaphore, #tpu.memory_space<semaphore_mem>>
    %dma_wait3A_564 = arith.constant 0 : i32
    %dma_wait3A_565 = arith.constant 0 : i32
    %dma_wait3A_566 = tpu.memref_slice %arg6[%dma_wait3A_553, %dma_wait3A_564, %dma_wait3A_565] : memref<10x64x128xf32, #tpu.memory_space<vmem>> -> memref<1x64x128xf32, #tpu.memory_space<vmem>>
    %dma_wait3A_567 = tpu.memref_squeeze %dma_wait3A_566 : memref<1x64x128xf32, #tpu.memory_space<vmem>> -> memref<64x128xf32, #tpu.memory_space<vmem>>
    %dma_wait3A_568 = arith.constant 0 : i32
    %dma_wait3A_569 = arith.constant 0 : i32
    %dma_wait3A_570 = tpu.memref_slice %arg4[%dma_wait3A_568, %dma_wait3A_569] : memref<204800x128xf32, #tpu.memory_space<hbm>> -> memref<64x128xf32, #tpu.memory_space<hbm>>
    tpu.wait_dma2 semaphore(%dma_wait3A_563 : memref<!tpu.dma_semaphore, #tpu.memory_space<semaphore_mem>>) src(%dma_wait3A_570 : memref<64x128xf32, #tpu.memory_space<hbm>>) dst(%dma_wait3A_567 : memref<64x128xf32, #tpu.memory_space<vmem>>)
    %dma_wait3A_571 = arith.constant 4 : i32
    %dma_wait3A_572 = arith.constant 4 : i32
    %dma_wait3A_573 = arith.constant 0 : i32
    %dma_wait3A_574 = arith.constant 0 : i32
    %dma_wait3A_575 = tpu.memref_slice %arg6[%dma_wait3A_571, %dma_wait3A_573, %dma_wait3A_574] : memref<10x64x128xf32, #tpu.memory_space<vmem>> -> memref<1x64x128xf32, #tpu.memory_space<vmem>>
    %dma_wait3A_576 = tpu.memref_squeeze %dma_wait3A_575 : memref<1x64x128xf32, #tpu.memory_space<vmem>> -> memref<64x128xf32, #tpu.memory_space<vmem>>
    %dma_wait3A_577 = arith.constant 0 : i32
    %dma_wait3A_578 = arith.constant 0 : i32
    %dma_wait3A_579 = tpu.memref_slice %arg4[%dma_wait3A_577, %dma_wait3A_578] : memref<204800x128xf32, #tpu.memory_space<hbm>> -> memref<64x128xf32, #tpu.memory_space<hbm>>
    %dma_wait3A_580 = tpu.memref_slice %arg9[%dma_wait3A_572] : memref<10x!tpu.dma_semaphore, #tpu.memory_space<semaphore_mem>> -> memref<1x!tpu.dma_semaphore, #tpu.memory_space<semaphore_mem>>
    %dma_wait3A_581 = tpu.memref_squeeze %dma_wait3A_580 : memref<1x!tpu.dma_semaphore, #tpu.memory_space<semaphore_mem>> -> memref<!tpu.dma_semaphore, #tpu.memory_space<semaphore_mem>>
    %dma_wait3A_582 = arith.constant 0 : i32
    %dma_wait3A_583 = arith.constant 0 : i32
    %dma_wait3A_584 = tpu.memref_slice %arg6[%dma_wait3A_571, %dma_wait3A_582, %dma_wait3A_583] : memref<10x64x128xf32, #tpu.memory_space<vmem>> -> memref<1x64x128xf32, #tpu.memory_space<vmem>>
    %dma_wait3A_585 = tpu.memref_squeeze %dma_wait3A_584 : memref<1x64x128xf32, #tpu.memory_space<vmem>> -> memref<64x128xf32, #tpu.memory_space<vmem>>
    %dma_wait3A_586 = arith.constant 0 : i32
    %dma_wait3A_587 = arith.constant 0 : i32
    %dma_wait3A_588 = tpu.memref_slice %arg4[%dma_wait3A_586, %dma_wait3A_587] : memref<204800x128xf32, #tpu.memory_space<hbm>> -> memref<64x128xf32, #tpu.memory_space<hbm>>
    tpu.wait_dma2 semaphore(%dma_wait3A_581 : memref<!tpu.dma_semaphore, #tpu.memory_space<semaphore_mem>>) src(%dma_wait3A_588 : memref<64x128xf32, #tpu.memory_space<hbm>>) dst(%dma_wait3A_585 : memref<64x128xf32, #tpu.memory_space<vmem>>)
    %dma_wait3A_589 = arith.constant 5 : i32
    %dma_wait3A_590 = arith.constant 5 : i32
    %dma_wait3A_591 = arith.constant 0 : i32
    %dma_wait3A_592 = arith.constant 0 : i32
    %dma_wait3A_593 = tpu.memref_slice %arg6[%dma_wait3A_589, %dma_wait3A_591, %dma_wait3A_592] : memref<10x64x128xf32, #tpu.memory_space<vmem>> -> memref<1x64x128xf32, #tpu.memory_space<vmem>>
    %dma_wait3A_594 = tpu.memref_squeeze %dma_wait3A_593 : memref<1x64x128xf32, #tpu.memory_space<vmem>> -> memref<64x128xf32, #tpu.memory_space<vmem>>
    %dma_wait3A_595 = arith.constant 0 : i32
    %dma_wait3A_596 = arith.constant 0 : i32
    %dma_wait3A_597 = tpu.memref_slice %arg4[%dma_wait3A_595, %dma_wait3A_596] : memref<204800x128xf32, #tpu.memory_space<hbm>> -> memref<64x128xf32, #tpu.memory_space<hbm>>
    %dma_wait3A_598 = tpu.memref_slice %arg9[%dma_wait3A_590] : memref<10x!tpu.dma_semaphore, #tpu.memory_space<semaphore_mem>> -> memref<1x!tpu.dma_semaphore, #tpu.memory_space<semaphore_mem>>
    %dma_wait3A_599 = tpu.memref_squeeze %dma_wait3A_598 : memref<1x!tpu.dma_semaphore, #tpu.memory_space<semaphore_mem>> -> memref<!tpu.dma_semaphore, #tpu.memory_space<semaphore_mem>>
    %dma_wait3A_600 = arith.constant 0 : i32
    %dma_wait3A_601 = arith.constant 0 : i32
    %dma_wait3A_602 = tpu.memref_slice %arg6[%dma_wait3A_589, %dma_wait3A_600, %dma_wait3A_601] : memref<10x64x128xf32, #tpu.memory_space<vmem>> -> memref<1x64x128xf32, #tpu.memory_space<vmem>>
    %dma_wait3A_603 = tpu.memref_squeeze %dma_wait3A_602 : memref<1x64x128xf32, #tpu.memory_space<vmem>> -> memref<64x128xf32, #tpu.memory_space<vmem>>
    %dma_wait3A_604 = arith.constant 0 : i32
    %dma_wait3A_605 = arith.constant 0 : i32
    %dma_wait3A_606 = tpu.memref_slice %arg4[%dma_wait3A_604, %dma_wait3A_605] : memref<204800x128xf32, #tpu.memory_space<hbm>> -> memref<64x128xf32, #tpu.memory_space<hbm>>
    tpu.wait_dma2 semaphore(%dma_wait3A_599 : memref<!tpu.dma_semaphore, #tpu.memory_space<semaphore_mem>>) src(%dma_wait3A_606 : memref<64x128xf32, #tpu.memory_space<hbm>>) dst(%dma_wait3A_603 : memref<64x128xf32, #tpu.memory_space<vmem>>)
    %dma_wait3A_607 = arith.constant 6 : i32
    %dma_wait3A_608 = arith.constant 6 : i32
    %dma_wait3A_609 = arith.constant 0 : i32
    %dma_wait3A_610 = arith.constant 0 : i32
    %dma_wait3A_611 = tpu.memref_slice %arg6[%dma_wait3A_607, %dma_wait3A_609, %dma_wait3A_610] : memref<10x64x128xf32, #tpu.memory_space<vmem>> -> memref<1x64x128xf32, #tpu.memory_space<vmem>>
    %dma_wait3A_612 = tpu.memref_squeeze %dma_wait3A_611 : memref<1x64x128xf32, #tpu.memory_space<vmem>> -> memref<64x128xf32, #tpu.memory_space<vmem>>
    %dma_wait3A_613 = arith.constant 0 : i32
    %dma_wait3A_614 = arith.constant 0 : i32
    %dma_wait3A_615 = tpu.memref_slice %arg4[%dma_wait3A_613, %dma_wait3A_614] : memref<204800x128xf32, #tpu.memory_space<hbm>> -> memref<64x128xf32, #tpu.memory_space<hbm>>
    %dma_wait3A_616 = tpu.memref_slice %arg9[%dma_wait3A_608] : memref<10x!tpu.dma_semaphore, #tpu.memory_space<semaphore_mem>> -> memref<1x!tpu.dma_semaphore, #tpu.memory_space<semaphore_mem>>
    %dma_wait3A_617 = tpu.memref_squeeze %dma_wait3A_616 : memref<1x!tpu.dma_semaphore, #tpu.memory_space<semaphore_mem>> -> memref<!tpu.dma_semaphore, #tpu.memory_space<semaphore_mem>>
    %dma_wait3A_618 = arith.constant 0 : i32
    %dma_wait3A_619 = arith.constant 0 : i32
    %dma_wait3A_620 = tpu.memref_slice %arg6[%dma_wait3A_607, %dma_wait3A_618, %dma_wait3A_619] : memref<10x64x128xf32, #tpu.memory_space<vmem>> -> memref<1x64x128xf32, #tpu.memory_space<vmem>>
    %dma_wait3A_621 = tpu.memref_squeeze %dma_wait3A_620 : memref<1x64x128xf32, #tpu.memory_space<vmem>> -> memref<64x128xf32, #tpu.memory_space<vmem>>
    %dma_wait3A_622 = arith.constant 0 : i32
    %dma_wait3A_623 = arith.constant 0 : i32
    %dma_wait3A_624 = tpu.memref_slice %arg4[%dma_wait3A_622, %dma_wait3A_623] : memref<204800x128xf32, #tpu.memory_space<hbm>> -> memref<64x128xf32, #tpu.memory_space<hbm>>
    tpu.wait_dma2 semaphore(%dma_wait3A_617 : memref<!tpu.dma_semaphore, #tpu.memory_space<semaphore_mem>>) src(%dma_wait3A_624 : memref<64x128xf32, #tpu.memory_space<hbm>>) dst(%dma_wait3A_621 : memref<64x128xf32, #tpu.memory_space<vmem>>)
    %dma_wait3A_625 = arith.constant 7 : i32
    %dma_wait3A_626 = arith.constant 7 : i32
    %dma_wait3A_627 = arith.constant 0 : i32
    %dma_wait3A_628 = arith.constant 0 : i32
    %dma_wait3A_629 = tpu.memref_slice %arg6[%dma_wait3A_625, %dma_wait3A_627, %dma_wait3A_628] : memref<10x64x128xf32, #tpu.memory_space<vmem>> -> memref<1x64x128xf32, #tpu.memory_space<vmem>>
    %dma_wait3A_630 = tpu.memref_squeeze %dma_wait3A_629 : memref<1x64x128xf32, #tpu.memory_space<vmem>> -> memref<64x128xf32, #tpu.memory_space<vmem>>
    %dma_wait3A_631 = arith.constant 0 : i32
    %dma_wait3A_632 = arith.constant 0 : i32
    %dma_wait3A_633 = tpu.memref_slice %arg4[%dma_wait3A_631, %dma_wait3A_632] : memref<204800x128xf32, #tpu.memory_space<hbm>> -> memref<64x128xf32, #tpu.memory_space<hbm>>
    %dma_wait3A_634 = tpu.memref_slice %arg9[%dma_wait3A_626] : memref<10x!tpu.dma_semaphore, #tpu.memory_space<semaphore_mem>> -> memref<1x!tpu.dma_semaphore, #tpu.memory_space<semaphore_mem>>
    %dma_wait3A_635 = tpu.memref_squeeze %dma_wait3A_634 : memref<1x!tpu.dma_semaphore, #tpu.memory_space<semaphore_mem>> -> memref<!tpu.dma_semaphore, #tpu.memory_space<semaphore_mem>>
    %dma_wait3A_636 = arith.constant 0 : i32
    %dma_wait3A_637 = arith.constant 0 : i32
    %dma_wait3A_638 = tpu.memref_slice %arg6[%dma_wait3A_625, %dma_wait3A_636, %dma_wait3A_637] : memref<10x64x128xf32, #tpu.memory_space<vmem>> -> memref<1x64x128xf32, #tpu.memory_space<vmem>>
    %dma_wait3A_639 = tpu.memref_squeeze %dma_wait3A_638 : memref<1x64x128xf32, #tpu.memory_space<vmem>> -> memref<64x128xf32, #tpu.memory_space<vmem>>
    %dma_wait3A_640 = arith.constant 0 : i32
    %dma_wait3A_641 = arith.constant 0 : i32
    %dma_wait3A_642 = tpu.memref_slice %arg4[%dma_wait3A_640, %dma_wait3A_641] : memref<204800x128xf32, #tpu.memory_space<hbm>> -> memref<64x128xf32, #tpu.memory_space<hbm>>
    tpu.wait_dma2 semaphore(%dma_wait3A_635 : memref<!tpu.dma_semaphore, #tpu.memory_space<semaphore_mem>>) src(%dma_wait3A_642 : memref<64x128xf32, #tpu.memory_space<hbm>>) dst(%dma_wait3A_639 : memref<64x128xf32, #tpu.memory_space<vmem>>)
    %dma_wait3A_643 = arith.constant 8 : i32
    %dma_wait3A_644 = arith.constant 8 : i32
    %dma_wait3A_645 = arith.constant 0 : i32
    %dma_wait3A_646 = arith.constant 0 : i32
    %dma_wait3A_647 = tpu.memref_slice %arg6[%dma_wait3A_643, %dma_wait3A_645, %dma_wait3A_646] : memref<10x64x128xf32, #tpu.memory_space<vmem>> -> memref<1x64x128xf32, #tpu.memory_space<vmem>>
    %dma_wait3A_648 = tpu.memref_squeeze %dma_wait3A_647 : memref<1x64x128xf32, #tpu.memory_space<vmem>> -> memref<64x128xf32, #tpu.memory_space<vmem>>
    %dma_wait3A_649 = arith.constant 0 : i32
    %dma_wait3A_650 = arith.constant 0 : i32
    %dma_wait3A_651 = tpu.memref_slice %arg4[%dma_wait3A_649, %dma_wait3A_650] : memref<204800x128xf32, #tpu.memory_space<hbm>> -> memref<64x128xf32, #tpu.memory_space<hbm>>
    %dma_wait3A_652 = tpu.memref_slice %arg9[%dma_wait3A_644] : memref<10x!tpu.dma_semaphore, #tpu.memory_space<semaphore_mem>> -> memref<1x!tpu.dma_semaphore, #tpu.memory_space<semaphore_mem>>
    %dma_wait3A_653 = tpu.memref_squeeze %dma_wait3A_652 : memref<1x!tpu.dma_semaphore, #tpu.memory_space<semaphore_mem>> -> memref<!tpu.dma_semaphore, #tpu.memory_space<semaphore_mem>>
    %dma_wait3A_654 = arith.constant 0 : i32
    %dma_wait3A_655 = arith.constant 0 : i32
    %dma_wait3A_656 = tpu.memref_slice %arg6[%dma_wait3A_643, %dma_wait3A_654, %dma_wait3A_655] : memref<10x64x128xf32, #tpu.memory_space<vmem>> -> memref<1x64x128xf32, #tpu.memory_space<vmem>>
    %dma_wait3A_657 = tpu.memref_squeeze %dma_wait3A_656 : memref<1x64x128xf32, #tpu.memory_space<vmem>> -> memref<64x128xf32, #tpu.memory_space<vmem>>
    %dma_wait3A_658 = arith.constant 0 : i32
    %dma_wait3A_659 = arith.constant 0 : i32
    %dma_wait3A_660 = tpu.memref_slice %arg4[%dma_wait3A_658, %dma_wait3A_659] : memref<204800x128xf32, #tpu.memory_space<hbm>> -> memref<64x128xf32, #tpu.memory_space<hbm>>
    tpu.wait_dma2 semaphore(%dma_wait3A_653 : memref<!tpu.dma_semaphore, #tpu.memory_space<semaphore_mem>>) src(%dma_wait3A_660 : memref<64x128xf32, #tpu.memory_space<hbm>>) dst(%dma_wait3A_657 : memref<64x128xf32, #tpu.memory_space<vmem>>)
    %dma_wait3A_661 = arith.constant 9 : i32
    %dma_wait3A_662 = arith.constant 9 : i32
    %dma_wait3A_663 = arith.constant 0 : i32
    %dma_wait3A_664 = arith.constant 0 : i32
    %dma_wait3A_665 = tpu.memref_slice %arg6[%dma_wait3A_661, %dma_wait3A_663, %dma_wait3A_664] : memref<10x64x128xf32, #tpu.memory_space<vmem>> -> memref<1x64x128xf32, #tpu.memory_space<vmem>>
    %dma_wait3A_666 = tpu.memref_squeeze %dma_wait3A_665 : memref<1x64x128xf32, #tpu.memory_space<vmem>> -> memref<64x128xf32, #tpu.memory_space<vmem>>
    %dma_wait3A_667 = arith.constant 0 : i32
    %dma_wait3A_668 = arith.constant 0 : i32
    %dma_wait3A_669 = tpu.memref_slice %arg4[%dma_wait3A_667, %dma_wait3A_668] : memref<204800x128xf32, #tpu.memory_space<hbm>> -> memref<64x128xf32, #tpu.memory_space<hbm>>
    %dma_wait3A_670 = tpu.memref_slice %arg9[%dma_wait3A_662] : memref<10x!tpu.dma_semaphore, #tpu.memory_space<semaphore_mem>> -> memref<1x!tpu.dma_semaphore, #tpu.memory_space<semaphore_mem>>
    %dma_wait3A_671 = tpu.memref_squeeze %dma_wait3A_670 : memref<1x!tpu.dma_semaphore, #tpu.memory_space<semaphore_mem>> -> memref<!tpu.dma_semaphore, #tpu.memory_space<semaphore_mem>>
    %dma_wait3A_672 = arith.constant 0 : i32
    %dma_wait3A_673 = arith.constant 0 : i32
    %dma_wait3A_674 = tpu.memref_slice %arg6[%dma_wait3A_661, %dma_wait3A_672, %dma_wait3A_673] : memref<10x64x128xf32, #tpu.memory_space<vmem>> -> memref<1x64x128xf32, #tpu.memory_space<vmem>>
    %dma_wait3A_675 = tpu.memref_squeeze %dma_wait3A_674 : memref<1x64x128xf32, #tpu.memory_space<vmem>> -> memref<64x128xf32, #tpu.memory_space<vmem>>
    %dma_wait3A_676 = arith.constant 0 : i32
    %dma_wait3A_677 = arith.constant 0 : i32
    %dma_wait3A_678 = tpu.memref_slice %arg4[%dma_wait3A_676, %dma_wait3A_677] : memref<204800x128xf32, #tpu.memory_space<hbm>> -> memref<64x128xf32, #tpu.memory_space<hbm>>
    tpu.wait_dma2 semaphore(%dma_wait3A_671 : memref<!tpu.dma_semaphore, #tpu.memory_space<semaphore_mem>>) src(%dma_wait3A_678 : memref<64x128xf32, #tpu.memory_space<hbm>>) dst(%dma_wait3A_675 : memref<64x128xf32, #tpu.memory_space<vmem>>)
    return
  }
}

</mosaic_0001>

<sc_bundles>
// kernel: gather.3.cloned.1.call-start
scs
__scs_entry_jumppad:
0x0: {  	(pc) =	sbr.rel $0x88, $3  }
0x1: {  	(tag) =	ssettag $0x0;
	lr =	simm.s32 $0x1  }
0x2: {  	[smem:$0x3F9F] =	sst lr;
	_ =	strace $0xD0000000  }
0x3: {  	_ = 	snop  }
0x4: {  	_ = 	snop  }
0x5: {  	_ = 	snop  }
0x6: {  	_ = 	snop  }
0x7: {  	_ = 	snop  }
__scs_overlays_trampoline_lowered:
0x8: {  	[smem:$0x3FAE] =	sst s0  }
0x9: {  	[smem:$0x3FAF] =	sst s1  }
0xa: {  	[smem:$0x3FB0] =	sst s2  }
0xb: {  	[smem:$0x3FB1] =	sst s3  }
0xc: {  	[smem:$0x3FB2] =	sst s4  }
0xd: {  	[smem:$0x3FB3] =	sst s5  }
0xe: {  	[smem:$0x3FB4] =	sst s6  }
0xf: {  	[smem:$0x3FB5] =	sst s7  }
0x10: {  	[smem:$0x3FB6] =	sst s8  }
0x11: {  	[smem:$0x3FB7] =	sst s9;
	s0 =	simm.s32 @!p0 $0x0  }
0x12: {  	s1 =	sld [smem:$0x3F9D];
	s0 =	simm.s32 @p0 $0x1  }
0x13: {  	[smem:$0x3FB8] =	sst s0;
	s0 =	simm.s32 @!p1 $0x0  }
0x14: {  	s2 =	sld [smem:$0x3F9C];
	s0 =	simm.s32 @p1 $0x1  }
0x15: {  	[smem:$0x3FB9] =	sst s0;
	s0 =	simm.s32 @!p2 $0x0  }
0x16: {  	s3 =	sld [smem:$0x3FDB];
	s0 =	simm.s32 @p2 $0x1  }
0x17: {  	s4 =	simm.s32 $0x1BF5;
	[smem:$0x3FBB] =	sst s0  }
0x18: {  	s0 =	sld [smem:$0x3F9E];
	_ =	swait.ge [sflag:s4], $0x0  }
0x19: {  	s7 =	sld [smem:$0x3F9F]  }
0x1a: {  	s8 =	sadd.s32 $0xFFFFE003, lr  }
0x1b: {  	s9 =	sadd.s32 $0xFFFFFEF7, lr;
	s5 =	simm.s32 $0xFFFFFFFF;
	p2 =	slt.u32 s8, $0xFFFFF086  }
0x1c: {  	p1 =	slt.u32 s9, $0xF7A;
	s5 =	simm.s32 @!p2 $0x0  }
0x1d: {  	s5 =	simm.s32 @p1 $0x1;
	p0 =	seq.s32 s7, s2  }
0x1e: {  	s7 =	smul.u32 @!p0 $0xF7A, s2;
	p2 =	seq.s32 @!p0 s5, $0x0  }
0x1f: {  	s9 =	smul.u32 $0xF7A, s1;
	s8 =	simm.s32 @!p0 $0x1BF5;
	p2 =	por !p2, p0  }
0x20: {  	[sflag:s8] =	ssyncset.s32 @!p0 $0xFFFFF086;
	s6 =	sadd.s32 @!p0 s3, s7;
	s7 =	simm.s32 @!p0 $0x108  }
0x21: {  	s3 =	sadd.s32 s3, s9;
	s6 =	sadd.s32 @!p0 $0x88, s6;
	s7 =	simm.s32 @p2 $0x1082  }
0x22: {  	[simem:s7], [sflag:s8] =	dma.local @!p0 [hbm:s6], $0xF7A  }
0x23: {  	s9 =	sor.u32 $0xD0000000, s2;
	s6 =	simm.s32 $0x108;
	_ =	swait.ge @!p0 [sflag:s8], $0x0  }
0x24: {  	s3 =	sadd.s32 $0x88, s3;
	s6 =	simm.s32 @!p1 $0x1082;
	[sflag:s4] =	ssyncset.s32 $0xFFFFF086  }
0x25: {  	[simem:s6], [sflag:s4] =	dma.local [hbm:s3], $0xF7A  }
0x26: {  	[smem:$0x3F9F] =	sst s1;
	(tag) =	ssettag s2;
	_ =	strace s9  }
0x27: {  	s1 =	sld [smem:$0x3FAF]  }
0x28: {  	s2 =	sld [smem:$0x3FB0]  }
0x29: {  	s4 =	sld [smem:$0x3FB2]  }
0x2a: {  	p0 =	seq.s32 s5, $0x0;
	s5 =	sld [smem:$0x3FB3]  }
0x2b: {  	s6 =	sld [smem:$0x3FB4]  }
0x2c: {  	s7 =	sld [smem:$0x3FB5]  }
0x2d: {  	s3 =	simm.s32 $0x108;
	s8 =	sld [smem:$0x3FB6]  }
0x2e: {  	s3 =	simm.s32 @!p0 $0x1082;
	s9 =	sld [smem:$0x3FB7]  }
0x2f: {  	lr =	sadd.s32 s0, s3;
	s0 =	sld [smem:$0x3FAE]  }
0x30: {  	s3 =	sld [smem:$0x3FB1]  }
0x31: {  	[smem:$0x3FBA] =	sst s10  }
0x32: {  	s10 =	sld [smem:$0x3FB8];
	_ =	sdelay $0x3  }
0x33: {  	p0 =	seq.s32 s10, $0x1;
	s10 =	sld [smem:$0x3FBA];
	_ =	sdelay $0x3  }
0x34: {  	[smem:$0x3FBA] =	sst s10  }
0x35: {  	s10 =	sld [smem:$0x3FB9];
	_ =	sdelay $0x3  }
0x36: {  	p1 =	seq.s32 s10, $0x1;
	s10 =	sld [smem:$0x3FBA];
	_ =	sdelay $0x3  }
0x37: {  	[smem:$0x3FBA] =	sst s10  }
0x38: {  	s10 =	sld [smem:$0x3FBB]  }
0x39: {  	_ = 	snop;
	(pc) =	sbr.ind lr, $3  }
0x3a: {  	_ = 	snop  }
0x3b: {  	_ = 	snop  }
0x3c: {  	p2 =	seq.s32 s10, $0x1;
	s10 =	sld [smem:$0x3FBA]  }
0x3d: {  	_ =	shalt  }
0x3e: {  	_ =	shalt  }
0x3f: {  	_ =	shalt  }
0x40: {  	_ =	shalt  }
0x41: {  	_ =	shalt  }
0x42: {  	_ =	shalt  }
0x43: {  	_ =	shalt  }
0x44: {  	_ =	shalt  }
0x45: {  	_ =	shalt  }
0x46: {  	_ =	shalt  }
0x47: {  	_ =	shalt  }
0x48: {  	_ =	shalt  }
0x49: {  	_ =	shalt  }
0x4a: {  	_ =	shalt  }
0x4b: {  	_ =	shalt  }
0x4c: {  	_ =	shalt  }
0x4d: {  	_ =	shalt  }
0x4e: {  	_ =	shalt  }
0x4f: {  	_ =	shalt  }
0x50: {  	_ =	shalt  }
0x51: {  	_ =	shalt  }
0x52: {  	_ =	shalt  }
0x53: {  	_ =	shalt  }
0x54: {  	_ =	shalt  }
0x55: {  	_ =	shalt  }
0x56: {  	_ =	shalt  }
0x57: {  	_ =	shalt  }
0x58: {  	_ =	shalt  }
0x59: {  	_ =	shalt  }
0x5a: {  	_ =	shalt  }
0x5b: {  	_ =	shalt  }
0x5c: {  	_ =	shalt  }
0x5d: {  	_ =	shalt  }
0x5e: {  	_ =	shalt  }
0x5f: {  	_ =	shalt  }
0x60: {  	_ =	shalt  }
0x61: {  	_ =	shalt  }
0x62: {  	_ =	shalt  }
0x63: {  	_ =	shalt  }
0x64: {  	_ =	shalt  }
0x65: {  	_ =	shalt  }
0x66: {  	_ =	shalt  }
0x67: {  	_ =	shalt  }
0x68: {  	_ =	shalt  }
0x69: {  	_ =	shalt  }
0x6a: {  	_ =	shalt  }
0x6b: {  	_ =	shalt  }
0x6c: {  	_ =	shalt  }
0x6d: {  	_ =	shalt  }
0x6e: {  	_ =	shalt  }
0x6f: {  	_ =	shalt  }
0x70: {  	_ =	shalt  }
0x71: {  	_ =	shalt  }
0x72: {  	_ =	shalt  }
0x73: {  	_ =	shalt  }
0x74: {  	_ =	shalt  }
0x75: {  	_ =	shalt  }
0x76: {  	_ =	shalt  }
0x77: {  	_ =	shalt  }
0x78: {  	_ =	shalt  }
0x79: {  	_ =	shalt  }
0x7a: {  	_ =	shalt  }
0x7b: {  	_ =	shalt  }
0x7c: {  	_ =	shalt  }
0x7d: {  	_ =	shalt  }
0x7e: {  	_ =	shalt  }
0x7f: {  	_ =	shalt  }
0x80: {  	_ =	shalt  }
0x81: {  	_ =	shalt  }
0x82: {  	_ =	shalt  }
0x83: {  	_ =	shalt  }
0x84: {  	_ =	shalt  }
0x85: {  	_ =	shalt  }
0x86: {  	_ =	shalt  }
0x87: {  	_ =	shalt  }
.Lfunc_end0:
.L_simem_size_0:
called_computation_lowered:
.L_overlay_start_0:
0x88: {  	s2 =	sld [smem:$0x3FD9]  }
0x89: {  	s3 =	sld [smem:$0x3FFE];
	_ =	sdelay $0x1  }
0x8a: {  	s1 =	srdreg.scid  }
0x8b: {  	s0 =	sand.u32 $0x1, s1  }
0x8c: {  	s18 =	sshll.u32 s0, $0xA;
	s2 =	sadd.s32 s3, s2  }
0x8d: {  	s2 =	sadd.s32 s2, s18  }
0x8e: {  	[smem:$0x3FC6] =	sst s2  }
0x8f: {  	_ = 	snop  }
0x90: {  	s2 =	sld [smem:$0x3FC9]  }
0x91: {  	s19 =	sld [smem:$0x3FC8]  }
0x92: {  	s4 =	sld [smem:$0x3FD0];
	(tm) =	ssettm $0x1  }
0x93: {  	s5 =	sld [smem:$0x3FFB];
	_ =	sdelay $0x3  }
0x94: {  	_ =	strace s5  }
0x95: {  	s5 =	sld [smem:$0x3FFC];
	_ =	sdelay $0x3  }
0x96: {  	_ =	strace s5  }
0x97: {  	s5 =	sld [smem:$0x3FFD];
	_ =	sdelay $0x3  }
0x98: {  	_ =	strace s5  }
0x99: {  	_ =	strace $0x8FFFFFFF  }
0x9a: {  	s20 =	sld [smem:$0x3FDB];
	_ =	sdelay $0x1  }
0x9b: {  	s6 =	simm.s32 $_scs_section_size  }
0x9c: {  	s7 =	simm.s32 $_size__tile_overlayer_lowered;
	s8 =	simm.s32 $_tile_overlayer_lowered  }
0x9d: {  	s23 =	simm.s32 $0x1BFF;
	s22 =	sshll.u32 s8, $0x1;
	s5 =	sadd.s32 s6, s20  }
0x9e: {  	s9 =	simm.s32 $0x0;
	s21 =	sshll.u32 s7, $0x1;
	s7 =	sadd.s32 s22, s5  }
0x9f: {  	[timem:s9], [sflag:s23] =	dma.local [hbm:s7], s21  }
0xa0: {  	_ =	swait.ge [sflag:s23], s21  }
0xa1: {  	s6 =	ssub.s32 $0x0, s21;
	[sflag:s23] =	ssyncset.done $0x0  }
0xa2: {  	[sflag:s23] =	ssyncadd.s32 s6;
	_ =	sdelay $0x1  }
0xa3: {  	s24 =	simm.s32 $0x1B8B  }
0xa4: {  	_ =	swait.ge [sflag:s24], $0x1  }
0xa5: {  	[sflag:s24] =	ssyncset.done $0x0  }
0xa6: {  	s25 =	simm.s32 $0x1B8E;
	[sflag:s24] =	ssyncadd.s32 $0xFFFFFFFF  }
0xa7: {  	s26 =	simm.s32 $execute0_lowered;
	[smem:$0x3FD2] =	sst s25  }
0xa8: {  	s6 =	sshll.u32 s26, $0x1;
	_ =	strace $0x80000046;
	[dreg:$0x1] =	wrdreg $0xFFFFFFFF  }
0xa9: {  	s28 =	simm.s32 $_size_execute0_lowered;
	s5 =	sadd.s32 s5, s6;
	[dreg:$0x0] =	wrdreg $0x0  }
0xaa: {  	s6 =	sshll.u32 s28, $0x1;
	[dreg:$0x2] =	wrdreg s5  }
0xab: {  	[dreg:$0x3] =	wrdreg s6  }
0xac: {  	[dreg:$0x4] =	wrdreg $0xC0  }
0xad: {  	_ =	task [dreg:s9], $0x5FFFF  }
0xae: {  	[dreg:$0x1] =	wrdreg $0xFFFFFFFF  }
0xaf: {  	[dreg:$0x0] =	wrdreg $0x60  }
0xb0: {  	[dreg:$0x2] =	wrdreg s2  }
0xb1: {  	[dreg:$0x3] =	wrdreg s19  }
0xb2: {  	[dreg:$0x4] =	wrdreg s4  }
0xb3: {  	[dreg:$0x5] =	wrdreg $0x9  }
0xb4: {  	_ =	task.clear_ibuf [dreg:s9], $0x6FFFF;
	_ =	strace $0x90000046  }
0xb5: {  	s29 =	simm.s32 $0x9;
	_ =	strace $0x80000048  }
0xb6: {  	_ =	swait.ge [sflag:s29], $0x1  }
0xb7: {  	[sflag:s29] =	ssyncadd.s32 $0xFFFFFFFF  }
0xb8: {  	_ =	strace $0x90000048  }
0xb9: {  	_ =	sfence  }
0xba: {  	s30 =	sld [smem:$0x0];
	_ =	sdelay $0x2  }
0xbb: {  	s31 =	sshll.u32 s1, $0xD;
	s1 =	sshrl.u32 s1, $0x2  }
0xbc: {  	s3 =	sand.u32 $0x4000, s31;
	s1 =	sadd.s32 s1, s30  }
0xbd: {  	s0 =	sor.u32 s3, s0;
	s1 =	sshll.u32 s1, $0x11  }
0xbe: {  	s0 =	sor.u32 s1, s0  }
0xbf: {  	s0 =	sadd.s32 $0x8F2B, s0  }
0xc0: {  	[sflag:s0] =	ssyncadd.remote.s32 $0x1  }
0xc1: {  	_ =	sfence.sel $0xFFFF  }
0xc2: {  	[dreg:$0x0] =	wrdreg $0xFFFFFFFF;
	(pc) =	sbr.abs _section_cstart, $3  }
0xc3: {  	[dreg:$0x1] =	wrdreg $0xFFFFFFFF  }
0xc4: {  	_ =	task.clear_ibuf [dreg:s9], $0x2FFFF;
	_ =	strace $0x9FFFFFFF  }
0xc5: {  	(tm) =	ssettm $0x7FFFFFFF  }
tec
execute0_lowered:
.L_overlay_start_1:
0x0: {  	(tag) =	ssettag $0x1  }
0x1: {  	s1 =	rddreg [dreg:$0x0];
	s0 =	srdreg.scid  }
0x2: {  	s10 =	stileid.u32;
	s2 =	rddreg [dreg:$0x1]  }
0x3: {  	s4 =	rddreg [dreg:$0x2];
	s28 =	simm.s32 $0x7900;
	s31 =	simm.s32 $0x11900  }
0x4: {  	s11 =	simm.s32 $0x5;
	s12 =	simm.s32 $0x6;
	s13 =	simm.s32 $0x7  }
0x5: {  	s14 =	simm.s32 $0x8;
	s29 =	simm.s32 $0xB;
	s30 =	simm.s32 $0x7900  }
0x6: {  	s0 =	sand.u32 $0x1, s0;
	s3 =	sshll.u32 s10, $0x1;
	s21 =	smul.u32 $0x32000, s10  }
0x7: {  	s5 =	sor.u32 s0, s3;
	s7 =	ssub.s32 $0x2, s0;
	s0 =	smul.u32 $0x19000, s0  }
0x8: {  	s10 =	simm.s32 $0x4;
	s3 =	simm.s32 $0x0;
	s6 =	smul.u32 $0x1900, s5  }
0x9: {  	s8 =	smul.u32 $0x19000, s5;
	[smem:$0x7FF] =	sst s3;
	s9 =	sshrl.u32 s7, $0x1  }
0xa: {  	s5 =	smul.u32 $0xC8000, s5;
	_ =	strace $0x80000047;
	s7 =	ssub.s32 s7, s9  }
0xb: {  	s9 =	simm.s32 $0x3;
	s6 =	sshrl.u32 s6, $0x3;
	s15 =	sadd.s32 s4, s8  }
0xc: {  	s16 =	sshrl.u32 s5, $0x3;
	s26 =	smax.u32 s7, $0x1;
	[dreg:$0x5] =	wrdreg s15  }
0xd: {  	s8 =	simm.s32 $0x2;
	s2 =	sadd.s32 s2, s6;
	[dreg:$0xf] =	wrdreg s26  }
0xe: {  	s5 =	simm.s32 $0xA;
	s17 =	sadd.s32 $0x400, s15;
	[dreg:$0x4] =	wrdreg s2  }
0xf: {  	s18 =	sadd.s32 $0x800, s15;
	s19 =	sadd.s32 $0xC00, s15;
	[dreg:$0x6] =	wrdreg s17  }
0x10: {  	s15 =	simm.s32 $0x9;
	s6 =	simm.s32 $0x0;
	[dreg:$0x7] =	wrdreg s18  }
0x11: {  	s2 =	sadd.s32 s4, s16;
	[dreg:$0x8] =	wrdreg s19;
	s4 =	sadd.s32 s21, s4  }
0x12: {  	s18 =	simm.s32 $0x40;
	s21 =	simm.s32 $0xB900;
	s20 =	sadd.s32 $0x1000, s2  }
0x13: {  	s17 =	simm.s32 $0x12;
	s22 =	sadd.s32 $0x1400, s2;
	[dreg:$0x9] =	wrdreg s20  }
0x14: {  	s16 =	simm.s32 $0x13;
	s23 =	sadd.s32 $0x1800, s2;
	[dreg:$0xa] =	wrdreg s22  }
0x15: {  	s19 =	simm.s32 $0x14;
	s24 =	sadd.s32 $0x1C00, s2;
	[dreg:$0xb] =	wrdreg s23  }
0x16: {  	s25 =	sadd.s32 $0x2000, s2;
	s2 =	sadd.s32 $0x2400, s2;
	[dreg:$0xc] =	wrdreg s24  }
0x17: {  	s0 =	sadd.s32 s0, s4;
	s4 =	simm.s32 $0xF900;
	[dreg:$0xd] =	wrdreg s25  }
0x18: {  	[dreg:$0xe] =	wrdreg s2;
	s0 =	sadd.s32 $0x4C00, s0;
	s23 =	simm.s32 $0x3900  }
0x19: {  	s24 =	simm.s32 $0x5900;
	s2 =	simm.s32 $0x9900;
	s25 =	simm.s32 $0xD900  }
0x1a: {  	s20 =	simm.s32 $0x15;
	[dreg:$0x10] =	wrdreg s0;
	s0 =	simm.s32 $0x1900  }
.LBB2_1:
0x1b: {  	[dreg:$0x11] =	wrdreg s6  }
0x1c: {  	s22 =	rddreg [dreg:$0x4];
	s6 =	simm.s32 $0x1  }
0x1d: {  	[tilespmem:s3], [sflag:$0x1] =	stream.linear.gather [hbm4b:s22+s3], $0x1900, $0x38;
	[tilespmem:$0x15900] =	vst v63  }
0x1e: {  	_ =	swait.ge [sflag:s6], $0x1900  }
0x1f: {  	[sflag:s6] =	ssyncset.done $0x0  }
0x20: {  	[sflag:s6] =	ssyncadd.s32 $0xFFFFE700  }
0x21: {  	[tilespmem:s0], [sflag:$0x2] =	stream.indirect.gather [hbm4b:s1+s18], $0x80, s3, s18, $0xb8;
	[tilespmem:$0x15900] =	vst v63  }
0x22: {  	_ = 	snop  }
0x23: {  	[tilespmem:s23], [sflag:$0x3] =	stream.indirect.gather [hbm4b:s1+s18], $0x80, s18, s18, $0xb8;
	[tilespmem:$0x15900] =	vst v63  }
0x24: {  	s7 =	simm.s32 $0x80  }
0x25: {  	[tilespmem:s24], [sflag:$0x4] =	stream.indirect.gather [hbm4b:s1+s18], $0x80, s7, s18, $0xb8;
	[tilespmem:$0x15900] =	vst v63  }
0x26: {  	s26 =	simm.s32 $0xC0  }
0x27: {  	[tilespmem:s28], [sflag:$0x5] =	stream.indirect.gather [hbm4b:s1+s18], $0x80, s26, s18, $0xb8;
	[tilespmem:$0x15900] =	vst v63  }
0x28: {  	s6 =	simm.s32 $0x100  }
0x29: {  	[tilespmem:s2], [sflag:$0x6] =	stream.indirect.gather [hbm4b:s1+s18], $0x80, s6, s18, $0xb8;
	[tilespmem:$0x15900] =	vst v63  }
0x2a: {  	s7 =	simm.s32 $0x140  }
0x2b: {  	[tilespmem:s21], [sflag:$0x7] =	stream.indirect.gather [hbm4b:s1+s18], $0x80, s7, s18, $0xb8;
	[tilespmem:$0x15900] =	vst v63  }
0x2c: {  	s26 =	simm.s32 $0x180  }
0x2d: {  	[tilespmem:s25], [sflag:$0x8] =	stream.indirect.gather [hbm4b:s1+s18], $0x80, s26, s18, $0xb8;
	[tilespmem:$0x15900] =	vst v63  }
0x2e: {  	s6 =	simm.s32 $0x1C0  }
0x2f: {  	[tilespmem:s4], [sflag:$0x9] =	stream.indirect.gather [hbm4b:s1+s18], $0x80, s6, s18, $0xb8;
	[tilespmem:$0x15900] =	vst v63  }
0x30: {  	s7 =	simm.s32 $0x200  }
0x31: {  	[tilespmem:s31], [sflag:$0xA] =	stream.indirect.gather [hbm4b:s1+s18], $0x80, s7, s18, $0xb8;
	[tilespmem:$0x15900] =	vst v63  }
0x32: {  	s22 =	simm.s32 $0x240;
	s7 =	simm.s32 $0x13900  }
0x33: {  	[tilespmem:s7], [sflag:$0xB] =	stream.indirect.gather [hbm4b:s1+s18], $0x80, s22, s18, $0xb8;
	[tilespmem:$0x15900] =	vst v63  }
0x34: {  	_ =	swait.ge [sflag:s8], $0x2000  }
0x35: {  	[sflag:s8] =	ssyncset.done $0x0  }
0x36: {  	s26 =	rddreg [dreg:$0x5];
	[sflag:s8] =	ssyncadd.s32 $0xFFFFE000  }
0x37: {  	[hbm4b:s26+s3] =	stream.linear.scatter [tilespmem:s0], [sflag:$0xC], $0x2000, $0x38;
	[tilespmem:$0x15900] =	vst v63  }
0x38: {  	_ =	swait.ge [sflag:s9], $0x2000  }
0x39: {  	[sflag:s9] =	ssyncset.done $0x0  }
0x3a: {  	s6 =	rddreg [dreg:$0x6];
	[sflag:s9] =	ssyncadd.s32 $0xFFFFE000  }
0x3b: {  	[hbm4b:s6+s3] =	stream.linear.scatter [tilespmem:s23], [sflag:$0xD], $0x2000, $0x38;
	[tilespmem:$0x15900] =	vst v63  }
0x3c: {  	_ =	swait.ge [sflag:s10], $0x2000  }
0x3d: {  	[sflag:s10] =	ssyncset.done $0x0  }
0x3e: {  	s26 =	rddreg [dreg:$0x7];
	[sflag:s10] =	ssyncadd.s32 $0xFFFFE000  }
0x3f: {  	[hbm4b:s26+s3] =	stream.linear.scatter [tilespmem:s24], [sflag:$0xE], $0x2000, $0x38;
	[tilespmem:$0x15900] =	vst v63  }
0x40: {  	_ =	swait.ge [sflag:s11], $0x2000  }
0x41: {  	[sflag:s11] =	ssyncset.done $0x0  }
0x42: {  	s6 =	rddreg [dreg:$0x8];
	[sflag:s11] =	ssyncadd.s32 $0xFFFFE000  }
0x43: {  	[hbm4b:s6+s3] =	stream.linear.scatter [tilespmem:s28], [sflag:$0xF], $0x2000, $0x38;
	[tilespmem:$0x15900] =	vst v63  }
0x44: {  	_ =	swait.ge [sflag:s12], $0x2000  }
0x45: {  	[sflag:s12] =	ssyncset.done $0x0  }
0x46: {  	s26 =	rddreg [dreg:$0x9];
	[sflag:s12] =	ssyncadd.s32 $0xFFFFE000  }
0x47: {  	[hbm4b:s26+s3] =	stream.linear.scatter [tilespmem:s2], [sflag:$0x10], $0x2000, $0x38;
	[tilespmem:$0x15900] =	vst v63  }
0x48: {  	_ =	swait.ge [sflag:s13], $0x2000  }
0x49: {  	[sflag:s13] =	ssyncset.done $0x0  }
0x4a: {  	s6 =	rddreg [dreg:$0xa];
	[sflag:s13] =	ssyncadd.s32 $0xFFFFE000  }
0x4b: {  	[hbm4b:s6+s3] =	stream.linear.scatter [tilespmem:s21], [sflag:$0x11], $0x2000, $0x38;
	[tilespmem:$0x15900] =	vst v63  }
0x4c: {  	_ =	swait.ge [sflag:s14], $0x2000  }
0x4d: {  	[sflag:s14] =	ssyncset.done $0x0  }
0x4e: {  	s26 =	rddreg [dreg:$0xb];
	[sflag:s14] =	ssyncadd.s32 $0xFFFFE000  }
0x4f: {  	[hbm4b:s26+s3] =	stream.linear.scatter [tilespmem:s25], [sflag:$0x12], $0x2000, $0x38;
	[tilespmem:$0x15900] =	vst v63  }
0x50: {  	_ =	swait.ge [sflag:s15], $0x2000  }
0x51: {  	[sflag:s15] =	ssyncset.done $0x0  }
0x52: {  	s6 =	rddreg [dreg:$0xc];
	[sflag:s15] =	ssyncadd.s32 $0xFFFFE000  }
0x53: {  	[hbm4b:s6+s3] =	stream.linear.scatter [tilespmem:s4], [sflag:$0x13], $0x2000, $0x38;
	[tilespmem:$0x15900] =	vst v63  }
0x54: {  	_ =	swait.ge [sflag:s5], $0x2000  }
0x55: {  	[sflag:s5] =	ssyncset.done $0x0  }
0x56: {  	s26 =	rddreg [dreg:$0xd];
	[sflag:s5] =	ssyncadd.s32 $0xFFFFE000  }
0x57: {  	[hbm4b:s26+s3] =	stream.linear.scatter [tilespmem:s31], [sflag:$0x14], $0x2000, $0x38;
	[tilespmem:$0x15900] =	vst v63  }
0x58: {  	_ =	swait.ge [sflag:s29], $0x2000  }
0x59: {  	[sflag:s29] =	ssyncset.done $0x0  }
0x5a: {  	s26 =	simm.s32 $0xC;
	s6 =	rddreg [dreg:$0xe];
	[sflag:s29] =	ssyncadd.s32 $0xFFFFE000  }
0x5b: {  	[hbm4b:s6+s3] =	stream.linear.scatter [tilespmem:s7], [sflag:$0x15], $0x2000, $0x38;
	[tilespmem:$0x15900] =	vst v63  }
0x5c: {  	_ =	swait.ge [sflag:s26], $0x2000  }
0x5d: {  	[sflag:s26] =	ssyncset.done $0x0  }
0x5e: {  	s6 =	simm.s32 $0x280;
	[sflag:s26] =	ssyncadd.s32 $0xFFFFE000;
	s26 =	simm.s32 $0xD  }
0x5f: {  	[tilespmem:s0], [sflag:$0x2] =	stream.indirect.gather [hbm4b:s1+s18], $0x80, s6, s18, $0xb8;
	[tilespmem:$0x15900] =	vst v63  }
0x60: {  	_ =	swait.ge [sflag:s26], $0x2000  }
0x61: {  	[sflag:s26] =	ssyncset.done $0x0  }
0x62: {  	s6 =	simm.s32 $0x2C0;
	[sflag:s26] =	ssyncadd.s32 $0xFFFFE000;
	s26 =	simm.s32 $0xE  }
0x63: {  	[tilespmem:s23], [sflag:$0x3] =	stream.indirect.gather [hbm4b:s1+s18], $0x80, s6, s18, $0xb8;
	[tilespmem:$0x15900] =	vst v63  }
0x64: {  	_ =	swait.ge [sflag:s26], $0x2000  }
0x65: {  	[sflag:s26] =	ssyncset.done $0x0  }
0x66: {  	s6 =	simm.s32 $0x300;
	[sflag:s26] =	ssyncadd.s32 $0xFFFFE000;
	s26 =	simm.s32 $0xF  }
0x67: {  	[tilespmem:s24], [sflag:$0x4] =	stream.indirect.gather [hbm4b:s1+s18], $0x80, s6, s18, $0xb8;
	[tilespmem:$0x15900] =	vst v63  }
0x68: {  	_ =	swait.ge [sflag:s26], $0x2000  }
0x69: {  	[sflag:s26] =	ssyncset.done $0x0  }
0x6a: {  	s6 =	simm.s32 $0x340;
	[sflag:s26] =	ssyncadd.s32 $0xFFFFE000;
	s26 =	simm.s32 $0x10  }
0x6b: {  	[tilespmem:s28], [sflag:$0x5] =	stream.indirect.gather [hbm4b:s1+s18], $0x80, s6, s18, $0xb8;
	[tilespmem:$0x15900] =	vst v63  }
0x6c: {  	_ =	swait.ge [sflag:s26], $0x2000  }
0x6d: {  	[sflag:s26] =	ssyncset.done $0x0  }
0x6e: {  	s6 =	simm.s32 $0x380;
	[sflag:s26] =	ssyncadd.s32 $0xFFFFE000;
	s26 =	simm.s32 $0x11  }
0x6f: {  	[tilespmem:s2], [sflag:$0x6] =	stream.indirect.gather [hbm4b:s1+s18], $0x80, s6, s18, $0xb8;
	[tilespmem:$0x15900] =	vst v63  }
0x70: {  	_ =	swait.ge [sflag:s26], $0x2000  }
0x71: {  	[sflag:s26] =	ssyncset.done $0x0  }
0x72: {  	s6 =	simm.s32 $0x3C0;
	[sflag:s26] =	ssyncadd.s32 $0xFFFFE000  }
0x73: {  	[tilespmem:s21], [sflag:$0x7] =	stream.indirect.gather [hbm4b:s1+s18], $0x80, s6, s18, $0xb8;
	[tilespmem:$0x15900] =	vst v63  }
0x74: {  	_ =	swait.ge [sflag:s17], $0x2000  }
0x75: {  	[sflag:s17] =	ssyncset.done $0x0  }
0x76: {  	s26 =	simm.s32 $0x400;
	[sflag:s17] =	ssyncadd.s32 $0xFFFFE000  }
0x77: {  	[tilespmem:s25], [sflag:$0x8] =	stream.indirect.gather [hbm4b:s1+s18], $0x80, s26, s18, $0xb8;
	[tilespmem:$0x15900] =	vst v63  }
0x78: {  	_ =	swait.ge [sflag:s16], $0x2000  }
0x79: {  	[sflag:s16] =	ssyncset.done $0x0  }
0x7a: {  	s6 =	simm.s32 $0x440;
	[sflag:s16] =	ssyncadd.s32 $0xFFFFE000  }
0x7b: {  	[tilespmem:s4], [sflag:$0x9] =	stream.indirect.gather [hbm4b:s1+s18], $0x80, s6, s18, $0xb8;
	[tilespmem:$0x15900] =	vst v63  }
0x7c: {  	_ =	swait.ge [sflag:s19], $0x2000  }
0x7d: {  	[sflag:s19] =	ssyncset.done $0x0  }
0x7e: {  	s26 =	simm.s32 $0x480;
	[sflag:s19] =	ssyncadd.s32 $0xFFFFE000  }
0x7f: {  	[tilespmem:s31], [sflag:$0xA] =	stream.indirect.gather [hbm4b:s1+s18], $0x80, s26, s18, $0xb8;
	[tilespmem:$0x15900] =	vst v63  }
0x80: {  	_ =	swait.ge [sflag:s20], $0x2000  }
0x81: {  	[sflag:s20] =	ssyncset.done $0x0  }
0x82: {  	s6 =	simm.s32 $0x4C0;
	[sflag:s20] =	ssyncadd.s32 $0xFFFFE000  }
0x83: {  	[tilespmem:s7], [sflag:$0xB] =	stream.indirect.gather [hbm4b:s1+s18], $0x80, s6, s18, $0xb8;
	[tilespmem:$0x15900] =	vst v63  }
0x84: {  	_ =	swait.ge [sflag:s8], $0x2000  }
0x85: {  	[sflag:s8] =	ssyncset.done $0x0;
	s26 =	rddreg [dreg:$0x10]  }
0x86: {  	[sflag:s8] =	ssyncadd.s32 $0xFFFFE000;
	s7 =	sadd.s32 $0xFFFFDC00, s26  }
0x87: {  	[hbm4b:s7+s3] =	stream.linear.scatter [tilespmem:s0], [sflag:$0xC], $0x2000, $0x38;
	[tilespmem:$0x15900] =	vst v63  }
0x88: {  	_ =	swait.ge [sflag:s9], $0x2000  }
0x89: {  	[sflag:s9] =	ssyncset.done $0x0  }
0x8a: {  	[sflag:s9] =	ssyncadd.s32 $0xFFFFE000;
	s9 =	sadd.s32 $0xFFFFE000, s26  }
0x8b: {  	[hbm4b:s9+s3] =	stream.linear.scatter [tilespmem:s23], [sflag:$0xD], $0x2000, $0x38;
	[tilespmem:$0x15900] =	vst v63  }
0x8c: {  	_ =	swait.ge [sflag:s10], $0x2000  }
0x8d: {  	[sflag:s10] =	ssyncset.done $0x0  }
0x8e: {  	[sflag:s10] =	ssyncadd.s32 $0xFFFFE000;
	s10 =	sadd.s32 $0xFFFFE400, s26  }
0x8f: {  	[hbm4b:s10+s3] =	stream.linear.scatter [tilespmem:s24], [sflag:$0xE], $0x2000, $0x38;
	[tilespmem:$0x15900] =	vst v63  }
0x90: {  	_ =	swait.ge [sflag:s11], $0x2000  }
0x91: {  	[sflag:s11] =	ssyncset.done $0x0  }
0x92: {  	[sflag:s11] =	ssyncadd.s32 $0xFFFFE000;
	s11 =	sadd.s32 $0xFFFFE800, s26  }
0x93: {  	[hbm4b:s11+s3] =	stream.linear.scatter [tilespmem:s28], [sflag:$0xF], $0x2000, $0x38;
	[tilespmem:$0x15900] =	vst v63  }
0x94: {  	_ =	swait.ge [sflag:s12], $0x2000  }
0x95: {  	[sflag:s12] =	ssyncset.done $0x0  }
0x96: {  	[sflag:s12] =	ssyncadd.s32 $0xFFFFE000;
	s12 =	sadd.s32 $0xFFFFEC00, s26  }
0x97: {  	[hbm4b:s12+s3] =	stream.linear.scatter [tilespmem:s2], [sflag:$0x10], $0x2000, $0x38;
	[tilespmem:$0x15900] =	vst v63  }
0x98: {  	_ =	swait.ge [sflag:s13], $0x2000  }
0x99: {  	[sflag:s13] =	ssyncset.done $0x0  }
0x9a: {  	[sflag:s13] =	ssyncadd.s32 $0xFFFFE000;
	s13 =	sadd.s32 $0xFFFFF000, s26  }
0x9b: {  	[hbm4b:s13+s3] =	stream.linear.scatter [tilespmem:s21], [sflag:$0x11], $0x2000, $0x38;
	[tilespmem:$0x15900] =	vst v63  }
0x9c: {  	_ =	swait.ge [sflag:s14], $0x2000  }
0x9d: {  	s22 =	simm.s32 $0xA00;
	[sflag:s14] =	ssyncset.done $0x0  }
0x9e: {  	s8 =	simm.s32 $0x2;
	s23 =	sadd.s32 $0xFFFFF400, s26;
	[sflag:s14] =	ssyncadd.s32 $0xFFFFE000  }
0x9f: {  	[hbm4b:s23+s3] =	stream.linear.scatter [tilespmem:s25], [sflag:$0x12], $0x2000, $0x38;
	[tilespmem:$0x15900] =	vst v63  }
0xa0: {  	s0 =	simm.s32 $0x1900;
	s9 =	simm.s32 $0x3;
	_ =	swait.ge [sflag:s15], $0x2000  }
0xa1: {  	s24 =	sadd.s32 $0xFFFFF800, s26;
	s10 =	simm.s32 $0x4;
	[sflag:s15] =	ssyncset.done $0x0  }
0xa2: {  	s28 =	simm.s32 $0x5900;
	s11 =	simm.s32 $0x5;
	[sflag:s15] =	ssyncadd.s32 $0xFFFFE000  }
0xa3: {  	[hbm4b:s24+s3] =	stream.linear.scatter [tilespmem:s4], [sflag:$0x13], $0x2000, $0x38;
	[tilespmem:$0x15900] =	vst v63  }
0xa4: {  	s2 =	simm.s32 $0x9900;
	s12 =	simm.s32 $0x6;
	_ =	swait.ge [sflag:s5], $0x2000  }
0xa5: {  	s21 =	simm.s32 $0xB900;
	s13 =	simm.s32 $0x7;
	[sflag:s5] =	ssyncset.done $0x0  }
0xa6: {  	s14 =	simm.s32 $0x8;
	s25 =	sadd.s32 $0xFFFFFC00, s26;
	[sflag:s5] =	ssyncadd.s32 $0xFFFFE000  }
0xa7: {  	[hbm4b:s25+s3] =	stream.linear.scatter [tilespmem:s31], [sflag:$0x14], $0x2000, $0x38;
	[tilespmem:$0x15900] =	vst v63  }
0xa8: {  	s23 =	simm.s32 $0x3900;
	s15 =	simm.s32 $0x9;
	_ =	swait.ge [sflag:s29], $0x2000  }
0xa9: {  	s24 =	sadd.s32 $0x2800, s26;
	s4 =	simm.s32 $0xF900;
	[sflag:s29] =	ssyncset.done $0x0  }
0xaa: {  	s5 =	simm.s32 $0xA;
	s25 =	simm.s32 $0xD900;
	[sflag:s29] =	ssyncadd.s32 $0xFFFFE000  }
.LBB2_2:
0xab: {  	s7 =	simm.s32 $0x13900  }
0xac: {  	[hbm4b:s26+s3] =	stream.linear.scatter [tilespmem:s7], [sflag:$0x15], $0x2000, $0x38;
	[tilespmem:$0x15900] =	vst v63  }
0xad: {  	s29 =	smov.u32 s22;
	s6 =	simm.s32 $0xC;
	s26 =	smov.u32 s24  }
0xae: {  	p0 =	sne.s32 s22, $0x5000;
	s22 =	sadd.s32 $0xA00, s22;
	_ =	swait.ge [sflag:s6], $0x2000  }
0xaf: {  	s29 =	sshra.s32 s29, $0x2;
	[sflag:s6] =	ssyncset.done $0x0  }
0xb0: {  	s31 =	sadd.s32 $0x280, s29;
	[sflag:s6] =	ssyncadd.s32 $0xFFFFE000;
	s6 =	simm.s32 $0x11900  }
0xb1: {  	[tilespmem:s0], [sflag:$0x2] =	stream.indirect.gather [hbm4b:s1+s18], $0x80, s31, s18, $0xb8;
	[tilespmem:$0x15900] =	vst v63  }
0xb2: {  	s31 =	simm.s32 $0xD  }
0xb3: {  	_ =	swait.ge [sflag:s31], $0x2000  }
0xb4: {  	[sflag:s31] =	ssyncset.done $0x0  }
0xb5: {  	[sflag:s31] =	ssyncadd.s32 $0xFFFFE000;
	s31 =	sadd.s32 $0x2C0, s29  }
0xb6: {  	[tilespmem:s23], [sflag:$0x3] =	stream.indirect.gather [hbm4b:s1+s18], $0x80, s31, s18, $0xb8;
	[tilespmem:$0x15900] =	vst v63  }
0xb7: {  	s31 =	simm.s32 $0xE  }
0xb8: {  	_ =	swait.ge [sflag:s31], $0x2000  }
0xb9: {  	[sflag:s31] =	ssyncset.done $0x0  }
0xba: {  	[sflag:s31] =	ssyncadd.s32 $0xFFFFE000;
	s31 =	sadd.s32 $0x300, s29  }
0xbb: {  	[tilespmem:s28], [sflag:$0x4] =	stream.indirect.gather [hbm4b:s1+s18], $0x80, s31, s18, $0xb8;
	[tilespmem:$0x15900] =	vst v63  }
0xbc: {  	s31 =	simm.s32 $0xF  }
0xbd: {  	_ =	swait.ge [sflag:s31], $0x2000  }
0xbe: {  	[sflag:s31] =	ssyncset.done $0x0  }
0xbf: {  	[sflag:s31] =	ssyncadd.s32 $0xFFFFE000;
	s31 =	sadd.s32 $0x340, s29  }
0xc0: {  	[tilespmem:s30], [sflag:$0x5] =	stream.indirect.gather [hbm4b:s1+s18], $0x80, s31, s18, $0xb8;
	[tilespmem:$0x15900] =	vst v63  }
0xc1: {  	s31 =	simm.s32 $0x10  }
0xc2: {  	_ =	swait.ge [sflag:s31], $0x2000  }
0xc3: {  	[sflag:s31] =	ssyncset.done $0x0  }
0xc4: {  	[sflag:s31] =	ssyncadd.s32 $0xFFFFE000;
	s31 =	sadd.s32 $0x380, s29  }
0xc5: {  	[tilespmem:s2], [sflag:$0x6] =	stream.indirect.gather [hbm4b:s1+s18], $0x80, s31, s18, $0xb8;
	[tilespmem:$0x15900] =	vst v63  }
0xc6: {  	s31 =	simm.s32 $0x11  }
0xc7: {  	_ =	swait.ge [sflag:s31], $0x2000  }
0xc8: {  	[sflag:s31] =	ssyncset.done $0x0  }
0xc9: {  	[sflag:s31] =	ssyncadd.s32 $0xFFFFE000;
	s31 =	sadd.s32 $0x3C0, s29  }
0xca: {  	[tilespmem:s21], [sflag:$0x7] =	stream.indirect.gather [hbm4b:s1+s18], $0x80, s31, s18, $0xb8;
	[tilespmem:$0x15900] =	vst v63  }
0xcb: {  	_ =	swait.ge [sflag:s17], $0x2000  }
0xcc: {  	[sflag:s17] =	ssyncset.done $0x0  }
0xcd: {  	s31 =	sadd.s32 $0x400, s29;
	[sflag:s17] =	ssyncadd.s32 $0xFFFFE000  }
0xce: {  	[tilespmem:s25], [sflag:$0x8] =	stream.indirect.gather [hbm4b:s1+s18], $0x80, s31, s18, $0xb8;
	[tilespmem:$0x15900] =	vst v63  }
0xcf: {  	_ =	swait.ge [sflag:s16], $0x2000  }
0xd0: {  	[sflag:s16] =	ssyncset.done $0x0  }
0xd1: {  	s31 =	sadd.s32 $0x440, s29;
	[sflag:s16] =	ssyncadd.s32 $0xFFFFE000  }
0xd2: {  	[tilespmem:s4], [sflag:$0x9] =	stream.indirect.gather [hbm4b:s1+s18], $0x80, s31, s18, $0xb8;
	[tilespmem:$0x15900] =	vst v63  }
0xd3: {  	_ =	swait.ge [sflag:s19], $0x2000  }
0xd4: {  	[sflag:s19] =	ssyncset.done $0x0  }
0xd5: {  	s31 =	sadd.s32 $0x480, s29;
	[sflag:s19] =	ssyncadd.s32 $0xFFFFE000  }
0xd6: {  	[tilespmem:s6], [sflag:$0xA] =	stream.indirect.gather [hbm4b:s1+s18], $0x80, s31, s18, $0xb8;
	[tilespmem:$0x15900] =	vst v63  }
0xd7: {  	s31 =	simm.s32 $0x11900  }
0xd8: {  	_ =	swait.ge [sflag:s20], $0x2000  }
0xd9: {  	[sflag:s20] =	ssyncset.done $0x0  }
0xda: {  	s29 =	sadd.s32 $0x4C0, s29;
	s6 =	simm.s32 $0x13900;
	[sflag:s20] =	ssyncadd.s32 $0xFFFFE000  }
0xdb: {  	[tilespmem:s7], [sflag:$0xB] =	stream.indirect.gather [hbm4b:s1+s18], $0x80, s29, s18, $0xb8;
	[tilespmem:$0x15900] =	vst v63  }
0xdc: {  	_ =	swait.ge [sflag:s8], $0x2000  }
0xdd: {  	[sflag:s8] =	ssyncset.done $0x0  }
0xde: {  	s29 =	sadd.s32 $0xFFFFDC00, s24;
	[sflag:s8] =	ssyncadd.s32 $0xFFFFE000  }
0xdf: {  	[hbm4b:s29+s3] =	stream.linear.scatter [tilespmem:s0], [sflag:$0xC], $0x2000, $0x38;
	[tilespmem:$0x15900] =	vst v63  }
0xe0: {  	_ =	swait.ge [sflag:s9], $0x2000  }
0xe1: {  	[sflag:s9] =	ssyncset.done $0x0  }
0xe2: {  	s29 =	sadd.s32 $0xFFFFE000, s24;
	[sflag:s9] =	ssyncadd.s32 $0xFFFFE000  }
0xe3: {  	[hbm4b:s29+s3] =	stream.linear.scatter [tilespmem:s23], [sflag:$0xD], $0x2000, $0x38;
	[tilespmem:$0x15900] =	vst v63  }
0xe4: {  	_ =	swait.ge [sflag:s10], $0x2000  }
0xe5: {  	[sflag:s10] =	ssyncset.done $0x0  }
0xe6: {  	s29 =	sadd.s32 $0xFFFFE400, s24;
	[sflag:s10] =	ssyncadd.s32 $0xFFFFE000  }
0xe7: {  	[hbm4b:s29+s3] =	stream.linear.scatter [tilespmem:s28], [sflag:$0xE], $0x2000, $0x38;
	[tilespmem:$0x15900] =	vst v63  }
0xe8: {  	_ =	swait.ge [sflag:s11], $0x2000  }
0xe9: {  	[sflag:s11] =	ssyncset.done $0x0  }
0xea: {  	s29 =	sadd.s32 $0xFFFFE800, s24;
	[sflag:s11] =	ssyncadd.s32 $0xFFFFE000  }
0xeb: {  	[hbm4b:s29+s3] =	stream.linear.scatter [tilespmem:s30], [sflag:$0xF], $0x2000, $0x38;
	[tilespmem:$0x15900] =	vst v63  }
0xec: {  	_ =	swait.ge [sflag:s12], $0x2000  }
0xed: {  	[sflag:s12] =	ssyncset.done $0x0  }
0xee: {  	s29 =	sadd.s32 $0xFFFFEC00, s24;
	[sflag:s12] =	ssyncadd.s32 $0xFFFFE000  }
0xef: {  	[hbm4b:s29+s3] =	stream.linear.scatter [tilespmem:s2], [sflag:$0x10], $0x2000, $0x38;
	[tilespmem:$0x15900] =	vst v63  }
0xf0: {  	_ =	swait.ge [sflag:s13], $0x2000  }
0xf1: {  	[sflag:s13] =	ssyncset.done $0x0  }
0xf2: {  	s29 =	sadd.s32 $0xFFFFF000, s24;
	[sflag:s13] =	ssyncadd.s32 $0xFFFFE000  }
0xf3: {  	[hbm4b:s29+s3] =	stream.linear.scatter [tilespmem:s21], [sflag:$0x11], $0x2000, $0x38;
	[tilespmem:$0x15900] =	vst v63  }
0xf4: {  	_ =	swait.ge [sflag:s14], $0x2000  }
0xf5: {  	[sflag:s14] =	ssyncset.done $0x0  }
0xf6: {  	s29 =	sadd.s32 $0xFFFFF400, s24;
	[sflag:s14] =	ssyncadd.s32 $0xFFFFE000  }
0xf7: {  	[hbm4b:s29+s3] =	stream.linear.scatter [tilespmem:s25], [sflag:$0x12], $0x2000, $0x38;
	[tilespmem:$0x15900] =	vst v63  }
0xf8: {  	_ =	swait.ge [sflag:s15], $0x2000  }
0xf9: {  	[sflag:s15] =	ssyncset.done $0x0  }
0xfa: {  	s29 =	sadd.s32 $0xFFFFF800, s24;
	[sflag:s15] =	ssyncadd.s32 $0xFFFFE000  }
0xfb: {  	[hbm4b:s29+s3] =	stream.linear.scatter [tilespmem:s4], [sflag:$0x13], $0x2000, $0x38;
	[tilespmem:$0x15900] =	vst v63  }
0xfc: {  	_ =	swait.ge [sflag:s5], $0x2000  }
0xfd: {  	[sflag:s5] =	ssyncset.done $0x0  }
0xfe: {  	s29 =	sadd.s32 $0xFFFFFC00, s24;
	[sflag:s5] =	ssyncadd.s32 $0xFFFFE000  }
0xff: {  	[hbm4b:s29+s3] =	stream.linear.scatter [tilespmem:s31], [sflag:$0x14], $0x2000, $0x38;
	[tilespmem:$0x15900] =	vst v63  }
.Ltmp0:
0x100: {  	_ = 	snop;
	(pc) =	sbr.rel @p0 .LBB2_2-.Ltmp0, $4  }
0x101: {  	s29 =	simm.s32 $0xB  }
0x102: {  	_ =	swait.ge [sflag:s29], $0x2000  }
0x103: {  	[sflag:s29] =	ssyncset.done $0x0  }
0x104: {  	s24 =	sadd.s32 $0x2800, s24;
	[sflag:s29] =	ssyncadd.s32 $0xFFFFE000  }
0x105: {  	[hbm4b:s26+s3] =	stream.linear.scatter [tilespmem:s6], [sflag:$0x15], $0x2000, $0x38;
	[tilespmem:$0x15900] =	vst v63  }
0x106: {  	s0 =	simm.s32 $0xC  }
0x107: {  	_ =	swait.ge [sflag:s0], $0x2000  }
0x108: {  	[sflag:s0] =	ssyncset.done $0x0  }
0x109: {  	s21 =	simm.s32 $0xD;
	[sflag:s0] =	ssyncadd.s32 $0xFFFFE000  }
0x10a: {  	_ =	swait.ge [sflag:s21], $0x2000  }
0x10b: {  	[sflag:s21] =	ssyncset.done $0x0  }
0x10c: {  	s22 =	simm.s32 $0xE;
	[sflag:s21] =	ssyncadd.s32 $0xFFFFE000  }
0x10d: {  	_ =	swait.ge [sflag:s22], $0x2000  }
0x10e: {  	[sflag:s22] =	ssyncset.done $0x0  }
0x10f: {  	s23 =	simm.s32 $0xF;
	[sflag:s22] =	ssyncadd.s32 $0xFFFFE000  }
0x110: {  	_ =	swait.ge [sflag:s23], $0x2000  }
0x111: {  	[sflag:s23] =	ssyncset.done $0x0  }
0x112: {  	s24 =	simm.s32 $0x10;
	[sflag:s23] =	ssyncadd.s32 $0xFFFFE000  }
0x113: {  	_ =	swait.ge [sflag:s24], $0x2000  }
0x114: {  	[sflag:s24] =	ssyncset.done $0x0  }
0x115: {  	s25 =	simm.s32 $0x11;
	[sflag:s24] =	ssyncadd.s32 $0xFFFFE000  }
0x116: {  	_ =	swait.ge [sflag:s25], $0x2000  }
0x117: {  	[sflag:s25] =	ssyncset.done $0x0  }
0x118: {  	[sflag:s25] =	ssyncadd.s32 $0xFFFFE000  }
0x119: {  	_ =	swait.ge [sflag:s17], $0x2000  }
0x11a: {  	[sflag:s17] =	ssyncset.done $0x0  }
0x11b: {  	[sflag:s17] =	ssyncadd.s32 $0xFFFFE000  }
0x11c: {  	_ =	swait.ge [sflag:s16], $0x2000  }
0x11d: {  	[sflag:s16] =	ssyncset.done $0x0  }
0x11e: {  	[sflag:s16] =	ssyncadd.s32 $0xFFFFE000  }
0x11f: {  	_ =	swait.ge [sflag:s19], $0x2000  }
0x120: {  	[sflag:s19] =	ssyncset.done $0x0  }
0x121: {  	[sflag:s19] =	ssyncadd.s32 $0xFFFFE000  }
0x122: {  	_ =	swait.ge [sflag:s20], $0x2000  }
0x123: {  	s28 =	simm.s32 $0x7900;
	s2 =	simm.s32 $0x9900;
	s26 =	rddreg [dreg:$0x11]  }
0x124: {  	s4 =	simm.s32 $0xF900;
	s22 =	rddreg [dreg:$0xf];
	s6 =	sadd.s32 $0x1, s26  }
0x125: {  	s8 =	simm.s32 $0x2;
	s9 =	simm.s32 $0x3;
	p0 =	sne.s32 s6, s22  }
.Ltmp1:
0x126: {  	s10 =	simm.s32 $0x4;
	s11 =	simm.s32 $0x5;
	(pc) =	sbr.rel @p0 .LBB2_1-.Ltmp1, $4  }
0x127: {  	s12 =	simm.s32 $0x6;
	s13 =	simm.s32 $0x7;
	s14 =	simm.s32 $0x8  }
0x128: {  	s15 =	simm.s32 $0x9;
	s5 =	simm.s32 $0xA;
	s0 =	simm.s32 $0x1900  }
0x129: {  	s21 =	simm.s32 $0xB900;
	s23 =	simm.s32 $0x3900;
	[sflag:s20] =	ssyncset.done $0x0  }
0x12a: {  	s24 =	simm.s32 $0x5900;
	s25 =	simm.s32 $0xD900;
	[sflag:s20] =	ssyncadd.s32 $0xFFFFE000  }
0x12b: {  	_ =	sfence.sel $0x180000  }
0x12c: {  	[bflag:$0x0] =	sbarrier.arrive $0xFFFF  }
0x12d: {  	_ =	strace $0x90000047  }
0x12e: {  	s0 =	stileid.u32;
	[bflag:$0x2] =	sbarrier.arrive $0xFFFF  }
0x12f: {  	p0 =	sne.s32 s0, $0x0;
	s0 =	rddreg [dreg:$0x3]  }
0x130: {  	s0 =	sadd.s32 @!p0 $0x100000, s0  }
0x131: {  	[sflag:s0] =	ssyncadd.tile.s32 @!p0 $0x1;
	_ =	shalt  }
.Lfunc_end2:
_tile_overlayer_lowered:
.L_overlay_start_2:
0x132: {  	(tag) =	ssettag $0x2  }
0x133: {  	s0 =	rddreg [dreg:$0x0];
	s2 =	stileid.u32  }
0x134: {  	s1 =	rddreg [dreg:$0x1];
	p0 =	sne.s32 s2, $0x0  }
0x135: {  	s3 =	rddreg [dreg:$0x2];
	[bflag:$0x3] =	sbarrier.arrive $0xFFFF;
	s2 =	simm.s32 @!p0 $0x1C16  }
0x136: {  	[timem:s3], [sflag:s2] =	dma.local @!p0 [hbm:s0], s1  }
0x137: {  	s0 =	simm.s32 @!p0 $0x16  }
0x138: {  	_ =	swait.ge @!p0 [sflag:s0], s1  }
0x139: {  	s1 =	ssub.s32 @!p0 $0x0, s1;
	[sflag:s0] =	ssyncset.done @!p0 $0x0  }
0x13a: {  	[sflag:s0] =	ssyncadd.s32 @!p0 s1  }
0x13b: {  	[bflag:$0x3] =	sbarrier.arrive $0xFFFF  }
0x13c: {  	_ =	shalt  }

</sc_bundles>
